<compile_context>
chip_gen: v7x
topology: tpu7x:2x2x1
jax: 0.10.2.dev20260603
libtpu: 0.0.44.dev20260713+nightly
codegen_flags: <defaults>
</compile_context>

<pallas_src>
import functools

import jax
import jax.numpy as jnp
from jax import lax
from jax.experimental import pallas as pl
from jax.experimental.pallas import tpu as pltpu
from jax.experimental.pallas import tpu_sc as plsc

N_NODES = 10000
IN_CH = 128
HID = 64
OUT_CH = 128
N_EDGES = 320000

D = 128

NC = 2
NS = 16
NW = NC * NS
C = 128
K = -(-N_EDGES // (NW * C))
E_PAD = NW * K * C
N_PAD = 10112
ZR = N_PAD // NS
DUMMY_DST = N_NODES

BLK = 1264
GRID = N_PAD // BLK

_mesh = plsc.VectorSubcoreMesh(
    core_axis_name="c", subcore_axis_name="s", num_cores=NC, num_subcores=NS)



DW = 16


@functools.partial(
    pl.kernel,
    out_type=jax.ShapeDtypeStruct((NC, N_PAD, DW), jnp.float32),
    mesh=_mesh,
    scratch_types=[
        pltpu.VMEM((K, C), jnp.int32),
        pltpu.VMEM((C, DW), jnp.float32),
        pltpu.VMEM((C, DW), jnp.float32),
        pltpu.VMEM_SHARED((N_PAD, DW), jnp.float32),
    ],
)
def _sc_degree(dst_hbm, out_hbm, dst_v, ones_v, zbuf, acc):
    cid = lax.axis_index("c")
    sid = lax.axis_index("s")
    wid = sid * NC + cid

    def fill(i, _):
        ones_v[i, :] = jnp.ones((DW,), jnp.float32)
        zbuf[i, :] = jnp.zeros((DW,), jnp.float32)
        return 0
    lax.fori_loop(0, C, fill, 0)

    def zero(r, _):
        pltpu.sync_copy(zbuf, acc.at[pl.ds(sid * ZR + r * C, C)])
        return 0
    lax.fori_loop(0, ZR // C, zero, 0)
    pltpu.sync_copy(zbuf.at[pl.ds(0, ZR % C)],
                    acc.at[pl.ds(sid * ZR + (ZR // C) * C, ZR % C)])

    pltpu.sync_copy(dst_hbm.at[wid], dst_v)
    plsc.subcore_barrier()

    def chunk(j, _):
        pltpu.sync_copy(ones_v, acc.at[dst_v.at[j]], add=True)
        return 0
    lax.fori_loop(0, K, chunk, 0)

    plsc.subcore_barrier()
    pltpu.sync_copy(acc.at[pl.ds(sid * ZR, ZR)],
                    out_hbm.at[cid, pl.ds(sid * ZR, ZR)])


@functools.partial(
    pl.kernel,
    out_type=jax.ShapeDtypeStruct((NC, N_PAD, D), jnp.float32),
    mesh=_mesh,
    scratch_types=[
        pltpu.VMEM((2, 1, C), jnp.int32),
        pltpu.VMEM((2, 1, C), jnp.int32),
        pltpu.VMEM((C, D), jnp.float32),
        pltpu.VMEM((C, D), jnp.float32),
        pltpu.VMEM((C, D), jnp.float32),
        pltpu.VMEM_SHARED((N_PAD, D), jnp.float32),
        pltpu.SemaphoreType.DMA,
        pltpu.SemaphoreType.DMA,
        pltpu.SemaphoreType.DMA,
        pltpu.SemaphoreType.DMA,
    ],
)
def _sc_aggregate(ei_hbm, g_hbm, out_hbm,
                  ei_a, ei_b, rows_a, rows_b, zbuf, acc,
                  semg_a, semg_b, semi_a, semi_b):
    cid = lax.axis_index("c")
    sid = lax.axis_index("s")
    wid = sid * NC + cid

    def z(i, _):
        for t in range(D // 16):
            zbuf[i, pl.ds(16 * t, 16)] = jnp.zeros((16,), jnp.float32)
        return 0
    lax.fori_loop(0, C, z, 0)

    def zero(r, _):
        pltpu.sync_copy(zbuf, acc.at[pl.ds(sid * ZR + r * C, C)])
        return 0
    lax.fori_loop(0, ZR // C, zero, 0)
    pltpu.sync_copy(zbuf.at[pl.ds(0, ZR % C)],
                    acc.at[pl.ds(sid * ZR + (ZR // C) * C, ZR % C)])

    plsc.subcore_barrier()

    assert K % 2 == 1

    pltpu.sync_copy(ei_hbm.at[wid, 0], ei_a)
    pltpu.async_copy(ei_hbm.at[wid, 1], ei_b, semi_b)
    pltpu.async_copy(g_hbm.at[ei_a.at[0, 0]], rows_a, semg_a)

    def chunk(jj, _):
        j = 2 * jj
        pltpu.make_async_copy(g_hbm.at[ei_a.at[0, 0]], rows_a, semg_a).wait()
        pltpu.make_async_copy(ei_hbm.at[wid, j + 1], ei_b, semi_b).wait()
        pltpu.async_copy(g_hbm.at[ei_b.at[0, 0]], rows_b, semg_b)
        pltpu.sync_copy(rows_a, acc.at[ei_a.at[1, 0]], add=True)
        pltpu.async_copy(ei_hbm.at[wid, j + 2], ei_a, semi_a)
        pltpu.make_async_copy(g_hbm.at[ei_b.at[0, 0]], rows_b, semg_b).wait()
        pltpu.make_async_copy(ei_hbm.at[wid, j + 2], ei_a, semi_a).wait()
        pltpu.async_copy(g_hbm.at[ei_a.at[0, 0]], rows_a, semg_a)
        pltpu.sync_copy(rows_b, acc.at[ei_b.at[1, 0]], add=True)
        pltpu.async_copy(ei_hbm.at[wid, jnp.minimum(j + 3, K - 1)], ei_b, semi_b)
        return 0
    lax.fori_loop(0, (K - 1) // 2, chunk, 0)
    pltpu.make_async_copy(g_hbm.at[ei_a.at[0, 0]], rows_a, semg_a).wait()
    pltpu.sync_copy(rows_a, acc.at[ei_a.at[1, 0]], add=True)
    pltpu.make_async_copy(ei_hbm.at[wid, K - 1], ei_b, semi_b).wait()

    plsc.subcore_barrier()
    pltpu.sync_copy(acc.at[pl.ds(sid * ZR, ZR)],
                    out_hbm.at[cid, pl.ds(sid * ZR, ZR)])



def _dinv_of(degp_blk):
    deg = degp_blk[0, :, 0:1] + degp_blk[1, :, 0:1] + 1.0
    return lax.rsqrt(deg)


def _tc_prep_body(degp, x, w1, g1):
    dinv = _dinv_of(degp[...])
    h = jnp.dot(x[...], w1[...], preferred_element_type=jnp.float32)
    g1[...] = dinv * h


def _tc_mid_body(degp, p, g, b, w2, g_next):
    dinv = _dinv_of(degp[...])
    s = p[0] + p[1] + g[...]
    r = jnp.maximum(dinv * s + b[...], 0.0)
    g_next[...] = dinv * jnp.dot(r, w2[...], preferred_element_type=jnp.float32)


def _tc_mid2_body(degp, p, g, b, g_next):
    dinv = _dinv_of(degp[...])
    s = p[0] + p[1] + g[...]
    g_next[...] = dinv * jnp.maximum(dinv * s + b[...], 0.0)


def _tc_final_body(degp, p, g, b, w3, out):
    dinv = _dinv_of(degp[...])
    a = dinv * (p[0] + p[1] + g[...])
    out[...] = jnp.dot(a, w3[...], preferred_element_type=jnp.float32) + b[...]


def _degp_spec():
    return pl.BlockSpec((NC, BLK, DW), lambda i: (0, i, 0))


def _p_spec():
    return pl.BlockSpec((NC, BLK, D), lambda i: (0, i, 0))


def _rows_spec():
    return pl.BlockSpec((BLK, D), lambda i: (i, 0))


def _full_spec(shape):
    return pl.BlockSpec(shape, lambda i: tuple(0 for _ in shape))


def _tc_prep(degp, x, w1):
    return pl.pallas_call(
        _tc_prep_body,
        grid=(GRID,),
        in_specs=[_degp_spec(), _rows_spec(), _full_spec((D, D))],
        out_specs=_rows_spec(),
        out_shape=jax.ShapeDtypeStruct((N_PAD, D), jnp.float32),
    )(degp, x, w1)


def _tc_mid(degp, p, g, b, w2):
    return pl.pallas_call(
        _tc_mid_body,
        grid=(GRID,),
        in_specs=[_degp_spec(), _p_spec(), _rows_spec(),
                  _full_spec((1, D)), _full_spec((D, D))],
        out_specs=_rows_spec(),
        out_shape=jax.ShapeDtypeStruct((N_PAD, D), jnp.float32),
    )(degp, p, g, b, w2)


def _tc_mid2(degp, p, g, b):
    return pl.pallas_call(
        _tc_mid2_body,
        grid=(GRID,),
        in_specs=[_degp_spec(), _p_spec(), _rows_spec(), _full_spec((1, D))],
        out_specs=_rows_spec(),
        out_shape=jax.ShapeDtypeStruct((N_PAD, D), jnp.float32),
    )(degp, p, g, b)


def _tc_final(degp, p, g, b, w3):
    return pl.pallas_call(
        _tc_final_body,
        grid=(GRID,),
        in_specs=[_degp_spec(), _p_spec(), _rows_spec(),
                  _full_spec((1, D)), _full_spec((D, D))],
        out_specs=_rows_spec(),
        out_shape=jax.ShapeDtypeStruct((N_PAD, D), jnp.float32),
    )(degp, p, g, b, w3)



def kernel(x, edge_index, W1, b1, W2, b2, W3, b3):
    src = edge_index[0].astype(jnp.int32)
    dst = edge_index[1].astype(jnp.int32)
    pad = E_PAD - N_EDGES
    dummy_d = DUMMY_DST + jnp.arange(pad, dtype=jnp.int32) % (N_PAD - N_NODES)
    dummy_s = jnp.arange(pad, dtype=jnp.int32) % N_NODES
    src_p = jnp.concatenate([src, dummy_s])
    dst_p = jnp.concatenate([dst, dummy_d])
    src_p = src_p.reshape(NW, K, C)
    dst_p = dst_p.reshape(NW, K, C)

    x_p = jnp.pad(x, ((0, N_PAD - N_NODES), (0, 0)))
    w1 = jnp.pad(W1, ((0, 0), (0, D - HID)))
    w2 = jnp.pad(W2, ((0, D - HID), (0, D - HID)))
    w3 = jnp.pad(W3, ((0, D - HID), (0, 0)))
    b1r = jnp.pad(b1, (0, D - HID)).reshape(1, D)
    b2r = jnp.pad(b2, (0, D - HID)).reshape(1, D)
    b3r = b3.reshape(1, D)

    ei_p = jnp.stack([src_p, dst_p], axis=2).reshape(NW, K, 2, 1, C)

    degp = _sc_degree(dst_p)

    g1 = _tc_prep(degp, x_p, w1)
    p1 = _sc_aggregate(ei_p, g1)
    g2 = _tc_mid(degp, p1, g1, b1r, w2)
    p2 = _sc_aggregate(ei_p, g2)
    g3 = _tc_mid2(degp, p2, g2, b2r)
    p3 = _sc_aggregate(ei_p, g3)
    out = _tc_final(degp, p3, g3, b3r, w3)
    return out[:N_NODES]

# --- scband reference (transcript-rebuilt; emitter-appended) ---
"""Pipeline reference for scband-net-54795192762704 (READ-ONLY COPY).

The authoritative reference and input builder live on the scoring server;
editing this copy changes nothing except your own understanding.
"""

import jax, jax.numpy as jnp
import numpy as np

N_NODES = 10000
IN_CH = 128
HID = IN_CH // 2
OUT_CH = 128
N_EDGES = 320000


def gcn_conv(x, src, dst, W, b, n_nodes):
    # GCNConv with added self-loops and symmetric normalization (PyG semantics)
    loop = jnp.arange(n_nodes, dtype=src.dtype)
    s = jnp.concatenate([src, loop])
    d = jnp.concatenate([dst, loop])
    deg = jnp.zeros((n_nodes,), dtype=x.dtype).at[d].add(1.0)
    dinv = jnp.where(deg > 0, jax.lax.rsqrt(deg), 0.0)
    norm = dinv[s] * dinv[d]
    h = x @ W
    msg = h[s] * norm[:, None]
    out = jnp.zeros((n_nodes, W.shape[1]), dtype=x.dtype).at[d].add(msg)
    return out + b


def setup_inputs(seed: int = 0) -> dict:
    key = jax.random.key(seed)
    k1, k2, k3, k4, k5 = jax.random.split(key, 5)
    x = jax.random.normal(k1, (N_NODES, IN_CH), dtype=jnp.float32)
    edge_index = jax.random.randint(k2, (2, N_EDGES), 0, N_NODES, dtype=jnp.int64)
    glorot = lambda k, fi, fo: jax.random.uniform(k, (fi, fo), dtype=jnp.float32, minval=-1.0, maxval=1.0) * jnp.sqrt(6.0 / (fi + fo))
    W1 = glorot(k3, IN_CH, HID)
    W2 = glorot(k4, HID, HID)
    W3 = glorot(k5, HID, OUT_CH)
    b1 = jnp.zeros((HID,), dtype=jnp.float32)
    b2 = jnp.zeros((HID,), dtype=jnp.float32)
    b3 = jnp.zeros((OUT_CH,), dtype=jnp.float32)
    return {"x": x, "edge_index": edge_index, "W1": W1, "b1": b1, "W2": W2, "b2": b2, "W3": W3, "b3": b3}


def reference(x, edge_index, W1, b1, W2, b2, W3, b3):
    src = edge_index[0]
    dst = edge_index[1]
    h = gcn_conv(x, src, dst, W1, b1, N_NODES)
    h = jax.nn.relu(h)
    # dropout omitted (deterministic reference; identity instead of random mask)
    h = gcn_conv(h, src, dst, W2, b2, N_NODES)
    h = jax.nn.relu(h)
    h = gcn_conv(h, src, dst, W3, b3, N_NODES)
    return h

if __name__ == "__main__":
    import jax
    _d = setup_inputs()
    print(jax.jit(kernel)(*tuple(_d.values())))

</pallas_src>

<mosaic_0001>
#map = affine_map<(d0, d1) -> (0, 0, 0, 0, 0)>
#map1 = affine_map<(d0, d1) -> (0, 0)>
#map2 = affine_map<(d0, d1) -> (0, 0, 0)>
module attributes {stable_mosaic.version = 14 : i64} {
  func.func @_sc_aggregate(%arg0: i32, %arg1: i32, %arg2: memref<32x79x2x1x128xi32, #tpu.memory_space<hbm>>, %arg3: memref<10112x128xf32, #tpu.memory_space<hbm>>, %arg4: memref<2x10112x128xf32, #tpu.memory_space<hbm>>, %arg5: memref<2x1x128xi32, #tpu.memory_space<vmem>>, %arg6: memref<2x1x128xi32, #tpu.memory_space<vmem>>, %arg7: memref<128x128xf32, #tpu.memory_space<vmem>>, %arg8: memref<128x128xf32, #tpu.memory_space<vmem>>, %arg9: memref<128x128xf32, #tpu.memory_space<vmem>>, %arg10: memref<10112x128xf32, #tpu.memory_space<vmem_shared>>, %arg11: memref<!tpu.dma_semaphore, #tpu.memory_space<semaphore_mem>>, %arg12: memref<!tpu.dma_semaphore, #tpu.memory_space<semaphore_mem>>, %arg13: memref<!tpu.dma_semaphore, #tpu.memory_space<semaphore_mem>>, %arg14: memref<!tpu.dma_semaphore, #tpu.memory_space<semaphore_mem>>) attributes {dimension_semantics = [#tpu.dimension_semantics<core_parallel>, #tpu.dimension_semantics<subcore_parallel>], iteration_bounds = array<i64: 2, 16>, scalar_prefetch = 0 : i64, scratch_operands = 10 : i64, tpu.core_type = #tpu.core_type<sc_vector_subcore>, window_params = [{transform_indices = #map}, {transform_indices = #map1}, {transform_indices = #map2}]} {
    %mul3A = arith.constant 2 : i32
    %mul3A_0 = arith.muli %arg1, %mul3A : i32
    %add3A = arith.addi %mul3A_0, %arg0 : i32
    %scan3A = arith.constant 0 : i32
    %scan3A_1 = arith.constant 0 : i32
    %scan3A_2 = arith.constant 128 : i32
    %scan3A_3 = arith.addi %scan3A_1, %scan3A_2 : i32
    %scan3A_4 = arith.constant 1 : i32
    %scan3A_5 = scf.for %scan3A_68 = %scan3A_1 to %scan3A_3 step %scan3A_4 iter_args(%scan3A_69 = %scan3A) -> (i32)  : i32 {
      %broadcast_in_dim3A = arith.constant 0.000000e+00 : f32
      %broadcast_in_dim3A_70 = vector.broadcast %broadcast_in_dim3A : f32 to vector<16xf32>
      %swap3A = arith.index_cast %scan3A_68 : i32 to index
      %swap3A_71 = arith.constant 0 : index
      %swap3A_72 = tpu.vector_load %arg9[%swap3A, %swap3A_71] {strides = array<i32>} : memref<128x128xf32, #tpu.memory_space<vmem>>, vector<1x16xf32>,
      %swap3A_73 = vector.shape_cast %swap3A_72 : vector<1x16xf32> to vector<16xf32>
      %swap3A_74 = vector.shape_cast %broadcast_in_dim3A_70 : vector<16xf32> to vector<1x16xf32>
      tpu.vector_store %arg9[%swap3A, %swap3A_71], %swap3A_74 {strides = array<i32>} : memref<128x128xf32, #tpu.memory_space<vmem>>, vector<1x16xf32>,
      %broadcast_in_dim3A_75 = arith.constant 0.000000e+00 : f32
      %broadcast_in_dim3A_76 = vector.broadcast %broadcast_in_dim3A_75 : f32 to vector<16xf32>
      %swap3A_77 = arith.index_cast %scan3A_68 : i32 to index
      %swap3A_78 = arith.constant 16 : index
      %swap3A_79 = tpu.vector_load %arg9[%swap3A_77, %swap3A_78] {strides = array<i32>} : memref<128x128xf32, #tpu.memory_space<vmem>>, vector<1x16xf32>,
      %swap3A_80 = vector.shape_cast %swap3A_79 : vector<1x16xf32> to vector<16xf32>
      %swap3A_81 = vector.shape_cast %broadcast_in_dim3A_76 : vector<16xf32> to vector<1x16xf32>
      tpu.vector_store %arg9[%swap3A_77, %swap3A_78], %swap3A_81 {strides = array<i32>} : memref<128x128xf32, #tpu.memory_space<vmem>>, vector<1x16xf32>,
      %broadcast_in_dim3A_82 = arith.constant 0.000000e+00 : f32
      %broadcast_in_dim3A_83 = vector.broadcast %broadcast_in_dim3A_82 : f32 to vector<16xf32>
      %swap3A_84 = arith.index_cast %scan3A_68 : i32 to index
      %swap3A_85 = arith.constant 32 : index
      %swap3A_86 = tpu.vector_load %arg9[%swap3A_84, %swap3A_85] {strides = array<i32>} : memref<128x128xf32, #tpu.memory_space<vmem>>, vector<1x16xf32>,
      %swap3A_87 = vector.shape_cast %swap3A_86 : vector<1x16xf32> to vector<16xf32>
      %swap3A_88 = vector.shape_cast %broadcast_in_dim3A_83 : vector<16xf32> to vector<1x16xf32>
      tpu.vector_store %arg9[%swap3A_84, %swap3A_85], %swap3A_88 {strides = array<i32>} : memref<128x128xf32, #tpu.memory_space<vmem>>, vector<1x16xf32>,
      %broadcast_in_dim3A_89 = arith.constant 0.000000e+00 : f32
      %broadcast_in_dim3A_90 = vector.broadcast %broadcast_in_dim3A_89 : f32 to vector<16xf32>
      %swap3A_91 = arith.index_cast %scan3A_68 : i32 to index
      %swap3A_92 = arith.constant 48 : index
      %swap3A_93 = tpu.vector_load %arg9[%swap3A_91, %swap3A_92] {strides = array<i32>} : memref<128x128xf32, #tpu.memory_space<vmem>>, vector<1x16xf32>,
      %swap3A_94 = vector.shape_cast %swap3A_93 : vector<1x16xf32> to vector<16xf32>
      %swap3A_95 = vector.shape_cast %broadcast_in_dim3A_90 : vector<16xf32> to vector<1x16xf32>
      tpu.vector_store %arg9[%swap3A_91, %swap3A_92], %swap3A_95 {strides = array<i32>} : memref<128x128xf32, #tpu.memory_space<vmem>>, vector<1x16xf32>,
      %broadcast_in_dim3A_96 = arith.constant 0.000000e+00 : f32
      %broadcast_in_dim3A_97 = vector.broadcast %broadcast_in_dim3A_96 : f32 to vector<16xf32>
      %swap3A_98 = arith.index_cast %scan3A_68 : i32 to index
      %swap3A_99 = arith.constant 64 : index
      %swap3A_100 = tpu.vector_load %arg9[%swap3A_98, %swap3A_99] {strides = array<i32>} : memref<128x128xf32, #tpu.memory_space<vmem>>, vector<1x16xf32>,
      %swap3A_101 = vector.shape_cast %swap3A_100 : vector<1x16xf32> to vector<16xf32>
      %swap3A_102 = vector.shape_cast %broadcast_in_dim3A_97 : vector<16xf32> to vector<1x16xf32>
      tpu.vector_store %arg9[%swap3A_98, %swap3A_99], %swap3A_102 {strides = array<i32>} : memref<128x128xf32, #tpu.memory_space<vmem>>, vector<1x16xf32>,
      %broadcast_in_dim3A_103 = arith.constant 0.000000e+00 : f32
      %broadcast_in_dim3A_104 = vector.broadcast %broadcast_in_dim3A_103 : f32 to vector<16xf32>
      %swap3A_105 = arith.index_cast %scan3A_68 : i32 to index
      %swap3A_106 = arith.constant 80 : index
      %swap3A_107 = tpu.vector_load %arg9[%swap3A_105, %swap3A_106] {strides = array<i32>} : memref<128x128xf32, #tpu.memory_space<vmem>>, vector<1x16xf32>,
      %swap3A_108 = vector.shape_cast %swap3A_107 : vector<1x16xf32> to vector<16xf32>
      %swap3A_109 = vector.shape_cast %broadcast_in_dim3A_104 : vector<16xf32> to vector<1x16xf32>
      tpu.vector_store %arg9[%swap3A_105, %swap3A_106], %swap3A_109 {strides = array<i32>} : memref<128x128xf32, #tpu.memory_space<vmem>>, vector<1x16xf32>,
      %broadcast_in_dim3A_110 = arith.constant 0.000000e+00 : f32
      %broadcast_in_dim3A_111 = vector.broadcast %broadcast_in_dim3A_110 : f32 to vector<16xf32>
      %swap3A_112 = arith.index_cast %scan3A_68 : i32 to index
      %swap3A_113 = arith.constant 96 : index
      %swap3A_114 = tpu.vector_load %arg9[%swap3A_112, %swap3A_113] {strides = array<i32>} : memref<128x128xf32, #tpu.memory_space<vmem>>, vector<1x16xf32>,
      %swap3A_115 = vector.shape_cast %swap3A_114 : vector<1x16xf32> to vector<16xf32>
      %swap3A_116 = vector.shape_cast %broadcast_in_dim3A_111 : vector<16xf32> to vector<1x16xf32>
      tpu.vector_store %arg9[%swap3A_112, %swap3A_113], %swap3A_116 {strides = array<i32>} : memref<128x128xf32, #tpu.memory_space<vmem>>, vector<1x16xf32>,
      %broadcast_in_dim3A_117 = arith.constant 0.000000e+00 : f32
      %broadcast_in_dim3A_118 = vector.broadcast %broadcast_in_dim3A_117 : f32 to vector<16xf32>
      %swap3A_119 = arith.index_cast %scan3A_68 : i32 to index
      %swap3A_120 = arith.constant 112 : index
      %swap3A_121 = tpu.vector_load %arg9[%swap3A_119, %swap3A_120] {strides = array<i32>} : memref<128x128xf32, #tpu.memory_space<vmem>>, vector<1x16xf32>,
      %swap3A_122 = vector.shape_cast %swap3A_121 : vector<1x16xf32> to vector<16xf32>
      %swap3A_123 = vector.shape_cast %broadcast_in_dim3A_118 : vector<16xf32> to vector<1x16xf32>
      tpu.vector_store %arg9[%swap3A_119, %swap3A_120], %swap3A_123 {strides = array<i32>} : memref<128x128xf32, #tpu.memory_space<vmem>>, vector<1x16xf32>,
      %scan3A_124 = arith.constant 0 : i32
      scf.yield %scan3A_124 : i32
    }
    %scan3A_6 = arith.constant 128 : i32
    %scan3A_7 = arith.constant 0 : i32
    %scan3A_8 = arith.constant 0 : i32
    %scan3A_9 = arith.constant 4 : i32
    %scan3A_10 = arith.addi %scan3A_8, %scan3A_9 : i32
    %scan3A_11 = arith.constant 1 : i32
    %scan3A_12 = scf.for %scan3A_68 = %scan3A_8 to %scan3A_10 step %scan3A_11 iter_args(%scan3A_69 = %scan3A_7) -> (i32)  : i32 {
      %mul3A_70 = arith.constant 632 : i32
      %mul3A_71 = arith.muli %arg1, %mul3A_70 : i32
      %mul3A_72 = arith.constant 128 : i32
      %mul3A_73 = arith.muli %scan3A_68, %mul3A_72 : i32
      %add3A_74 = arith.addi %mul3A_71, %mul3A_73 : i32
      "tpu.region"() ({
        %run_scoped3A_76 = tpu.sem_alloc : memref<!tpu.dma_semaphore, #tpu.memory_space<semaphore_mem>>
        %dma_start3A_77 = arith.constant 0 : i32
        %dma_start3A_78 = tpu.memref_slice %arg10[%add3A_74, %dma_start3A_77] : memref<10112x128xf32, #tpu.memory_space<vmem_shared>> -> memref<128x128xf32, #tpu.memory_space<vmem_shared>>
        %dma_start3A_79 = arith.constant 0 : i32
        %dma_start3A_80 = tpu.memref_slice %arg10[%add3A_74, %dma_start3A_79] : memref<10112x128xf32, #tpu.memory_space<vmem_shared>> -> memref<128x128xf32, #tpu.memory_space<vmem_shared>>
        tpu.enqueue_dma source(%arg9 : memref<128x128xf32, #tpu.memory_space<vmem>>) target(%dma_start3A_80 : memref<128x128xf32, #tpu.memory_space<vmem_shared>>) target_semaphore(%run_scoped3A_76 : memref<!tpu.dma_semaphore, #tpu.memory_space<semaphore_mem>>)
        %dma_wait3A_81 = arith.constant 0 : i32
        %dma_wait3A_82 = tpu.memref_slice %arg10[%add3A_74, %dma_wait3A_81] : memref<10112x128xf32, #tpu.memory_space<vmem_shared>> -> memref<128x128xf32, #tpu.memory_space<vmem_shared>>
        %dma_wait3A_83 = arith.constant 0 : i32
        %dma_wait3A_84 = tpu.memref_slice %arg10[%add3A_74, %dma_wait3A_83] : memref<10112x128xf32, #tpu.memory_space<vmem_shared>> -> memref<128x128xf32, #tpu.memory_space<vmem_shared>>
        tpu.wait_dma2 semaphore(%run_scoped3A_76 : memref<!tpu.dma_semaphore, #tpu.memory_space<semaphore_mem>>) src(%arg9 : memref<128x128xf32, #tpu.memory_space<vmem>>) dst(%dma_wait3A_84 : memref<128x128xf32, #tpu.memory_space<vmem_shared>>)
        tpu.yield
      }) : () -> ()
      %scan3A_75 = arith.constant 0 : i32
      scf.yield %scan3A_75 : i32
    }
    %scan3A_13 = arith.constant 4 : i32
    %mul3A_14 = arith.constant 632 : i32
    %mul3A_15 = arith.muli %arg1, %mul3A_14 : i32
    %add3A_16 = arith.constant 512 : i32
    %add3A_17 = arith.addi %mul3A_15, %add3A_16 : i32
    "tpu.region"() ({
      %run_scoped3A_68 = tpu.sem_alloc : memref<!tpu.dma_semaphore, #tpu.memory_space<semaphore_mem>>
      %dma_start3A_69 = arith.constant 0 : i32
      %dma_start3A_70 = arith.constant 0 : i32
      %dma_start3A_71 = tpu.memref_slice %arg9[%dma_start3A_69, %dma_start3A_70] : memref<128x128xf32, #tpu.memory_space<vmem>> -> memref<120x128xf32, #tpu.memory_space<vmem>>
      %dma_start3A_72 = arith.constant 0 : i32
      %dma_start3A_73 = tpu.memref_slice %arg10[%add3A_17, %dma_start3A_72] : memref<10112x128xf32, #tpu.memory_space<vmem_shared>> -> memref<120x128xf32, #tpu.memory_space<vmem_shared>>
      %dma_start3A_74 = arith.constant 0 : i32
      %dma_start3A_75 = tpu.memref_slice %arg10[%add3A_17, %dma_start3A_74] : memref<10112x128xf32, #tpu.memory_space<vmem_shared>> -> memref<120x128xf32, #tpu.memory_space<vmem_shared>>
      %dma_start3A_76 = arith.constant 0 : i32
      %dma_start3A_77 = arith.constant 0 : i32
      %dma_start3A_78 = tpu.memref_slice %arg9[%dma_start3A_76, %dma_start3A_77] : memref<128x128xf32, #tpu.memory_space<vmem>> -> memref<120x128xf32, #tpu.memory_space<vmem>>
      tpu.enqueue_dma source(%dma_start3A_78 : memref<120x128xf32, #tpu.memory_space<vmem>>) target(%dma_start3A_75 : memref<120x128xf32, #tpu.memory_space<vmem_shared>>) target_semaphore(%run_scoped3A_68 : memref<!tpu.dma_semaphore, #tpu.memory_space<semaphore_mem>>)
      %dma_wait3A_79 = arith.constant 0 : i32
      %dma_wait3A_80 = arith.constant 0 : i32
      %dma_wait3A_81 = tpu.memref_slice %arg9[%dma_wait3A_79, %dma_wait3A_80] : memref<128x128xf32, #tpu.memory_space<vmem>> -> memref<120x128xf32, #tpu.memory_space<vmem>>
      %dma_wait3A_82 = arith.constant 0 : i32
      %dma_wait3A_83 = tpu.memref_slice %arg10[%add3A_17, %dma_wait3A_82] : memref<10112x128xf32, #tpu.memory_space<vmem_shared>> -> memref<120x128xf32, #tpu.memory_space<vmem_shared>>
      %dma_wait3A_84 = arith.constant 0 : i32
      %dma_wait3A_85 = tpu.memref_slice %arg10[%add3A_17, %dma_wait3A_84] : memref<10112x128xf32, #tpu.memory_space<vmem_shared>> -> memref<120x128xf32, #tpu.memory_space<vmem_shared>>
      %dma_wait3A_86 = arith.constant 0 : i32
      %dma_wait3A_87 = arith.constant 0 : i32
      %dma_wait3A_88 = tpu.memref_slice %arg9[%dma_wait3A_86, %dma_wait3A_87] : memref<128x128xf32, #tpu.memory_space<vmem>> -> memref<120x128xf32, #tpu.memory_space<vmem>>
      tpu.wait_dma2 semaphore(%run_scoped3A_68 : memref<!tpu.dma_semaphore, #tpu.memory_space<semaphore_mem>>) src(%dma_wait3A_88 : memref<120x128xf32, #tpu.memory_space<vmem>>) dst(%dma_wait3A_85 : memref<120x128xf32, #tpu.memory_space<vmem_shared>>)
      tpu.yield
    }) : () -> ()
    %barrier3A = arith.constant 0 : index
    tpu.barrier barrier_id(%barrier3A)
    %run_scoped3A = arith.constant 0 : i32
    "tpu.region"() ({
      %run_scoped3A_68 = tpu.sem_alloc : memref<!tpu.dma_semaphore, #tpu.memory_space<semaphore_mem>>
      %dma_start3A_69 = arith.constant 0 : i32
      %dma_start3A_70 = arith.constant 0 : i32
      %dma_start3A_71 = arith.constant 0 : i32
      %dma_start3A_72 = tpu.memref_slice %arg2[%add3A, %run_scoped3A, %dma_start3A_69, %dma_start3A_70, %dma_start3A_71] : memref<32x79x2x1x128xi32, #tpu.memory_space<hbm>> -> memref<1x1x2x1x128xi32, #tpu.memory_space<hbm>>
      %dma_start3A_73 = tpu.memref_squeeze %dma_start3A_72 : memref<1x1x2x1x128xi32, #tpu.memory_space<hbm>> -> memref<2x1x128xi32, #tpu.memory_space<hbm>>
      %dma_start3A_74 = arith.constant 0 : i32
      %dma_start3A_75 = arith.constant 0 : i32
      %dma_start3A_76 = arith.constant 0 : i32
      %dma_start3A_77 = tpu.memref_slice %arg2[%add3A, %run_scoped3A, %dma_start3A_74, %dma_start3A_75, %dma_start3A_76] : memref<32x79x2x1x128xi32, #tpu.memory_space<hbm>> -> memref<1x1x2x1x128xi32, #tpu.memory_space<hbm>>
      %dma_start3A_78 = tpu.memref_squeeze %dma_start3A_77 : memref<1x1x2x1x128xi32, #tpu.memory_space<hbm>> -> memref<2x1x128xi32, #tpu.memory_space<hbm>>
      tpu.enqueue_dma source(%dma_start3A_78 : memref<2x1x128xi32, #tpu.memory_space<hbm>>) target(%arg5 : memref<2x1x128xi32, #tpu.memory_space<vmem>>) target_semaphore(%run_scoped3A_68 : memref<!tpu.dma_semaphore, #tpu.memory_space<semaphore_mem>>)
      %dma_wait3A_79 = arith.constant 0 : i32
      %dma_wait3A_80 = arith.constant 0 : i32
      %dma_wait3A_81 = arith.constant 0 : i32
      %dma_wait3A_82 = tpu.memref_slice %arg2[%add3A, %run_scoped3A, %dma_wait3A_79, %dma_wait3A_80, %dma_wait3A_81] : memref<32x79x2x1x128xi32, #tpu.memory_space<hbm>> -> memref<1x1x2x1x128xi32, #tpu.memory_space<hbm>>
      %dma_wait3A_83 = tpu.memref_squeeze %dma_wait3A_82 : memref<1x1x2x1x128xi32, #tpu.memory_space<hbm>> -> memref<2x1x128xi32, #tpu.memory_space<hbm>>
      %dma_wait3A_84 = arith.constant 0 : i32
      %dma_wait3A_85 = arith.constant 0 : i32
      %dma_wait3A_86 = arith.constant 0 : i32
      %dma_wait3A_87 = tpu.memref_slice %arg2[%add3A, %run_scoped3A, %dma_wait3A_84, %dma_wait3A_85, %dma_wait3A_86] : memref<32x79x2x1x128xi32, #tpu.memory_space<hbm>> -> memref<1x1x2x1x128xi32, #tpu.memory_space<hbm>>
      %dma_wait3A_88 = tpu.memref_squeeze %dma_wait3A_87 : memref<1x1x2x1x128xi32, #tpu.memory_space<hbm>> -> memref<2x1x128xi32, #tpu.memory_space<hbm>>
      tpu.wait_dma2 semaphore(%run_scoped3A_68 : memref<!tpu.dma_semaphore, #tpu.memory_space<semaphore_mem>>) src(%dma_wait3A_88 : memref<2x1x128xi32, #tpu.memory_space<hbm>>) dst(%arg5 : memref<2x1x128xi32, #tpu.memory_space<vmem>>)
      tpu.yield
    }) : () -> ()
    %dma_start3A = arith.constant 1 : i32
    %dma_start3A_18 = arith.constant 0 : i32
    %dma_start3A_19 = arith.constant 0 : i32
    %dma_start3A_20 = arith.constant 0 : i32
    %dma_start3A_21 = tpu.memref_slice %arg2[%add3A, %dma_start3A, %dma_start3A_18, %dma_start3A_19, %dma_start3A_20] : memref<32x79x2x1x128xi32, #tpu.memory_space<hbm>> -> memref<1x1x2x1x128xi32, #tpu.memory_space<hbm>>
    %dma_start3A_22 = tpu.memref_squeeze %dma_start3A_21 : memref<1x1x2x1x128xi32, #tpu.memory_space<hbm>> -> memref<2x1x128xi32, #tpu.memory_space<hbm>>
    %dma_start3A_23 = arith.constant 0 : i32
    %dma_start3A_24 = arith.constant 0 : i32
    %dma_start3A_25 = arith.constant 0 : i32
    %dma_start3A_26 = tpu.memref_slice %arg2[%add3A, %dma_start3A, %dma_start3A_23, %dma_start3A_24, %dma_start3A_25] : memref<32x79x2x1x128xi32, #tpu.memory_space<hbm>> -> memref<1x1x2x1x128xi32, #tpu.memory_space<hbm>>
    %dma_start3A_27 = tpu.memref_squeeze %dma_start3A_26 : memref<1x1x2x1x128xi32, #tpu.memory_space<hbm>> -> memref<2x1x128xi32, #tpu.memory_space<hbm>>
    tpu.enqueue_dma source(%dma_start3A_27 : memref<2x1x128xi32, #tpu.memory_space<hbm>>) target(%arg6 : memref<2x1x128xi32, #tpu.memory_space<vmem>>) target_semaphore(%arg14 : memref<!tpu.dma_semaphore, #tpu.memory_space<semaphore_mem>>)
    %dma_start3A_28 = arith.constant 0 : i32
    %dma_start3A_29 = arith.constant 0 : i32
    %dma_start3A_30 = arith.constant 0 : i32
    %dma_start3A_31 = tpu.memref_slice %arg5[%dma_start3A_28, %dma_start3A_29, %dma_start3A_30] : memref<2x1x128xi32, #tpu.memory_space<vmem>> -> memref<1x1x128xi32, #tpu.memory_space<vmem>>
    %dma_start3A_32 = tpu.memref_squeeze %dma_start3A_31 : memref<1x1x128xi32, #tpu.memory_space<vmem>> -> memref<128xi32, #tpu.memory_space<vmem>>
    %dma_start3A_33 = arith.constant 0 : i32
    %dma_start3A_34 = arith.constant 0 : i32
    %dma_start3A_35 = tpu.memref_slice %arg3[%dma_start3A_33, %dma_start3A_34] : memref<10112x128xf32, #tpu.memory_space<hbm>> -> memref<10112x128xf32, #tpu.memory_space<hbm>>
    tpu.enqueue_indirect_dma source(%dma_start3A_35 : memref<10112x128xf32, #tpu.memory_space<hbm>>) target(%arg7 : memref<128x128xf32, #tpu.memory_space<vmem>>) offsets(%dma_start3A_32 : memref<128xi32, #tpu.memory_space<vmem>>) semaphore(%arg11 : memref<!tpu.dma_semaphore, #tpu.memory_space<semaphore_mem>>)
    %scan3A_36 = arith.constant 0 : i32
    %scan3A_37 = arith.constant 0 : i32
    %scan3A_38 = arith.constant 39 : i32
    %scan3A_39 = arith.addi %scan3A_37, %scan3A_38 : i32
    %scan3A_40 = arith.constant 1 : i32
    %scan3A_41 = scf.for %scan3A_68 = %scan3A_37 to %scan3A_39 step %scan3A_40 iter_args(%scan3A_69 = %scan3A_36) -> (i32)  : i32 {
      %mul3A_70 = arith.constant 2 : i32
      %mul3A_71 = arith.muli %mul3A_70, %scan3A_68 : i32
      %dma_wait3A_72 = arith.constant 0 : i32
      %dma_wait3A_73 = arith.constant 0 : i32
      %dma_wait3A_74 = arith.constant 0 : i32
      %dma_wait3A_75 = tpu.memref_slice %arg5[%dma_wait3A_72, %dma_wait3A_73, %dma_wait3A_74] : memref<2x1x128xi32, #tpu.memory_space<vmem>> -> memref<1x1x128xi32, #tpu.memory_space<vmem>>
      %dma_wait3A_76 = tpu.memref_squeeze %dma_wait3A_75 : memref<1x1x128xi32, #tpu.memory_space<vmem>> -> memref<128xi32, #tpu.memory_space<vmem>>
      %dma_wait3A_77 = arith.constant 0 : i32
      %dma_wait3A_78 = arith.constant 0 : i32
      %dma_wait3A_79 = tpu.memref_slice %arg3[%dma_wait3A_77, %dma_wait3A_78] : memref<10112x128xf32, #tpu.memory_space<hbm>> -> memref<10112x128xf32, #tpu.memory_space<hbm>>
      tpu.wait_indirect_dma semaphore(%arg11 : memref<!tpu.dma_semaphore, #tpu.memory_space<semaphore_mem>>) src(%dma_wait3A_79 : memref<10112x128xf32, #tpu.memory_space<hbm>>) dst(%arg7 : memref<128x128xf32, #tpu.memory_space<vmem>>)
      %add3A_80 = arith.constant 1 : i32
      %add3A_81 = arith.addi %mul3A_71, %add3A_80 : i32
      %dma_wait3A_82 = arith.constant 0 : i32
      %dma_wait3A_83 = arith.constant 0 : i32
      %dma_wait3A_84 = arith.constant 0 : i32
      %dma_wait3A_85 = tpu.memref_slice %arg2[%add3A, %add3A_81, %dma_wait3A_82, %dma_wait3A_83, %dma_wait3A_84] : memref<32x79x2x1x128xi32, #tpu.memory_space<hbm>> -> memref<1x1x2x1x128xi32, #tpu.memory_space<hbm>>
      %dma_wait3A_86 = tpu.memref_squeeze %dma_wait3A_85 : memref<1x1x2x1x128xi32, #tpu.memory_space<hbm>> -> memref<2x1x128xi32, #tpu.memory_space<hbm>>
      %dma_wait3A_87 = arith.constant 0 : i32
      %dma_wait3A_88 = arith.constant 0 : i32
      %dma_wait3A_89 = arith.constant 0 : i32
      %dma_wait3A_90 = tpu.memref_slice %arg2[%add3A, %add3A_81, %dma_wait3A_87, %dma_wait3A_88, %dma_wait3A_89] : memref<32x79x2x1x128xi32, #tpu.memory_space<hbm>> -> memref<1x1x2x1x128xi32, #tpu.memory_space<hbm>>
      %dma_wait3A_91 = tpu.memref_squeeze %dma_wait3A_90 : memref<1x1x2x1x128xi32, #tpu.memory_space<hbm>> -> memref<2x1x128xi32, #tpu.memory_space<hbm>>
      tpu.wait_dma2 semaphore(%arg14 : memref<!tpu.dma_semaphore, #tpu.memory_space<semaphore_mem>>) src(%dma_wait3A_91 : memref<2x1x128xi32, #tpu.memory_space<hbm>>) dst(%arg6 : memref<2x1x128xi32, #tpu.memory_space<vmem>>)
      %dma_start3A_92 = arith.constant 0 : i32
      %dma_start3A_93 = arith.constant 0 : i32
      %dma_start3A_94 = arith.constant 0 : i32
      %dma_start3A_95 = tpu.memref_slice %arg6[%dma_start3A_92, %dma_start3A_93, %dma_start3A_94] : memref<2x1x128xi32, #tpu.memory_space<vmem>> -> memref<1x1x128xi32, #tpu.memory_space<vmem>>
      %dma_start3A_96 = tpu.memref_squeeze %dma_start3A_95 : memref<1x1x128xi32, #tpu.memory_space<vmem>> -> memref<128xi32, #tpu.memory_space<vmem>>
      %dma_start3A_97 = arith.constant 0 : i32
      %dma_start3A_98 = arith.constant 0 : i32
      %dma_start3A_99 = tpu.memref_slice %arg3[%dma_start3A_97, %dma_start3A_98] : memref<10112x128xf32, #tpu.memory_space<hbm>> -> memref<10112x128xf32, #tpu.memory_space<hbm>>
      tpu.enqueue_indirect_dma source(%dma_start3A_99 : memref<10112x128xf32, #tpu.memory_space<hbm>>) target(%arg8 : memref<128x128xf32, #tpu.memory_space<vmem>>) offsets(%dma_start3A_96 : memref<128xi32, #tpu.memory_space<vmem>>) semaphore(%arg12 : memref<!tpu.dma_semaphore, #tpu.memory_space<semaphore_mem>>)
      %run_scoped3A_100 = arith.constant 1 : i32
      %run_scoped3A_101 = arith.constant 0 : i32
      "tpu.region"() ({
        %run_scoped3A_158 = tpu.sem_alloc : memref<!tpu.dma_semaphore, #tpu.memory_space<semaphore_mem>>
        %dma_start3A_159 = arith.constant 0 : i32
        %dma_start3A_160 = tpu.memref_slice %arg5[%run_scoped3A_100, %run_scoped3A_101, %dma_start3A_159] : memref<2x1x128xi32, #tpu.memory_space<vmem>> -> memref<1x1x128xi32, #tpu.memory_space<vmem>>
        %dma_start3A_161 = tpu.memref_squeeze %dma_start3A_160 : memref<1x1x128xi32, #tpu.memory_space<vmem>> -> memref<128xi32, #tpu.memory_space<vmem>>
        %dma_start3A_162 = arith.constant 0 : i32
        %dma_start3A_163 = arith.constant 0 : i32
        %dma_start3A_164 = tpu.memref_slice %arg10[%dma_start3A_162, %dma_start3A_163] : memref<10112x128xf32, #tpu.memory_space<vmem_shared>> -> memref<10112x128xf32, #tpu.memory_space<vmem_shared>>
        tpu.enqueue_indirect_dma source(%arg7 : memref<128x128xf32, #tpu.memory_space<vmem>>) target(%dma_start3A_164 : memref<10112x128xf32, #tpu.memory_space<vmem_shared>>) offsets(%dma_start3A_161 : memref<128xi32, #tpu.memory_space<vmem>>) semaphore(%run_scoped3A_158 : memref<!tpu.dma_semaphore, #tpu.memory_space<semaphore_mem>>) {add = true}
        %dma_wait3A_165 = arith.constant 0 : i32
        %dma_wait3A_166 = tpu.memref_slice %arg5[%run_scoped3A_100, %run_scoped3A_101, %dma_wait3A_165] : memref<2x1x128xi32, #tpu.memory_space<vmem>> -> memref<1x1x128xi32, #tpu.memory_space<vmem>>
        %dma_wait3A_167 = tpu.memref_squeeze %dma_wait3A_166 : memref<1x1x128xi32, #tpu.memory_space<vmem>> -> memref<128xi32, #tpu.memory_space<vmem>>
        %dma_wait3A_168 = arith.constant 0 : i32
        %dma_wait3A_169 = arith.constant 0 : i32
        %dma_wait3A_170 = tpu.memref_slice %arg10[%dma_wait3A_168, %dma_wait3A_169] : memref<10112x128xf32, #tpu.memory_space<vmem_shared>> -> memref<10112x128xf32, #tpu.memory_space<vmem_shared>>
        tpu.wait_indirect_dma semaphore(%run_scoped3A_158 : memref<!tpu.dma_semaphore, #tpu.memory_space<semaphore_mem>>) src(%arg7 : memref<128x128xf32, #tpu.memory_space<vmem>>) dst(%dma_wait3A_170 : memref<10112x128xf32, #tpu.memory_space<vmem_shared>>)
        tpu.yield
      }) : () -> ()
      %add3A_102 = arith.constant 2 : i32
      %add3A_103 = arith.addi %mul3A_71, %add3A_102 : i32
      %dma_start3A_104 = arith.constant 0 : i32
      %dma_start3A_105 = arith.constant 0 : i32
      %dma_start3A_106 = arith.constant 0 : i32
      %dma_start3A_107 = tpu.memref_slice %arg2[%add3A, %add3A_103, %dma_start3A_104, %dma_start3A_105, %dma_start3A_106] : memref<32x79x2x1x128xi32, #tpu.memory_space<hbm>> -> memref<1x1x2x1x128xi32, #tpu.memory_space<hbm>>
      %dma_start3A_108 = tpu.memref_squeeze %dma_start3A_107 : memref<1x1x2x1x128xi32, #tpu.memory_space<hbm>> -> memref<2x1x128xi32, #tpu.memory_space<hbm>>
      %dma_start3A_109 = arith.constant 0 : i32
      %dma_start3A_110 = arith.constant 0 : i32
      %dma_start3A_111 = arith.constant 0 : i32
      %dma_start3A_112 = tpu.memref_slice %arg2[%add3A, %add3A_103, %dma_start3A_109, %dma_start3A_110, %dma_start3A_111] : memref<32x79x2x1x128xi32, #tpu.memory_space<hbm>> -> memref<1x1x2x1x128xi32, #tpu.memory_space<hbm>>
      %dma_start3A_113 = tpu.memref_squeeze %dma_start3A_112 : memref<1x1x2x1x128xi32, #tpu.memory_space<hbm>> -> memref<2x1x128xi32, #tpu.memory_space<hbm>>
      tpu.enqueue_dma source(%dma_start3A_113 : memref<2x1x128xi32, #tpu.memory_space<hbm>>) target(%arg5 : memref<2x1x128xi32, #tpu.memory_space<vmem>>) target_semaphore(%arg13 : memref<!tpu.dma_semaphore, #tpu.memory_space<semaphore_mem>>)
      %dma_wait3A_114 = arith.constant 0 : i32
      %dma_wait3A_115 = arith.constant 0 : i32
      %dma_wait3A_116 = arith.constant 0 : i32
      %dma_wait3A_117 = tpu.memref_slice %arg6[%dma_wait3A_114, %dma_wait3A_115, %dma_wait3A_116] : memref<2x1x128xi32, #tpu.memory_space<vmem>> -> memref<1x1x128xi32, #tpu.memory_space<vmem>>
      %dma_wait3A_118 = tpu.memref_squeeze %dma_wait3A_117 : memref<1x1x128xi32, #tpu.memory_space<vmem>> -> memref<128xi32, #tpu.memory_space<vmem>>
      %dma_wait3A_119 = arith.constant 0 : i32
      %dma_wait3A_120 = arith.constant 0 : i32
      %dma_wait3A_121 = tpu.memref_slice %arg3[%dma_wait3A_119, %dma_wait3A_120] : memref<10112x128xf32, #tpu.memory_space<hbm>> -> memref<10112x128xf32, #tpu.memory_space<hbm>>
      tpu.wait_indirect_dma semaphore(%arg12 : memref<!tpu.dma_semaphore, #tpu.memory_space<semaphore_mem>>) src(%dma_wait3A_121 : memref<10112x128xf32, #tpu.memory_space<hbm>>) dst(%arg8 : memref<128x128xf32, #tpu.memory_space<vmem>>)
      %add3A_122 = arith.constant 2 : i32
      %add3A_123 = arith.addi %mul3A_71, %add3A_122 : i32
      %dma_wait3A_124 = arith.constant 0 : i32
      %dma_wait3A_125 = arith.constant 0 : i32
      %dma_wait3A_126 = arith.constant 0 : i32
      %dma_wait3A_127 = tpu.memref_slice %arg2[%add3A, %add3A_123, %dma_wait3A_124, %dma_wait3A_125, %dma_wait3A_126] : memref<32x79x2x1x128xi32, #tpu.memory_space<hbm>> -> memref<1x1x2x1x128xi32, #tpu.memory_space<hbm>>
      %dma_wait3A_128 = tpu.memref_squeeze %dma_wait3A_127 : memref<1x1x2x1x128xi32, #tpu.memory_space<hbm>> -> memref<2x1x128xi32, #tpu.memory_space<hbm>>
      %dma_wait3A_129 = arith.constant 0 : i32
      %dma_wait3A_130 = arith.constant 0 : i32
      %dma_wait3A_131 = arith.constant 0 : i32
      %dma_wait3A_132 = tpu.memref_slice %arg2[%add3A, %add3A_123, %dma_wait3A_129, %dma_wait3A_130, %dma_wait3A_131] : memref<32x79x2x1x128xi32, #tpu.memory_space<hbm>> -> memref<1x1x2x1x128xi32, #tpu.memory_space<hbm>>
      %dma_wait3A_133 = tpu.memref_squeeze %dma_wait3A_132 : memref<1x1x2x1x128xi32, #tpu.memory_space<hbm>> -> memref<2x1x128xi32, #tpu.memory_space<hbm>>
      tpu.wait_dma2 semaphore(%arg13 : memref<!tpu.dma_semaphore, #tpu.memory_space<semaphore_mem>>) src(%dma_wait3A_133 : memref<2x1x128xi32, #tpu.memory_space<hbm>>) dst(%arg5 : memref<2x1x128xi32, #tpu.memory_space<vmem>>)
      %dma_start3A_134 = arith.constant 0 : i32
      %dma_start3A_135 = arith.constant 0 : i32
      %dma_start3A_136 = arith.constant 0 : i32
      %dma_start3A_137 = tpu.memref_slice %arg5[%dma_start3A_134, %dma_start3A_135, %dma_start3A_136] : memref<2x1x128xi32, #tpu.memory_space<vmem>> -> memref<1x1x128xi32, #tpu.memory_space<vmem>>
      %dma_start3A_138 = tpu.memref_squeeze %dma_start3A_137 : memref<1x1x128xi32, #tpu.memory_space<vmem>> -> memref<128xi32, #tpu.memory_space<vmem>>
      %dma_start3A_139 = arith.constant 0 : i32
      %dma_start3A_140 = arith.constant 0 : i32
      %dma_start3A_141 = tpu.memref_slice %arg3[%dma_start3A_139, %dma_start3A_140] : memref<10112x128xf32, #tpu.memory_space<hbm>> -> memref<10112x128xf32, #tpu.memory_space<hbm>>
      tpu.enqueue_indirect_dma source(%dma_start3A_141 : memref<10112x128xf32, #tpu.memory_space<hbm>>) target(%arg7 : memref<128x128xf32, #tpu.memory_space<vmem>>) offsets(%dma_start3A_138 : memref<128xi32, #tpu.memory_space<vmem>>) semaphore(%arg11 : memref<!tpu.dma_semaphore, #tpu.memory_space<semaphore_mem>>)
      %run_scoped3A_142 = arith.constant 1 : i32
      %run_scoped3A_143 = arith.constant 0 : i32
      "tpu.region"() ({
        %run_scoped3A_158 = tpu.sem_alloc : memref<!tpu.dma_semaphore, #tpu.memory_space<semaphore_mem>>
        %dma_start3A_159 = arith.constant 0 : i32
        %dma_start3A_160 = tpu.memref_slice %arg6[%run_scoped3A_142, %run_scoped3A_143, %dma_start3A_159] : memref<2x1x128xi32, #tpu.memory_space<vmem>> -> memref<1x1x128xi32, #tpu.memory_space<vmem>>
        %dma_start3A_161 = tpu.memref_squeeze %dma_start3A_160 : memref<1x1x128xi32, #tpu.memory_space<vmem>> -> memref<128xi32, #tpu.memory_space<vmem>>
        %dma_start3A_162 = arith.constant 0 : i32
        %dma_start3A_163 = arith.constant 0 : i32
        %dma_start3A_164 = tpu.memref_slice %arg10[%dma_start3A_162, %dma_start3A_163] : memref<10112x128xf32, #tpu.memory_space<vmem_shared>> -> memref<10112x128xf32, #tpu.memory_space<vmem_shared>>
        tpu.enqueue_indirect_dma source(%arg8 : memref<128x128xf32, #tpu.memory_space<vmem>>) target(%dma_start3A_164 : memref<10112x128xf32, #tpu.memory_space<vmem_shared>>) offsets(%dma_start3A_161 : memref<128xi32, #tpu.memory_space<vmem>>) semaphore(%run_scoped3A_158 : memref<!tpu.dma_semaphore, #tpu.memory_space<semaphore_mem>>) {add = true}
        %dma_wait3A_165 = arith.constant 0 : i32
        %dma_wait3A_166 = tpu.memref_slice %arg6[%run_scoped3A_142, %run_scoped3A_143, %dma_wait3A_165] : memref<2x1x128xi32, #tpu.memory_space<vmem>> -> memref<1x1x128xi32, #tpu.memory_space<vmem>>
        %dma_wait3A_167 = tpu.memref_squeeze %dma_wait3A_166 : memref<1x1x128xi32, #tpu.memory_space<vmem>> -> memref<128xi32, #tpu.memory_space<vmem>>
        %dma_wait3A_168 = arith.constant 0 : i32
        %dma_wait3A_169 = arith.constant 0 : i32
        %dma_wait3A_170 = tpu.memref_slice %arg10[%dma_wait3A_168, %dma_wait3A_169] : memref<10112x128xf32, #tpu.memory_space<vmem_shared>> -> memref<10112x128xf32, #tpu.memory_space<vmem_shared>>
        tpu.wait_indirect_dma semaphore(%run_scoped3A_158 : memref<!tpu.dma_semaphore, #tpu.memory_space<semaphore_mem>>) src(%arg8 : memref<128x128xf32, #tpu.memory_space<vmem>>) dst(%dma_wait3A_170 : memref<10112x128xf32, #tpu.memory_space<vmem_shared>>)
        tpu.yield
      }) : () -> ()
      %add3A_144 = arith.constant 3 : i32
      %add3A_145 = arith.addi %mul3A_71, %add3A_144 : i32
      %min3A = arith.constant 78 : i32
      %min3A_146 = arith.minsi %add3A_145, %min3A : i32
      %dma_start3A_147 = arith.constant 0 : i32
      %dma_start3A_148 = arith.constant 0 : i32
      %dma_start3A_149 = arith.constant 0 : i32
      %dma_start3A_150 = tpu.memref_slice %arg2[%add3A, %min3A_146, %dma_start3A_147, %dma_start3A_148, %dma_start3A_149] : memref<32x79x2x1x128xi32, #tpu.memory_space<hbm>> -> memref<1x1x2x1x128xi32, #tpu.memory_space<hbm>>
      %dma_start3A_151 = tpu.memref_squeeze %dma_start3A_150 : memref<1x1x2x1x128xi32, #tpu.memory_space<hbm>> -> memref<2x1x128xi32, #tpu.memory_space<hbm>>
      %dma_start3A_152 = arith.constant 0 : i32
      %dma_start3A_153 = arith.constant 0 : i32
      %dma_start3A_154 = arith.constant 0 : i32
      %dma_start3A_155 = tpu.memref_slice %arg2[%add3A, %min3A_146, %dma_start3A_152, %dma_start3A_153, %dma_start3A_154] : memref<32x79x2x1x128xi32, #tpu.memory_space<hbm>> -> memref<1x1x2x1x128xi32, #tpu.memory_space<hbm>>
      %dma_start3A_156 = tpu.memref_squeeze %dma_start3A_155 : memref<1x1x2x1x128xi32, #tpu.memory_space<hbm>> -> memref<2x1x128xi32, #tpu.memory_space<hbm>>
      tpu.enqueue_dma source(%dma_start3A_156 : memref<2x1x128xi32, #tpu.memory_space<hbm>>) target(%arg6 : memref<2x1x128xi32, #tpu.memory_space<vmem>>) target_semaphore(%arg14 : memref<!tpu.dma_semaphore, #tpu.memory_space<semaphore_mem>>)
      %scan3A_157 = arith.constant 0 : i32
      scf.yield %scan3A_157 : i32
    }
    %scan3A_42 = arith.constant 39 : i32
    %dma_wait3A = arith.constant 0 : i32
    %dma_wait3A_43 = arith.constant 0 : i32
    %dma_wait3A_44 = arith.constant 0 : i32
    %dma_wait3A_45 = tpu.memref_slice %arg5[%dma_wait3A, %dma_wait3A_43, %dma_wait3A_44] : memref<2x1x128xi32, #tpu.memory_space<vmem>> -> memref<1x1x128xi32, #tpu.memory_space<vmem>>
    %dma_wait3A_46 = tpu.memref_squeeze %dma_wait3A_45 : memref<1x1x128xi32, #tpu.memory_space<vmem>> -> memref<128xi32, #tpu.memory_space<vmem>>
    %dma_wait3A_47 = arith.constant 0 : i32
    %dma_wait3A_48 = arith.constant 0 : i32
    %dma_wait3A_49 = tpu.memref_slice %arg3[%dma_wait3A_47, %dma_wait3A_48] : memref<10112x128xf32, #tpu.memory_space<hbm>> -> memref<10112x128xf32, #tpu.memory_space<hbm>>
    tpu.wait_indirect_dma semaphore(%arg11 : memref<!tpu.dma_semaphore, #tpu.memory_space<semaphore_mem>>) src(%dma_wait3A_49 : memref<10112x128xf32, #tpu.memory_space<hbm>>) dst(%arg7 : memref<128x128xf32, #tpu.memory_space<vmem>>)
    %run_scoped3A_50 = arith.constant 1 : i32
    %run_scoped3A_51 = arith.constant 0 : i32
    "tpu.region"() ({
      %run_scoped3A_68 = tpu.sem_alloc : memref<!tpu.dma_semaphore, #tpu.memory_space<semaphore_mem>>
      %dma_start3A_69 = arith.constant 0 : i32
      %dma_start3A_70 = tpu.memref_slice %arg5[%run_scoped3A_50, %run_scoped3A_51, %dma_start3A_69] : memref<2x1x128xi32, #tpu.memory_space<vmem>> -> memref<1x1x128xi32, #tpu.memory_space<vmem>>
      %dma_start3A_71 = tpu.memref_squeeze %dma_start3A_70 : memref<1x1x128xi32, #tpu.memory_space<vmem>> -> memref<128xi32, #tpu.memory_space<vmem>>
      %dma_start3A_72 = arith.constant 0 : i32
      %dma_start3A_73 = arith.constant 0 : i32
      %dma_start3A_74 = tpu.memref_slice %arg10[%dma_start3A_72, %dma_start3A_73] : memref<10112x128xf32, #tpu.memory_space<vmem_shared>> -> memref<10112x128xf32, #tpu.memory_space<vmem_shared>>
      tpu.enqueue_indirect_dma source(%arg7 : memref<128x128xf32, #tpu.memory_space<vmem>>) target(%dma_start3A_74 : memref<10112x128xf32, #tpu.memory_space<vmem_shared>>) offsets(%dma_start3A_71 : memref<128xi32, #tpu.memory_space<vmem>>) semaphore(%run_scoped3A_68 : memref<!tpu.dma_semaphore, #tpu.memory_space<semaphore_mem>>) {add = true}
      %dma_wait3A_75 = arith.constant 0 : i32
      %dma_wait3A_76 = tpu.memref_slice %arg5[%run_scoped3A_50, %run_scoped3A_51, %dma_wait3A_75] : memref<2x1x128xi32, #tpu.memory_space<vmem>> -> memref<1x1x128xi32, #tpu.memory_space<vmem>>
      %dma_wait3A_77 = tpu.memref_squeeze %dma_wait3A_76 : memref<1x1x128xi32, #tpu.memory_space<vmem>> -> memref<128xi32, #tpu.memory_space<vmem>>
      %dma_wait3A_78 = arith.constant 0 : i32
      %dma_wait3A_79 = arith.constant 0 : i32
      %dma_wait3A_80 = tpu.memref_slice %arg10[%dma_wait3A_78, %dma_wait3A_79] : memref<10112x128xf32, #tpu.memory_space<vmem_shared>> -> memref<10112x128xf32, #tpu.memory_space<vmem_shared>>
      tpu.wait_indirect_dma semaphore(%run_scoped3A_68 : memref<!tpu.dma_semaphore, #tpu.memory_space<semaphore_mem>>) src(%arg7 : memref<128x128xf32, #tpu.memory_space<vmem>>) dst(%dma_wait3A_80 : memref<10112x128xf32, #tpu.memory_space<vmem_shared>>)
      tpu.yield
    }) : () -> ()
    %dma_wait3A_52 = arith.constant 78 : i32
    %dma_wait3A_53 = arith.constant 0 : i32
    %dma_wait3A_54 = arith.constant 0 : i32
    %dma_wait3A_55 = arith.constant 0 : i32
    %dma_wait3A_56 = tpu.memref_slice %arg2[%add3A, %dma_wait3A_52, %dma_wait3A_53, %dma_wait3A_54, %dma_wait3A_55] : memref<32x79x2x1x128xi32, #tpu.memory_space<hbm>> -> memref<1x1x2x1x128xi32, #tpu.memory_space<hbm>>
    %dma_wait3A_57 = tpu.memref_squeeze %dma_wait3A_56 : memref<1x1x2x1x128xi32, #tpu.memory_space<hbm>> -> memref<2x1x128xi32, #tpu.memory_space<hbm>>
    %dma_wait3A_58 = arith.constant 0 : i32
    %dma_wait3A_59 = arith.constant 0 : i32
    %dma_wait3A_60 = arith.constant 0 : i32
    %dma_wait3A_61 = tpu.memref_slice %arg2[%add3A, %dma_wait3A_52, %dma_wait3A_58, %dma_wait3A_59, %dma_wait3A_60] : memref<32x79x2x1x128xi32, #tpu.memory_space<hbm>> -> memref<1x1x2x1x128xi32, #tpu.memory_space<hbm>>
    %dma_wait3A_62 = tpu.memref_squeeze %dma_wait3A_61 : memref<1x1x2x1x128xi32, #tpu.memory_space<hbm>> -> memref<2x1x128xi32, #tpu.memory_space<hbm>>
    tpu.wait_dma2 semaphore(%arg14 : memref<!tpu.dma_semaphore, #tpu.memory_space<semaphore_mem>>) src(%dma_wait3A_62 : memref<2x1x128xi32, #tpu.memory_space<hbm>>) dst(%arg6 : memref<2x1x128xi32, #tpu.memory_space<vmem>>)
    %barrier3A_63 = arith.constant 0 : index
    tpu.barrier barrier_id(%barrier3A_63)
    %mul3A_64 = arith.constant 632 : i32
    %mul3A_65 = arith.muli %arg1, %mul3A_64 : i32
    %mul3A_66 = arith.constant 632 : i32
    %mul3A_67 = arith.muli %arg1, %mul3A_66 : i32
    "tpu.region"() ({
      %run_scoped3A_68 = tpu.sem_alloc : memref<!tpu.dma_semaphore, #tpu.memory_space<semaphore_mem>>
      %dma_start3A_69 = arith.constant 0 : i32
      %dma_start3A_70 = tpu.memref_slice %arg4[%arg0, %mul3A_67, %dma_start3A_69] : memref<2x10112x128xf32, #tpu.memory_space<hbm>> -> memref<1x632x128xf32, #tpu.memory_space<hbm>>
      %dma_start3A_71 = tpu.memref_squeeze %dma_start3A_70 : memref<1x632x128xf32, #tpu.memory_space<hbm>> -> memref<632x128xf32, #tpu.memory_space<hbm>>
      %dma_start3A_72 = arith.constant 0 : i32
      %dma_start3A_73 = tpu.memref_slice %arg10[%mul3A_65, %dma_start3A_72] : memref<10112x128xf32, #tpu.memory_space<vmem_shared>> -> memref<632x128xf32, #tpu.memory_space<vmem_shared>>
      tpu.enqueue_dma source(%dma_start3A_73 : memref<632x128xf32, #tpu.memory_space<vmem_shared>>) target(%dma_start3A_71 : memref<632x128xf32, #tpu.memory_space<hbm>>) target_semaphore(%run_scoped3A_68 : memref<!tpu.dma_semaphore, #tpu.memory_space<semaphore_mem>>)
      %dma_wait3A_74 = arith.constant 0 : i32
      %dma_wait3A_75 = tpu.memref_slice %arg4[%arg0, %mul3A_67, %dma_wait3A_74] : memref<2x10112x128xf32, #tpu.memory_space<hbm>> -> memref<1x632x128xf32, #tpu.memory_space<hbm>>
      %dma_wait3A_76 = tpu.memref_squeeze %dma_wait3A_75 : memref<1x632x128xf32, #tpu.memory_space<hbm>> -> memref<632x128xf32, #tpu.memory_space<hbm>>
      %dma_wait3A_77 = arith.constant 0 : i32
      %dma_wait3A_78 = tpu.memref_slice %arg10[%mul3A_65, %dma_wait3A_77] : memref<10112x128xf32, #tpu.memory_space<vmem_shared>> -> memref<632x128xf32, #tpu.memory_space<vmem_shared>>
      tpu.wait_dma2 semaphore(%run_scoped3A_68 : memref<!tpu.dma_semaphore, #tpu.memory_space<semaphore_mem>>) src(%dma_wait3A_78 : memref<632x128xf32, #tpu.memory_space<vmem_shared>>) dst(%dma_wait3A_76 : memref<632x128xf32, #tpu.memory_space<hbm>>)
      tpu.yield
    }) : () -> ()
    return
  }
}

#map = affine_map<(d0, d1) -> (0, 0, 0, 0, 0)>
#map1 = affine_map<(d0, d1) -> (0, 0)>
#map2 = affine_map<(d0, d1) -> (0, 0, 0)>
module attributes {stable_mosaic.version = 14 : i64} {
  func.func @_sc_aggregate(%arg0: i32, %arg1: i32, %arg2: memref<32x79x2x1x128xi32, #tpu.memory_space<hbm>>, %arg3: memref<10112x128xf32, #tpu.memory_space<hbm>>, %arg4: memref<2x10112x128xf32, #tpu.memory_space<hbm>>, %arg5: memref<2x1x128xi32, #tpu.memory_space<vmem>>, %arg6: memref<2x1x128xi32, #tpu.memory_space<vmem>>, %arg7: memref<128x128xf32, #tpu.memory_space<vmem>>, %arg8: memref<128x128xf32, #tpu.memory_space<vmem>>, %arg9: memref<128x128xf32, #tpu.memory_space<vmem>>, %arg10: memref<10112x128xf32, #tpu.memory_space<vmem_shared>>, %arg11: memref<!tpu.dma_semaphore, #tpu.memory_space<semaphore_mem>>, %arg12: memref<!tpu.dma_semaphore, #tpu.memory_space<semaphore_mem>>, %arg13: memref<!tpu.dma_semaphore, #tpu.memory_space<semaphore_mem>>, %arg14: memref<!tpu.dma_semaphore, #tpu.memory_space<semaphore_mem>>) attributes {dimension_semantics = [#tpu.dimension_semantics<core_parallel>, #tpu.dimension_semantics<subcore_parallel>], iteration_bounds = array<i64: 2, 16>, scalar_prefetch = 0 : i64, scratch_operands = 10 : i64, tpu.core_type = #tpu.core_type<sc_vector_subcore>, window_params = [{transform_indices = #map}, {transform_indices = #map1}, {transform_indices = #map2}]} {
    %mul3A = arith.constant 2 : i32
    %mul3A_0 = arith.muli %arg1, %mul3A : i32
    %add3A = arith.addi %mul3A_0, %arg0 : i32
    %scan3A = arith.constant 0 : i32
    %scan3A_1 = arith.constant 0 : i32
    %scan3A_2 = arith.constant 128 : i32
    %scan3A_3 = arith.addi %scan3A_1, %scan3A_2 : i32
    %scan3A_4 = arith.constant 1 : i32
    %scan3A_5 = scf.for %scan3A_68 = %scan3A_1 to %scan3A_3 step %scan3A_4 iter_args(%scan3A_69 = %scan3A) -> (i32)  : i32 {
      %broadcast_in_dim3A = arith.constant 0.000000e+00 : f32
      %broadcast_in_dim3A_70 = vector.broadcast %broadcast_in_dim3A : f32 to vector<16xf32>
      %swap3A = arith.index_cast %scan3A_68 : i32 to index
      %swap3A_71 = arith.constant 0 : index
      %swap3A_72 = tpu.vector_load %arg9[%swap3A, %swap3A_71] {strides = array<i32>} : memref<128x128xf32, #tpu.memory_space<vmem>>, vector<1x16xf32>,
      %swap3A_73 = vector.shape_cast %swap3A_72 : vector<1x16xf32> to vector<16xf32>
      %swap3A_74 = vector.shape_cast %broadcast_in_dim3A_70 : vector<16xf32> to vector<1x16xf32>
      tpu.vector_store %arg9[%swap3A, %swap3A_71], %swap3A_74 {strides = array<i32>} : memref<128x128xf32, #tpu.memory_space<vmem>>, vector<1x16xf32>,
      %broadcast_in_dim3A_75 = arith.constant 0.000000e+00 : f32
      %broadcast_in_dim3A_76 = vector.broadcast %broadcast_in_dim3A_75 : f32 to vector<16xf32>
      %swap3A_77 = arith.index_cast %scan3A_68 : i32 to index
      %swap3A_78 = arith.constant 16 : index
      %swap3A_79 = tpu.vector_load %arg9[%swap3A_77, %swap3A_78] {strides = array<i32>} : memref<128x128xf32, #tpu.memory_space<vmem>>, vector<1x16xf32>,
      %swap3A_80 = vector.shape_cast %swap3A_79 : vector<1x16xf32> to vector<16xf32>
      %swap3A_81 = vector.shape_cast %broadcast_in_dim3A_76 : vector<16xf32> to vector<1x16xf32>
      tpu.vector_store %arg9[%swap3A_77, %swap3A_78], %swap3A_81 {strides = array<i32>} : memref<128x128xf32, #tpu.memory_space<vmem>>, vector<1x16xf32>,
      %broadcast_in_dim3A_82 = arith.constant 0.000000e+00 : f32
      %broadcast_in_dim3A_83 = vector.broadcast %broadcast_in_dim3A_82 : f32 to vector<16xf32>
      %swap3A_84 = arith.index_cast %scan3A_68 : i32 to index
      %swap3A_85 = arith.constant 32 : index
      %swap3A_86 = tpu.vector_load %arg9[%swap3A_84, %swap3A_85] {strides = array<i32>} : memref<128x128xf32, #tpu.memory_space<vmem>>, vector<1x16xf32>,
      %swap3A_87 = vector.shape_cast %swap3A_86 : vector<1x16xf32> to vector<16xf32>
      %swap3A_88 = vector.shape_cast %broadcast_in_dim3A_83 : vector<16xf32> to vector<1x16xf32>
      tpu.vector_store %arg9[%swap3A_84, %swap3A_85], %swap3A_88 {strides = array<i32>} : memref<128x128xf32, #tpu.memory_space<vmem>>, vector<1x16xf32>,
      %broadcast_in_dim3A_89 = arith.constant 0.000000e+00 : f32
      %broadcast_in_dim3A_90 = vector.broadcast %broadcast_in_dim3A_89 : f32 to vector<16xf32>
      %swap3A_91 = arith.index_cast %scan3A_68 : i32 to index
      %swap3A_92 = arith.constant 48 : index
      %swap3A_93 = tpu.vector_load %arg9[%swap3A_91, %swap3A_92] {strides = array<i32>} : memref<128x128xf32, #tpu.memory_space<vmem>>, vector<1x16xf32>,
      %swap3A_94 = vector.shape_cast %swap3A_93 : vector<1x16xf32> to vector<16xf32>
      %swap3A_95 = vector.shape_cast %broadcast_in_dim3A_90 : vector<16xf32> to vector<1x16xf32>
      tpu.vector_store %arg9[%swap3A_91, %swap3A_92], %swap3A_95 {strides = array<i32>} : memref<128x128xf32, #tpu.memory_space<vmem>>, vector<1x16xf32>,
      %broadcast_in_dim3A_96 = arith.constant 0.000000e+00 : f32
      %broadcast_in_dim3A_97 = vector.broadcast %broadcast_in_dim3A_96 : f32 to vector<16xf32>
      %swap3A_98 = arith.index_cast %scan3A_68 : i32 to index
      %swap3A_99 = arith.constant 64 : index
      %swap3A_100 = tpu.vector_load %arg9[%swap3A_98, %swap3A_99] {strides = array<i32>} : memref<128x128xf32, #tpu.memory_space<vmem>>, vector<1x16xf32>,
      %swap3A_101 = vector.shape_cast %swap3A_100 : vector<1x16xf32> to vector<16xf32>
      %swap3A_102 = vector.shape_cast %broadcast_in_dim3A_97 : vector<16xf32> to vector<1x16xf32>
      tpu.vector_store %arg9[%swap3A_98, %swap3A_99], %swap3A_102 {strides = array<i32>} : memref<128x128xf32, #tpu.memory_space<vmem>>, vector<1x16xf32>,
      %broadcast_in_dim3A_103 = arith.constant 0.000000e+00 : f32
      %broadcast_in_dim3A_104 = vector.broadcast %broadcast_in_dim3A_103 : f32 to vector<16xf32>
      %swap3A_105 = arith.index_cast %scan3A_68 : i32 to index
      %swap3A_106 = arith.constant 80 : index
      %swap3A_107 = tpu.vector_load %arg9[%swap3A_105, %swap3A_106] {strides = array<i32>} : memref<128x128xf32, #tpu.memory_space<vmem>>, vector<1x16xf32>,
      %swap3A_108 = vector.shape_cast %swap3A_107 : vector<1x16xf32> to vector<16xf32>
      %swap3A_109 = vector.shape_cast %broadcast_in_dim3A_104 : vector<16xf32> to vector<1x16xf32>
      tpu.vector_store %arg9[%swap3A_105, %swap3A_106], %swap3A_109 {strides = array<i32>} : memref<128x128xf32, #tpu.memory_space<vmem>>, vector<1x16xf32>,
      %broadcast_in_dim3A_110 = arith.constant 0.000000e+00 : f32
      %broadcast_in_dim3A_111 = vector.broadcast %broadcast_in_dim3A_110 : f32 to vector<16xf32>
      %swap3A_112 = arith.index_cast %scan3A_68 : i32 to index
      %swap3A_113 = arith.constant 96 : index
      %swap3A_114 = tpu.vector_load %arg9[%swap3A_112, %swap3A_113] {strides = array<i32>} : memref<128x128xf32, #tpu.memory_space<vmem>>, vector<1x16xf32>,
      %swap3A_115 = vector.shape_cast %swap3A_114 : vector<1x16xf32> to vector<16xf32>
      %swap3A_116 = vector.shape_cast %broadcast_in_dim3A_111 : vector<16xf32> to vector<1x16xf32>
      tpu.vector_store %arg9[%swap3A_112, %swap3A_113], %swap3A_116 {strides = array<i32>} : memref<128x128xf32, #tpu.memory_space<vmem>>, vector<1x16xf32>,
      %broadcast_in_dim3A_117 = arith.constant 0.000000e+00 : f32
      %broadcast_in_dim3A_118 = vector.broadcast %broadcast_in_dim3A_117 : f32 to vector<16xf32>
      %swap3A_119 = arith.index_cast %scan3A_68 : i32 to index
      %swap3A_120 = arith.constant 112 : index
      %swap3A_121 = tpu.vector_load %arg9[%swap3A_119, %swap3A_120] {strides = array<i32>} : memref<128x128xf32, #tpu.memory_space<vmem>>, vector<1x16xf32>,
      %swap3A_122 = vector.shape_cast %swap3A_121 : vector<1x16xf32> to vector<16xf32>
      %swap3A_123 = vector.shape_cast %broadcast_in_dim3A_118 : vector<16xf32> to vector<1x16xf32>
      tpu.vector_store %arg9[%swap3A_119, %swap3A_120], %swap3A_123 {strides = array<i32>} : memref<128x128xf32, #tpu.memory_space<vmem>>, vector<1x16xf32>,
      %scan3A_124 = arith.constant 0 : i32
      scf.yield %scan3A_124 : i32
    }
    %scan3A_6 = arith.constant 128 : i32
    %scan3A_7 = arith.constant 0 : i32
    %scan3A_8 = arith.constant 0 : i32
    %scan3A_9 = arith.constant 4 : i32
    %scan3A_10 = arith.addi %scan3A_8, %scan3A_9 : i32
    %scan3A_11 = arith.constant 1 : i32
    %scan3A_12 = scf.for %scan3A_68 = %scan3A_8 to %scan3A_10 step %scan3A_11 iter_args(%scan3A_69 = %scan3A_7) -> (i32)  : i32 {
      %mul3A_70 = arith.constant 632 : i32
      %mul3A_71 = arith.muli %arg1, %mul3A_70 : i32
      %mul3A_72 = arith.constant 128 : i32
      %mul3A_73 = arith.muli %scan3A_68, %mul3A_72 : i32
      %add3A_74 = arith.addi %mul3A_71, %mul3A_73 : i32
      "tpu.region"() ({
        %run_scoped3A_76 = tpu.sem_alloc : memref<!tpu.dma_semaphore, #tpu.memory_space<semaphore_mem>>
        %dma_start3A_77 = arith.constant 0 : i32
        %dma_start3A_78 = tpu.memref_slice %arg10[%add3A_74, %dma_start3A_77] : memref<10112x128xf32, #tpu.memory_space<vmem_shared>> -> memref<128x128xf32, #tpu.memory_space<vmem_shared>>
        %dma_start3A_79 = arith.constant 0 : i32
        %dma_start3A_80 = tpu.memref_slice %arg10[%add3A_74, %dma_start3A_79] : memref<10112x128xf32, #tpu.memory_space<vmem_shared>> -> memref<128x128xf32, #tpu.memory_space<vmem_shared>>
        tpu.enqueue_dma source(%arg9 : memref<128x128xf32, #tpu.memory_space<vmem>>) target(%dma_start3A_80 : memref<128x128xf32, #tpu.memory_space<vmem_shared>>) target_semaphore(%run_scoped3A_76 : memref<!tpu.dma_semaphore, #tpu.memory_space<semaphore_mem>>)
        %dma_wait3A_81 = arith.constant 0 : i32
        %dma_wait3A_82 = tpu.memref_slice %arg10[%add3A_74, %dma_wait3A_81] : memref<10112x128xf32, #tpu.memory_space<vmem_shared>> -> memref<128x128xf32, #tpu.memory_space<vmem_shared>>
        %dma_wait3A_83 = arith.constant 0 : i32
        %dma_wait3A_84 = tpu.memref_slice %arg10[%add3A_74, %dma_wait3A_83] : memref<10112x128xf32, #tpu.memory_space<vmem_shared>> -> memref<128x128xf32, #tpu.memory_space<vmem_shared>>
        tpu.wait_dma2 semaphore(%run_scoped3A_76 : memref<!tpu.dma_semaphore, #tpu.memory_space<semaphore_mem>>) src(%arg9 : memref<128x128xf32, #tpu.memory_space<vmem>>) dst(%dma_wait3A_84 : memref<128x128xf32, #tpu.memory_space<vmem_shared>>)
        tpu.yield
      }) : () -> ()
      %scan3A_75 = arith.constant 0 : i32
      scf.yield %scan3A_75 : i32
    }
    %scan3A_13 = arith.constant 4 : i32
    %mul3A_14 = arith.constant 632 : i32
    %mul3A_15 = arith.muli %arg1, %mul3A_14 : i32
    %add3A_16 = arith.constant 512 : i32
    %add3A_17 = arith.addi %mul3A_15, %add3A_16 : i32
    "tpu.region"() ({
      %run_scoped3A_68 = tpu.sem_alloc : memref<!tpu.dma_semaphore, #tpu.memory_space<semaphore_mem>>
      %dma_start3A_69 = arith.constant 0 : i32
      %dma_start3A_70 = arith.constant 0 : i32
      %dma_start3A_71 = tpu.memref_slice %arg9[%dma_start3A_69, %dma_start3A_70] : memref<128x128xf32, #tpu.memory_space<vmem>> -> memref<120x128xf32, #tpu.memory_space<vmem>>
      %dma_start3A_72 = arith.constant 0 : i32
      %dma_start3A_73 = tpu.memref_slice %arg10[%add3A_17, %dma_start3A_72] : memref<10112x128xf32, #tpu.memory_space<vmem_shared>> -> memref<120x128xf32, #tpu.memory_space<vmem_shared>>
      %dma_start3A_74 = arith.constant 0 : i32
      %dma_start3A_75 = tpu.memref_slice %arg10[%add3A_17, %dma_start3A_74] : memref<10112x128xf32, #tpu.memory_space<vmem_shared>> -> memref<120x128xf32, #tpu.memory_space<vmem_shared>>
      %dma_start3A_76 = arith.constant 0 : i32
      %dma_start3A_77 = arith.constant 0 : i32
      %dma_start3A_78 = tpu.memref_slice %arg9[%dma_start3A_76, %dma_start3A_77] : memref<128x128xf32, #tpu.memory_space<vmem>> -> memref<120x128xf32, #tpu.memory_space<vmem>>
      tpu.enqueue_dma source(%dma_start3A_78 : memref<120x128xf32, #tpu.memory_space<vmem>>) target(%dma_start3A_75 : memref<120x128xf32, #tpu.memory_space<vmem_shared>>) target_semaphore(%run_scoped3A_68 : memref<!tpu.dma_semaphore, #tpu.memory_space<semaphore_mem>>)
      %dma_wait3A_79 = arith.constant 0 : i32
      %dma_wait3A_80 = arith.constant 0 : i32
      %dma_wait3A_81 = tpu.memref_slice %arg9[%dma_wait3A_79, %dma_wait3A_80] : memref<128x128xf32, #tpu.memory_space<vmem>> -> memref<120x128xf32, #tpu.memory_space<vmem>>
      %dma_wait3A_82 = arith.constant 0 : i32
      %dma_wait3A_83 = tpu.memref_slice %arg10[%add3A_17, %dma_wait3A_82] : memref<10112x128xf32, #tpu.memory_space<vmem_shared>> -> memref<120x128xf32, #tpu.memory_space<vmem_shared>>
      %dma_wait3A_84 = arith.constant 0 : i32
      %dma_wait3A_85 = tpu.memref_slice %arg10[%add3A_17, %dma_wait3A_84] : memref<10112x128xf32, #tpu.memory_space<vmem_shared>> -> memref<120x128xf32, #tpu.memory_space<vmem_shared>>
      %dma_wait3A_86 = arith.constant 0 : i32
      %dma_wait3A_87 = arith.constant 0 : i32
      %dma_wait3A_88 = tpu.memref_slice %arg9[%dma_wait3A_86, %dma_wait3A_87] : memref<128x128xf32, #tpu.memory_space<vmem>> -> memref<120x128xf32, #tpu.memory_space<vmem>>
      tpu.wait_dma2 semaphore(%run_scoped3A_68 : memref<!tpu.dma_semaphore, #tpu.memory_space<semaphore_mem>>) src(%dma_wait3A_88 : memref<120x128xf32, #tpu.memory_space<vmem>>) dst(%dma_wait3A_85 : memref<120x128xf32, #tpu.memory_space<vmem_shared>>)
      tpu.yield
    }) : () -> ()
    %barrier3A = arith.constant 0 : index
    tpu.barrier barrier_id(%barrier3A)
    %run_scoped3A = arith.constant 0 : i32
    "tpu.region"() ({
      %run_scoped3A_68 = tpu.sem_alloc : memref<!tpu.dma_semaphore, #tpu.memory_space<semaphore_mem>>
      %dma_start3A_69 = arith.constant 0 : i32
      %dma_start3A_70 = arith.constant 0 : i32
      %dma_start3A_71 = arith.constant 0 : i32
      %dma_start3A_72 = tpu.memref_slice %arg2[%add3A, %run_scoped3A, %dma_start3A_69, %dma_start3A_70, %dma_start3A_71] : memref<32x79x2x1x128xi32, #tpu.memory_space<hbm>> -> memref<1x1x2x1x128xi32, #tpu.memory_space<hbm>>
      %dma_start3A_73 = tpu.memref_squeeze %dma_start3A_72 : memref<1x1x2x1x128xi32, #tpu.memory_space<hbm>> -> memref<2x1x128xi32, #tpu.memory_space<hbm>>
      %dma_start3A_74 = arith.constant 0 : i32
      %dma_start3A_75 = arith.constant 0 : i32
      %dma_start3A_76 = arith.constant 0 : i32
      %dma_start3A_77 = tpu.memref_slice %arg2[%add3A, %run_scoped3A, %dma_start3A_74, %dma_start3A_75, %dma_start3A_76] : memref<32x79x2x1x128xi32, #tpu.memory_space<hbm>> -> memref<1x1x2x1x128xi32, #tpu.memory_space<hbm>>
      %dma_start3A_78 = tpu.memref_squeeze %dma_start3A_77 : memref<1x1x2x1x128xi32, #tpu.memory_space<hbm>> -> memref<2x1x128xi32, #tpu.memory_space<hbm>>
      tpu.enqueue_dma source(%dma_start3A_78 : memref<2x1x128xi32, #tpu.memory_space<hbm>>) target(%arg5 : memref<2x1x128xi32, #tpu.memory_space<vmem>>) target_semaphore(%run_scoped3A_68 : memref<!tpu.dma_semaphore, #tpu.memory_space<semaphore_mem>>)
      %dma_wait3A_79 = arith.constant 0 : i32
      %dma_wait3A_80 = arith.constant 0 : i32
      %dma_wait3A_81 = arith.constant 0 : i32
      %dma_wait3A_82 = tpu.memref_slice %arg2[%add3A, %run_scoped3A, %dma_wait3A_79, %dma_wait3A_80, %dma_wait3A_81] : memref<32x79x2x1x128xi32, #tpu.memory_space<hbm>> -> memref<1x1x2x1x128xi32, #tpu.memory_space<hbm>>
      %dma_wait3A_83 = tpu.memref_squeeze %dma_wait3A_82 : memref<1x1x2x1x128xi32, #tpu.memory_space<hbm>> -> memref<2x1x128xi32, #tpu.memory_space<hbm>>
      %dma_wait3A_84 = arith.constant 0 : i32
      %dma_wait3A_85 = arith.constant 0 : i32
      %dma_wait3A_86 = arith.constant 0 : i32
      %dma_wait3A_87 = tpu.memref_slice %arg2[%add3A, %run_scoped3A, %dma_wait3A_84, %dma_wait3A_85, %dma_wait3A_86] : memref<32x79x2x1x128xi32, #tpu.memory_space<hbm>> -> memref<1x1x2x1x128xi32, #tpu.memory_space<hbm>>
      %dma_wait3A_88 = tpu.memref_squeeze %dma_wait3A_87 : memref<1x1x2x1x128xi32, #tpu.memory_space<hbm>> -> memref<2x1x128xi32, #tpu.memory_space<hbm>>
      tpu.wait_dma2 semaphore(%run_scoped3A_68 : memref<!tpu.dma_semaphore, #tpu.memory_space<semaphore_mem>>) src(%dma_wait3A_88 : memref<2x1x128xi32, #tpu.memory_space<hbm>>) dst(%arg5 : memref<2x1x128xi32, #tpu.memory_space<vmem>>)
      tpu.yield
    }) : () -> ()
    %dma_start3A = arith.constant 1 : i32
    %dma_start3A_18 = arith.constant 0 : i32
    %dma_start3A_19 = arith.constant 0 : i32
    %dma_start3A_20 = arith.constant 0 : i32
    %dma_start3A_21 = tpu.memref_slice %arg2[%add3A, %dma_start3A, %dma_start3A_18, %dma_start3A_19, %dma_start3A_20] : memref<32x79x2x1x128xi32, #tpu.memory_space<hbm>> -> memref<1x1x2x1x128xi32, #tpu.memory_space<hbm>>
    %dma_start3A_22 = tpu.memref_squeeze %dma_start3A_21 : memref<1x1x2x1x128xi32, #tpu.memory_space<hbm>> -> memref<2x1x128xi32, #tpu.memory_space<hbm>>
    %dma_start3A_23 = arith.constant 0 : i32
    %dma_start3A_24 = arith.constant 0 : i32
    %dma_start3A_25 = arith.constant 0 : i32
    %dma_start3A_26 = tpu.memref_slice %arg2[%add3A, %dma_start3A, %dma_start3A_23, %dma_start3A_24, %dma_start3A_25] : memref<32x79x2x1x128xi32, #tpu.memory_space<hbm>> -> memref<1x1x2x1x128xi32, #tpu.memory_space<hbm>>
    %dma_start3A_27 = tpu.memref_squeeze %dma_start3A_26 : memref<1x1x2x1x128xi32, #tpu.memory_space<hbm>> -> memref<2x1x128xi32, #tpu.memory_space<hbm>>
    tpu.enqueue_dma source(%dma_start3A_27 : memref<2x1x128xi32, #tpu.memory_space<hbm>>) target(%arg6 : memref<2x1x128xi32, #tpu.memory_space<vmem>>) target_semaphore(%arg14 : memref<!tpu.dma_semaphore, #tpu.memory_space<semaphore_mem>>)
    %dma_start3A_28 = arith.constant 0 : i32
    %dma_start3A_29 = arith.constant 0 : i32
    %dma_start3A_30 = arith.constant 0 : i32
    %dma_start3A_31 = tpu.memref_slice %arg5[%dma_start3A_28, %dma_start3A_29, %dma_start3A_30] : memref<2x1x128xi32, #tpu.memory_space<vmem>> -> memref<1x1x128xi32, #tpu.memory_space<vmem>>
    %dma_start3A_32 = tpu.memref_squeeze %dma_start3A_31 : memref<1x1x128xi32, #tpu.memory_space<vmem>> -> memref<128xi32, #tpu.memory_space<vmem>>
    %dma_start3A_33 = arith.constant 0 : i32
    %dma_start3A_34 = arith.constant 0 : i32
    %dma_start3A_35 = tpu.memref_slice %arg3[%dma_start3A_33, %dma_start3A_34] : memref<10112x128xf32, #tpu.memory_space<hbm>> -> memref<10112x128xf32, #tpu.memory_space<hbm>>
    tpu.enqueue_indirect_dma source(%dma_start3A_35 : memref<10112x128xf32, #tpu.memory_space<hbm>>) target(%arg7 : memref<128x128xf32, #tpu.memory_space<vmem>>) offsets(%dma_start3A_32 : memref<128xi32, #tpu.memory_space<vmem>>) semaphore(%arg11 : memref<!tpu.dma_semaphore, #tpu.memory_space<semaphore_mem>>)
    %scan3A_36 = arith.constant 0 : i32
    %scan3A_37 = arith.constant 0 : i32
    %scan3A_38 = arith.constant 39 : i32
    %scan3A_39 = arith.addi %scan3A_37, %scan3A_38 : i32
    %scan3A_40 = arith.constant 1 : i32
    %scan3A_41 = scf.for %scan3A_68 = %scan3A_37 to %scan3A_39 step %scan3A_40 iter_args(%scan3A_69 = %scan3A_36) -> (i32)  : i32 {
      %mul3A_70 = arith.constant 2 : i32
      %mul3A_71 = arith.muli %mul3A_70, %scan3A_68 : i32
      %dma_wait3A_72 = arith.constant 0 : i32
      %dma_wait3A_73 = arith.constant 0 : i32
      %dma_wait3A_74 = arith.constant 0 : i32
      %dma_wait3A_75 = tpu.memref_slice %arg5[%dma_wait3A_72, %dma_wait3A_73, %dma_wait3A_74] : memref<2x1x128xi32, #tpu.memory_space<vmem>> -> memref<1x1x128xi32, #tpu.memory_space<vmem>>
      %dma_wait3A_76 = tpu.memref_squeeze %dma_wait3A_75 : memref<1x1x128xi32, #tpu.memory_space<vmem>> -> memref<128xi32, #tpu.memory_space<vmem>>
      %dma_wait3A_77 = arith.constant 0 : i32
      %dma_wait3A_78 = arith.constant 0 : i32
      %dma_wait3A_79 = tpu.memref_slice %arg3[%dma_wait3A_77, %dma_wait3A_78] : memref<10112x128xf32, #tpu.memory_space<hbm>> -> memref<10112x128xf32, #tpu.memory_space<hbm>>
      tpu.wait_indirect_dma semaphore(%arg11 : memref<!tpu.dma_semaphore, #tpu.memory_space<semaphore_mem>>) src(%dma_wait3A_79 : memref<10112x128xf32, #tpu.memory_space<hbm>>) dst(%arg7 : memref<128x128xf32, #tpu.memory_space<vmem>>)
      %add3A_80 = arith.constant 1 : i32
      %add3A_81 = arith.addi %mul3A_71, %add3A_80 : i32
      %dma_wait3A_82 = arith.constant 0 : i32
      %dma_wait3A_83 = arith.constant 0 : i32
      %dma_wait3A_84 = arith.constant 0 : i32
      %dma_wait3A_85 = tpu.memref_slice %arg2[%add3A, %add3A_81, %dma_wait3A_82, %dma_wait3A_83, %dma_wait3A_84] : memref<32x79x2x1x128xi32, #tpu.memory_space<hbm>> -> memref<1x1x2x1x128xi32, #tpu.memory_space<hbm>>
      %dma_wait3A_86 = tpu.memref_squeeze %dma_wait3A_85 : memref<1x1x2x1x128xi32, #tpu.memory_space<hbm>> -> memref<2x1x128xi32, #tpu.memory_space<hbm>>
      %dma_wait3A_87 = arith.constant 0 : i32
      %dma_wait3A_88 = arith.constant 0 : i32
      %dma_wait3A_89 = arith.constant 0 : i32
      %dma_wait3A_90 = tpu.memref_slice %arg2[%add3A, %add3A_81, %dma_wait3A_87, %dma_wait3A_88, %dma_wait3A_89] : memref<32x79x2x1x128xi32, #tpu.memory_space<hbm>> -> memref<1x1x2x1x128xi32, #tpu.memory_space<hbm>>
      %dma_wait3A_91 = tpu.memref_squeeze %dma_wait3A_90 : memref<1x1x2x1x128xi32, #tpu.memory_space<hbm>> -> memref<2x1x128xi32, #tpu.memory_space<hbm>>
      tpu.wait_dma2 semaphore(%arg14 : memref<!tpu.dma_semaphore, #tpu.memory_space<semaphore_mem>>) src(%dma_wait3A_91 : memref<2x1x128xi32, #tpu.memory_space<hbm>>) dst(%arg6 : memref<2x1x128xi32, #tpu.memory_space<vmem>>)
      %dma_start3A_92 = arith.constant 0 : i32
      %dma_start3A_93 = arith.constant 0 : i32
      %dma_start3A_94 = arith.constant 0 : i32
      %dma_start3A_95 = tpu.memref_slice %arg6[%dma_start3A_92, %dma_start3A_93, %dma_start3A_94] : memref<2x1x128xi32, #tpu.memory_space<vmem>> -> memref<1x1x128xi32, #tpu.memory_space<vmem>>
      %dma_start3A_96 = tpu.memref_squeeze %dma_start3A_95 : memref<1x1x128xi32, #tpu.memory_space<vmem>> -> memref<128xi32, #tpu.memory_space<vmem>>
      %dma_start3A_97 = arith.constant 0 : i32
      %dma_start3A_98 = arith.constant 0 : i32
      %dma_start3A_99 = tpu.memref_slice %arg3[%dma_start3A_97, %dma_start3A_98] : memref<10112x128xf32, #tpu.memory_space<hbm>> -> memref<10112x128xf32, #tpu.memory_space<hbm>>
      tpu.enqueue_indirect_dma source(%dma_start3A_99 : memref<10112x128xf32, #tpu.memory_space<hbm>>) target(%arg8 : memref<128x128xf32, #tpu.memory_space<vmem>>) offsets(%dma_start3A_96 : memref<128xi32, #tpu.memory_space<vmem>>) semaphore(%arg12 : memref<!tpu.dma_semaphore, #tpu.memory_space<semaphore_mem>>)
      %run_scoped3A_100 = arith.constant 1 : i32
      %run_scoped3A_101 = arith.constant 0 : i32
      "tpu.region"() ({
        %run_scoped3A_158 = tpu.sem_alloc : memref<!tpu.dma_semaphore, #tpu.memory_space<semaphore_mem>>
        %dma_start3A_159 = arith.constant 0 : i32
        %dma_start3A_160 = tpu.memref_slice %arg5[%run_scoped3A_100, %run_scoped3A_101, %dma_start3A_159] : memref<2x1x128xi32, #tpu.memory_space<vmem>> -> memref<1x1x128xi32, #tpu.memory_space<vmem>>
        %dma_start3A_161 = tpu.memref_squeeze %dma_start3A_160 : memref<1x1x128xi32, #tpu.memory_space<vmem>> -> memref<128xi32, #tpu.memory_space<vmem>>
        %dma_start3A_162 = arith.constant 0 : i32
        %dma_start3A_163 = arith.constant 0 : i32
        %dma_start3A_164 = tpu.memref_slice %arg10[%dma_start3A_162, %dma_start3A_163] : memref<10112x128xf32, #tpu.memory_space<vmem_shared>> -> memref<10112x128xf32, #tpu.memory_space<vmem_shared>>
        tpu.enqueue_indirect_dma source(%arg7 : memref<128x128xf32, #tpu.memory_space<vmem>>) target(%dma_start3A_164 : memref<10112x128xf32, #tpu.memory_space<vmem_shared>>) offsets(%dma_start3A_161 : memref<128xi32, #tpu.memory_space<vmem>>) semaphore(%run_scoped3A_158 : memref<!tpu.dma_semaphore, #tpu.memory_space<semaphore_mem>>) {add = true}
        %dma_wait3A_165 = arith.constant 0 : i32
        %dma_wait3A_166 = tpu.memref_slice %arg5[%run_scoped3A_100, %run_scoped3A_101, %dma_wait3A_165] : memref<2x1x128xi32, #tpu.memory_space<vmem>> -> memref<1x1x128xi32, #tpu.memory_space<vmem>>
        %dma_wait3A_167 = tpu.memref_squeeze %dma_wait3A_166 : memref<1x1x128xi32, #tpu.memory_space<vmem>> -> memref<128xi32, #tpu.memory_space<vmem>>
        %dma_wait3A_168 = arith.constant 0 : i32
        %dma_wait3A_169 = arith.constant 0 : i32
        %dma_wait3A_170 = tpu.memref_slice %arg10[%dma_wait3A_168, %dma_wait3A_169] : memref<10112x128xf32, #tpu.memory_space<vmem_shared>> -> memref<10112x128xf32, #tpu.memory_space<vmem_shared>>
        tpu.wait_indirect_dma semaphore(%run_scoped3A_158 : memref<!tpu.dma_semaphore, #tpu.memory_space<semaphore_mem>>) src(%arg7 : memref<128x128xf32, #tpu.memory_space<vmem>>) dst(%dma_wait3A_170 : memref<10112x128xf32, #tpu.memory_space<vmem_shared>>)
        tpu.yield
      }) : () -> ()
      %add3A_102 = arith.constant 2 : i32
      %add3A_103 = arith.addi %mul3A_71, %add3A_102 : i32
      %dma_start3A_104 = arith.constant 0 : i32
      %dma_start3A_105 = arith.constant 0 : i32
      %dma_start3A_106 = arith.constant 0 : i32
      %dma_start3A_107 = tpu.memref_slice %arg2[%add3A, %add3A_103, %dma_start3A_104, %dma_start3A_105, %dma_start3A_106] : memref<32x79x2x1x128xi32, #tpu.memory_space<hbm>> -> memref<1x1x2x1x128xi32, #tpu.memory_space<hbm>>
      %dma_start3A_108 = tpu.memref_squeeze %dma_start3A_107 : memref<1x1x2x1x128xi32, #tpu.memory_space<hbm>> -> memref<2x1x128xi32, #tpu.memory_space<hbm>>
      %dma_start3A_109 = arith.constant 0 : i32
      %dma_start3A_110 = arith.constant 0 : i32
      %dma_start3A_111 = arith.constant 0 : i32
      %dma_start3A_112 = tpu.memref_slice %arg2[%add3A, %add3A_103, %dma_start3A_109, %dma_start3A_110, %dma_start3A_111] : memref<32x79x2x1x128xi32, #tpu.memory_space<hbm>> -> memref<1x1x2x1x128xi32, #tpu.memory_space<hbm>>
      %dma_start3A_113 = tpu.memref_squeeze %dma_start3A_112 : memref<1x1x2x1x128xi32, #tpu.memory_space<hbm>> -> memref<2x1x128xi32, #tpu.memory_space<hbm>>
      tpu.enqueue_dma source(%dma_start3A_113 : memref<2x1x128xi32, #tpu.memory_space<hbm>>) target(%arg5 : memref<2x1x128xi32, #tpu.memory_space<vmem>>) target_semaphore(%arg13 : memref<!tpu.dma_semaphore, #tpu.memory_space<semaphore_mem>>)
      %dma_wait3A_114 = arith.constant 0 : i32
      %dma_wait3A_115 = arith.constant 0 : i32
      %dma_wait3A_116 = arith.constant 0 : i32
      %dma_wait3A_117 = tpu.memref_slice %arg6[%dma_wait3A_114, %dma_wait3A_115, %dma_wait3A_116] : memref<2x1x128xi32, #tpu.memory_space<vmem>> -> memref<1x1x128xi32, #tpu.memory_space<vmem>>
      %dma_wait3A_118 = tpu.memref_squeeze %dma_wait3A_117 : memref<1x1x128xi32, #tpu.memory_space<vmem>> -> memref<128xi32, #tpu.memory_space<vmem>>
      %dma_wait3A_119 = arith.constant 0 : i32
      %dma_wait3A_120 = arith.constant 0 : i32
      %dma_wait3A_121 = tpu.memref_slice %arg3[%dma_wait3A_119, %dma_wait3A_120] : memref<10112x128xf32, #tpu.memory_space<hbm>> -> memref<10112x128xf32, #tpu.memory_space<hbm>>
      tpu.wait_indirect_dma semaphore(%arg12 : memref<!tpu.dma_semaphore, #tpu.memory_space<semaphore_mem>>) src(%dma_wait3A_121 : memref<10112x128xf32, #tpu.memory_space<hbm>>) dst(%arg8 : memref<128x128xf32, #tpu.memory_space<vmem>>)
      %add3A_122 = arith.constant 2 : i32
      %add3A_123 = arith.addi %mul3A_71, %add3A_122 : i32
      %dma_wait3A_124 = arith.constant 0 : i32
      %dma_wait3A_125 = arith.constant 0 : i32
      %dma_wait3A_126 = arith.constant 0 : i32
      %dma_wait3A_127 = tpu.memref_slice %arg2[%add3A, %add3A_123, %dma_wait3A_124, %dma_wait3A_125, %dma_wait3A_126] : memref<32x79x2x1x128xi32, #tpu.memory_space<hbm>> -> memref<1x1x2x1x128xi32, #tpu.memory_space<hbm>>
      %dma_wait3A_128 = tpu.memref_squeeze %dma_wait3A_127 : memref<1x1x2x1x128xi32, #tpu.memory_space<hbm>> -> memref<2x1x128xi32, #tpu.memory_space<hbm>>
      %dma_wait3A_129 = arith.constant 0 : i32
      %dma_wait3A_130 = arith.constant 0 : i32
      %dma_wait3A_131 = arith.constant 0 : i32
      %dma_wait3A_132 = tpu.memref_slice %arg2[%add3A, %add3A_123, %dma_wait3A_129, %dma_wait3A_130, %dma_wait3A_131] : memref<32x79x2x1x128xi32, #tpu.memory_space<hbm>> -> memref<1x1x2x1x128xi32, #tpu.memory_space<hbm>>
      %dma_wait3A_133 = tpu.memref_squeeze %dma_wait3A_132 : memref<1x1x2x1x128xi32, #tpu.memory_space<hbm>> -> memref<2x1x128xi32, #tpu.memory_space<hbm>>
      tpu.wait_dma2 semaphore(%arg13 : memref<!tpu.dma_semaphore, #tpu.memory_space<semaphore_mem>>) src(%dma_wait3A_133 : memref<2x1x128xi32, #tpu.memory_space<hbm>>) dst(%arg5 : memref<2x1x128xi32, #tpu.memory_space<vmem>>)
      %dma_start3A_134 = arith.constant 0 : i32
      %dma_start3A_135 = arith.constant 0 : i32
      %dma_start3A_136 = arith.constant 0 : i32
      %dma_start3A_137 = tpu.memref_slice %arg5[%dma_start3A_134, %dma_start3A_135, %dma_start3A_136] : memref<2x1x128xi32, #tpu.memory_space<vmem>> -> memref<1x1x128xi32, #tpu.memory_space<vmem>>
      %dma_start3A_138 = tpu.memref_squeeze %dma_start3A_137 : memref<1x1x128xi32, #tpu.memory_space<vmem>> -> memref<128xi32, #tpu.memory_space<vmem>>
      %dma_start3A_139 = arith.constant 0 : i32
      %dma_start3A_140 = arith.constant 0 : i32
      %dma_start3A_141 = tpu.memref_slice %arg3[%dma_start3A_139, %dma_start3A_140] : memref<10112x128xf32, #tpu.memory_space<hbm>> -> memref<10112x128xf32, #tpu.memory_space<hbm>>
      tpu.enqueue_indirect_dma source(%dma_start3A_141 : memref<10112x128xf32, #tpu.memory_space<hbm>>) target(%arg7 : memref<128x128xf32, #tpu.memory_space<vmem>>) offsets(%dma_start3A_138 : memref<128xi32, #tpu.memory_space<vmem>>) semaphore(%arg11 : memref<!tpu.dma_semaphore, #tpu.memory_space<semaphore_mem>>)
      %run_scoped3A_142 = arith.constant 1 : i32
      %run_scoped3A_143 = arith.constant 0 : i32
      "tpu.region"() ({
        %run_scoped3A_158 = tpu.sem_alloc : memref<!tpu.dma_semaphore, #tpu.memory_space<semaphore_mem>>
        %dma_start3A_159 = arith.constant 0 : i32
        %dma_start3A_160 = tpu.memref_slice %arg6[%run_scoped3A_142, %run_scoped3A_143, %dma_start3A_159] : memref<2x1x128xi32, #tpu.memory_space<vmem>> -> memref<1x1x128xi32, #tpu.memory_space<vmem>>
        %dma_start3A_161 = tpu.memref_squeeze %dma_start3A_160 : memref<1x1x128xi32, #tpu.memory_space<vmem>> -> memref<128xi32, #tpu.memory_space<vmem>>
        %dma_start3A_162 = arith.constant 0 : i32
        %dma_start3A_163 = arith.constant 0 : i32
        %dma_start3A_164 = tpu.memref_slice %arg10[%dma_start3A_162, %dma_start3A_163] : memref<10112x128xf32, #tpu.memory_space<vmem_shared>> -> memref<10112x128xf32, #tpu.memory_space<vmem_shared>>
        tpu.enqueue_indirect_dma source(%arg8 : memref<128x128xf32, #tpu.memory_space<vmem>>) target(%dma_start3A_164 : memref<10112x128xf32, #tpu.memory_space<vmem_shared>>) offsets(%dma_start3A_161 : memref<128xi32, #tpu.memory_space<vmem>>) semaphore(%run_scoped3A_158 : memref<!tpu.dma_semaphore, #tpu.memory_space<semaphore_mem>>) {add = true}
        %dma_wait3A_165 = arith.constant 0 : i32
        %dma_wait3A_166 = tpu.memref_slice %arg6[%run_scoped3A_142, %run_scoped3A_143, %dma_wait3A_165] : memref<2x1x128xi32, #tpu.memory_space<vmem>> -> memref<1x1x128xi32, #tpu.memory_space<vmem>>
        %dma_wait3A_167 = tpu.memref_squeeze %dma_wait3A_166 : memref<1x1x128xi32, #tpu.memory_space<vmem>> -> memref<128xi32, #tpu.memory_space<vmem>>
        %dma_wait3A_168 = arith.constant 0 : i32
        %dma_wait3A_169 = arith.constant 0 : i32
        %dma_wait3A_170 = tpu.memref_slice %arg10[%dma_wait3A_168, %dma_wait3A_169] : memref<10112x128xf32, #tpu.memory_space<vmem_shared>> -> memref<10112x128xf32, #tpu.memory_space<vmem_shared>>
        tpu.wait_indirect_dma semaphore(%run_scoped3A_158 : memref<!tpu.dma_semaphore, #tpu.memory_space<semaphore_mem>>) src(%arg8 : memref<128x128xf32, #tpu.memory_space<vmem>>) dst(%dma_wait3A_170 : memref<10112x128xf32, #tpu.memory_space<vmem_shared>>)
        tpu.yield
      }) : () -> ()
      %add3A_144 = arith.constant 3 : i32
      %add3A_145 = arith.addi %mul3A_71, %add3A_144 : i32
      %min3A = arith.constant 78 : i32
      %min3A_146 = arith.minsi %add3A_145, %min3A : i32
      %dma_start3A_147 = arith.constant 0 : i32
      %dma_start3A_148 = arith.constant 0 : i32
      %dma_start3A_149 = arith.constant 0 : i32
      %dma_start3A_150 = tpu.memref_slice %arg2[%add3A, %min3A_146, %dma_start3A_147, %dma_start3A_148, %dma_start3A_149] : memref<32x79x2x1x128xi32, #tpu.memory_space<hbm>> -> memref<1x1x2x1x128xi32, #tpu.memory_space<hbm>>
      %dma_start3A_151 = tpu.memref_squeeze %dma_start3A_150 : memref<1x1x2x1x128xi32, #tpu.memory_space<hbm>> -> memref<2x1x128xi32, #tpu.memory_space<hbm>>
      %dma_start3A_152 = arith.constant 0 : i32
      %dma_start3A_153 = arith.constant 0 : i32
      %dma_start3A_154 = arith.constant 0 : i32
      %dma_start3A_155 = tpu.memref_slice %arg2[%add3A, %min3A_146, %dma_start3A_152, %dma_start3A_153, %dma_start3A_154] : memref<32x79x2x1x128xi32, #tpu.memory_space<hbm>> -> memref<1x1x2x1x128xi32, #tpu.memory_space<hbm>>
      %dma_start3A_156 = tpu.memref_squeeze %dma_start3A_155 : memref<1x1x2x1x128xi32, #tpu.memory_space<hbm>> -> memref<2x1x128xi32, #tpu.memory_space<hbm>>
      tpu.enqueue_dma source(%dma_start3A_156 : memref<2x1x128xi32, #tpu.memory_space<hbm>>) target(%arg6 : memref<2x1x128xi32, #tpu.memory_space<vmem>>) target_semaphore(%arg14 : memref<!tpu.dma_semaphore, #tpu.memory_space<semaphore_mem>>)
      %scan3A_157 = arith.constant 0 : i32
      scf.yield %scan3A_157 : i32
    }
    %scan3A_42 = arith.constant 39 : i32
    %dma_wait3A = arith.constant 0 : i32
    %dma_wait3A_43 = arith.constant 0 : i32
    %dma_wait3A_44 = arith.constant 0 : i32
    %dma_wait3A_45 = tpu.memref_slice %arg5[%dma_wait3A, %dma_wait3A_43, %dma_wait3A_44] : memref<2x1x128xi32, #tpu.memory_space<vmem>> -> memref<1x1x128xi32, #tpu.memory_space<vmem>>
    %dma_wait3A_46 = tpu.memref_squeeze %dma_wait3A_45 : memref<1x1x128xi32, #tpu.memory_space<vmem>> -> memref<128xi32, #tpu.memory_space<vmem>>
    %dma_wait3A_47 = arith.constant 0 : i32
    %dma_wait3A_48 = arith.constant 0 : i32
    %dma_wait3A_49 = tpu.memref_slice %arg3[%dma_wait3A_47, %dma_wait3A_48] : memref<10112x128xf32, #tpu.memory_space<hbm>> -> memref<10112x128xf32, #tpu.memory_space<hbm>>
    tpu.wait_indirect_dma semaphore(%arg11 : memref<!tpu.dma_semaphore, #tpu.memory_space<semaphore_mem>>) src(%dma_wait3A_49 : memref<10112x128xf32, #tpu.memory_space<hbm>>) dst(%arg7 : memref<128x128xf32, #tpu.memory_space<vmem>>)
    %run_scoped3A_50 = arith.constant 1 : i32
    %run_scoped3A_51 = arith.constant 0 : i32
    "tpu.region"() ({
      %run_scoped3A_68 = tpu.sem_alloc : memref<!tpu.dma_semaphore, #tpu.memory_space<semaphore_mem>>
      %dma_start3A_69 = arith.constant 0 : i32
      %dma_start3A_70 = tpu.memref_slice %arg5[%run_scoped3A_50, %run_scoped3A_51, %dma_start3A_69] : memref<2x1x128xi32, #tpu.memory_space<vmem>> -> memref<1x1x128xi32, #tpu.memory_space<vmem>>
      %dma_start3A_71 = tpu.memref_squeeze %dma_start3A_70 : memref<1x1x128xi32, #tpu.memory_space<vmem>> -> memref<128xi32, #tpu.memory_space<vmem>>
      %dma_start3A_72 = arith.constant 0 : i32
      %dma_start3A_73 = arith.constant 0 : i32
      %dma_start3A_74 = tpu.memref_slice %arg10[%dma_start3A_72, %dma_start3A_73] : memref<10112x128xf32, #tpu.memory_space<vmem_shared>> -> memref<10112x128xf32, #tpu.memory_space<vmem_shared>>
      tpu.enqueue_indirect_dma source(%arg7 : memref<128x128xf32, #tpu.memory_space<vmem>>) target(%dma_start3A_74 : memref<10112x128xf32, #tpu.memory_space<vmem_shared>>) offsets(%dma_start3A_71 : memref<128xi32, #tpu.memory_space<vmem>>) semaphore(%run_scoped3A_68 : memref<!tpu.dma_semaphore, #tpu.memory_space<semaphore_mem>>) {add = true}
      %dma_wait3A_75 = arith.constant 0 : i32
      %dma_wait3A_76 = tpu.memref_slice %arg5[%run_scoped3A_50, %run_scoped3A_51, %dma_wait3A_75] : memref<2x1x128xi32, #tpu.memory_space<vmem>> -> memref<1x1x128xi32, #tpu.memory_space<vmem>>
      %dma_wait3A_77 = tpu.memref_squeeze %dma_wait3A_76 : memref<1x1x128xi32, #tpu.memory_space<vmem>> -> memref<128xi32, #tpu.memory_space<vmem>>
      %dma_wait3A_78 = arith.constant 0 : i32
      %dma_wait3A_79 = arith.constant 0 : i32
      %dma_wait3A_80 = tpu.memref_slice %arg10[%dma_wait3A_78, %dma_wait3A_79] : memref<10112x128xf32, #tpu.memory_space<vmem_shared>> -> memref<10112x128xf32, #tpu.memory_space<vmem_shared>>
      tpu.wait_indirect_dma semaphore(%run_scoped3A_68 : memref<!tpu.dma_semaphore, #tpu.memory_space<semaphore_mem>>) src(%arg7 : memref<128x128xf32, #tpu.memory_space<vmem>>) dst(%dma_wait3A_80 : memref<10112x128xf32, #tpu.memory_space<vmem_shared>>)
      tpu.yield
    }) : () -> ()
    %dma_wait3A_52 = arith.constant 78 : i32
    %dma_wait3A_53 = arith.constant 0 : i32
    %dma_wait3A_54 = arith.constant 0 : i32
    %dma_wait3A_55 = arith.constant 0 : i32
    %dma_wait3A_56 = tpu.memref_slice %arg2[%add3A, %dma_wait3A_52, %dma_wait3A_53, %dma_wait3A_54, %dma_wait3A_55] : memref<32x79x2x1x128xi32, #tpu.memory_space<hbm>> -> memref<1x1x2x1x128xi32, #tpu.memory_space<hbm>>
    %dma_wait3A_57 = tpu.memref_squeeze %dma_wait3A_56 : memref<1x1x2x1x128xi32, #tpu.memory_space<hbm>> -> memref<2x1x128xi32, #tpu.memory_space<hbm>>
    %dma_wait3A_58 = arith.constant 0 : i32
    %dma_wait3A_59 = arith.constant 0 : i32
    %dma_wait3A_60 = arith.constant 0 : i32
    %dma_wait3A_61 = tpu.memref_slice %arg2[%add3A, %dma_wait3A_52, %dma_wait3A_58, %dma_wait3A_59, %dma_wait3A_60] : memref<32x79x2x1x128xi32, #tpu.memory_space<hbm>> -> memref<1x1x2x1x128xi32, #tpu.memory_space<hbm>>
    %dma_wait3A_62 = tpu.memref_squeeze %dma_wait3A_61 : memref<1x1x2x1x128xi32, #tpu.memory_space<hbm>> -> memref<2x1x128xi32, #tpu.memory_space<hbm>>
    tpu.wait_dma2 semaphore(%arg14 : memref<!tpu.dma_semaphore, #tpu.memory_space<semaphore_mem>>) src(%dma_wait3A_62 : memref<2x1x128xi32, #tpu.memory_space<hbm>>) dst(%arg6 : memref<2x1x128xi32, #tpu.memory_space<vmem>>)
    %barrier3A_63 = arith.constant 0 : index
    tpu.barrier barrier_id(%barrier3A_63)
    %mul3A_64 = arith.constant 632 : i32
    %mul3A_65 = arith.muli %arg1, %mul3A_64 : i32
    %mul3A_66 = arith.constant 632 : i32
    %mul3A_67 = arith.muli %arg1, %mul3A_66 : i32
    "tpu.region"() ({
      %run_scoped3A_68 = tpu.sem_alloc : memref<!tpu.dma_semaphore, #tpu.memory_space<semaphore_mem>>
      %dma_start3A_69 = arith.constant 0 : i32
      %dma_start3A_70 = tpu.memref_slice %arg4[%arg0, %mul3A_67, %dma_start3A_69] : memref<2x10112x128xf32, #tpu.memory_space<hbm>> -> memref<1x632x128xf32, #tpu.memory_space<hbm>>
      %dma_start3A_71 = tpu.memref_squeeze %dma_start3A_70 : memref<1x632x128xf32, #tpu.memory_space<hbm>> -> memref<632x128xf32, #tpu.memory_space<hbm>>
      %dma_start3A_72 = arith.constant 0 : i32
      %dma_start3A_73 = tpu.memref_slice %arg10[%mul3A_65, %dma_start3A_72] : memref<10112x128xf32, #tpu.memory_space<vmem_shared>> -> memref<632x128xf32, #tpu.memory_space<vmem_shared>>
      tpu.enqueue_dma source(%dma_start3A_73 : memref<632x128xf32, #tpu.memory_space<vmem_shared>>) target(%dma_start3A_71 : memref<632x128xf32, #tpu.memory_space<hbm>>) target_semaphore(%run_scoped3A_68 : memref<!tpu.dma_semaphore, #tpu.memory_space<semaphore_mem>>)
      %dma_wait3A_74 = arith.constant 0 : i32
      %dma_wait3A_75 = tpu.memref_slice %arg4[%arg0, %mul3A_67, %dma_wait3A_74] : memref<2x10112x128xf32, #tpu.memory_space<hbm>> -> memref<1x632x128xf32, #tpu.memory_space<hbm>>
      %dma_wait3A_76 = tpu.memref_squeeze %dma_wait3A_75 : memref<1x632x128xf32, #tpu.memory_space<hbm>> -> memref<632x128xf32, #tpu.memory_space<hbm>>
      %dma_wait3A_77 = arith.constant 0 : i32
      %dma_wait3A_78 = tpu.memref_slice %arg10[%mul3A_65, %dma_wait3A_77] : memref<10112x128xf32, #tpu.memory_space<vmem_shared>> -> memref<632x128xf32, #tpu.memory_space<vmem_shared>>
      tpu.wait_dma2 semaphore(%run_scoped3A_68 : memref<!tpu.dma_semaphore, #tpu.memory_space<semaphore_mem>>) src(%dma_wait3A_78 : memref<632x128xf32, #tpu.memory_space<vmem_shared>>) dst(%dma_wait3A_76 : memref<632x128xf32, #tpu.memory_space<hbm>>)
      tpu.yield
    }) : () -> ()
    return
  }
}

#map = affine_map<(d0, d1) -> (0, 0, 0)>
module attributes {stable_mosaic.version = 14 : i64} {
  func.func @_sc_degree(%arg0: i32, %arg1: i32, %arg2: memref<32x79x128xi32, #tpu.memory_space<hbm>>, %arg3: memref<2x10112x16xf32, #tpu.memory_space<hbm>>, %arg4: memref<79x128xi32, #tpu.memory_space<vmem>>, %arg5: memref<128x16xf32, #tpu.memory_space<vmem>>, %arg6: memref<128x16xf32, #tpu.memory_space<vmem>>, %arg7: memref<10112x16xf32, #tpu.memory_space<vmem_shared>>) attributes {dimension_semantics = [#tpu.dimension_semantics<core_parallel>, #tpu.dimension_semantics<subcore_parallel>], iteration_bounds = array<i64: 2, 16>, scalar_prefetch = 0 : i64, scratch_operands = 4 : i64, tpu.core_type = #tpu.core_type<sc_vector_subcore>, window_params = [{transform_indices = #map}, {transform_indices = #map}]} {
    %mul3A = arith.constant 2 : i32
    %mul3A_0 = arith.muli %arg1, %mul3A : i32
    %add3A = arith.addi %mul3A_0, %arg0 : i32
    %scan3A = arith.constant 0 : i32
    %scan3A_1 = arith.constant 0 : i32
    %scan3A_2 = arith.constant 128 : i32
    %scan3A_3 = arith.addi %scan3A_1, %scan3A_2 : i32
    %scan3A_4 = arith.constant 1 : i32
    %scan3A_5 = scf.for %scan3A_30 = %scan3A_1 to %scan3A_3 step %scan3A_4 iter_args(%scan3A_31 = %scan3A) -> (i32)  : i32 {
      %broadcast_in_dim3A = arith.constant 1.000000e+00 : f32
      %broadcast_in_dim3A_32 = vector.broadcast %broadcast_in_dim3A : f32 to vector<16xf32>
      %swap3A = arith.index_cast %scan3A_30 : i32 to index
      %swap3A_33 = arith.constant 0 : index
      %swap3A_34 = tpu.vector_load %arg5[%swap3A, %swap3A_33] {strides = array<i32>} : memref<128x16xf32, #tpu.memory_space<vmem>>, vector<1x16xf32>,
      %swap3A_35 = vector.shape_cast %swap3A_34 : vector<1x16xf32> to vector<16xf32>
      %swap3A_36 = vector.shape_cast %broadcast_in_dim3A_32 : vector<16xf32> to vector<1x16xf32>
      tpu.vector_store %arg5[%swap3A, %swap3A_33], %swap3A_36 {strides = array<i32>} : memref<128x16xf32, #tpu.memory_space<vmem>>, vector<1x16xf32>,
      %broadcast_in_dim3A_37 = arith.constant 0.000000e+00 : f32
      %broadcast_in_dim3A_38 = vector.broadcast %broadcast_in_dim3A_37 : f32 to vector<16xf32>
      %swap3A_39 = arith.index_cast %scan3A_30 : i32 to index
      %swap3A_40 = arith.constant 0 : index
      %swap3A_41 = tpu.vector_load %arg6[%swap3A_39, %swap3A_40] {strides = array<i32>} : memref<128x16xf32, #tpu.memory_space<vmem>>, vector<1x16xf32>,
      %swap3A_42 = vector.shape_cast %swap3A_41 : vector<1x16xf32> to vector<16xf32>
      %swap3A_43 = vector.shape_cast %broadcast_in_dim3A_38 : vector<16xf32> to vector<1x16xf32>
      tpu.vector_store %arg6[%swap3A_39, %swap3A_40], %swap3A_43 {strides = array<i32>} : memref<128x16xf32, #tpu.memory_space<vmem>>, vector<1x16xf32>,
      %scan3A_44 = arith.constant 0 : i32
      scf.yield %scan3A_44 : i32
    }
    %scan3A_6 = arith.constant 128 : i32
    %scan3A_7 = arith.constant 0 : i32
    %scan3A_8 = arith.constant 0 : i32
    %scan3A_9 = arith.constant 4 : i32
    %scan3A_10 = arith.addi %scan3A_8, %scan3A_9 : i32
    %scan3A_11 = arith.constant 1 : i32
    %scan3A_12 = scf.for %scan3A_30 = %scan3A_8 to %scan3A_10 step %scan3A_11 iter_args(%scan3A_31 = %scan3A_7) -> (i32)  : i32 {
      %mul3A_32 = arith.constant 632 : i32
      %mul3A_33 = arith.muli %arg1, %mul3A_32 : i32
      %mul3A_34 = arith.constant 128 : i32
      %mul3A_35 = arith.muli %scan3A_30, %mul3A_34 : i32
      %add3A_36 = arith.addi %mul3A_33, %mul3A_35 : i32
      "tpu.region"() ({
        %run_scoped3A = tpu.sem_alloc : memref<!tpu.dma_semaphore, #tpu.memory_space<semaphore_mem>>
        %dma_start3A = arith.constant 0 : i32
        %dma_start3A_38 = tpu.memref_slice %arg7[%add3A_36, %dma_start3A] : memref<10112x16xf32, #tpu.memory_space<vmem_shared>> -> memref<128x16xf32, #tpu.memory_space<vmem_shared>>
        %dma_start3A_39 = arith.constant 0 : i32
        %dma_start3A_40 = tpu.memref_slice %arg7[%add3A_36, %dma_start3A_39] : memref<10112x16xf32, #tpu.memory_space<vmem_shared>> -> memref<128x16xf32, #tpu.memory_space<vmem_shared>>
        tpu.enqueue_dma source(%arg6 : memref<128x16xf32, #tpu.memory_space<vmem>>) target(%dma_start3A_40 : memref<128x16xf32, #tpu.memory_space<vmem_shared>>) target_semaphore(%run_scoped3A : memref<!tpu.dma_semaphore, #tpu.memory_space<semaphore_mem>>)
        %dma_wait3A = arith.constant 0 : i32
        %dma_wait3A_41 = tpu.memref_slice %arg7[%add3A_36, %dma_wait3A] : memref<10112x16xf32, #tpu.memory_space<vmem_shared>> -> memref<128x16xf32, #tpu.memory_space<vmem_shared>>
        %dma_wait3A_42 = arith.constant 0 : i32
        %dma_wait3A_43 = tpu.memref_slice %arg7[%add3A_36, %dma_wait3A_42] : memref<10112x16xf32, #tpu.memory_space<vmem_shared>> -> memref<128x16xf32, #tpu.memory_space<vmem_shared>>
        tpu.wait_dma2 semaphore(%run_scoped3A : memref<!tpu.dma_semaphore, #tpu.memory_space<semaphore_mem>>) src(%arg6 : memref<128x16xf32, #tpu.memory_space<vmem>>) dst(%dma_wait3A_43 : memref<128x16xf32, #tpu.memory_space<vmem_shared>>)
        tpu.yield
      }) : () -> ()
      %scan3A_37 = arith.constant 0 : i32
      scf.yield %scan3A_37 : i32
    }
    %scan3A_13 = arith.constant 4 : i32
    %mul3A_14 = arith.constant 632 : i32
    %mul3A_15 = arith.muli %arg1, %mul3A_14 : i32
    %add3A_16 = arith.constant 512 : i32
    %add3A_17 = arith.addi %mul3A_15, %add3A_16 : i32
    "tpu.region"() ({
      %run_scoped3A = tpu.sem_alloc : memref<!tpu.dma_semaphore, #tpu.memory_space<semaphore_mem>>
      %dma_start3A = arith.constant 0 : i32
      %dma_start3A_30 = arith.constant 0 : i32
      %dma_start3A_31 = tpu.memref_slice %arg6[%dma_start3A, %dma_start3A_30] : memref<128x16xf32, #tpu.memory_space<vmem>> -> memref<120x16xf32, #tpu.memory_space<vmem>>
      %dma_start3A_32 = arith.constant 0 : i32
      %dma_start3A_33 = tpu.memref_slice %arg7[%add3A_17, %dma_start3A_32] : memref<10112x16xf32, #tpu.memory_space<vmem_shared>> -> memref<120x16xf32, #tpu.memory_space<vmem_shared>>
      %dma_start3A_34 = arith.constant 0 : i32
      %dma_start3A_35 = tpu.memref_slice %arg7[%add3A_17, %dma_start3A_34] : memref<10112x16xf32, #tpu.memory_space<vmem_shared>> -> memref<120x16xf32, #tpu.memory_space<vmem_shared>>
      %dma_start3A_36 = arith.constant 0 : i32
      %dma_start3A_37 = arith.constant 0 : i32
      %dma_start3A_38 = tpu.memref_slice %arg6[%dma_start3A_36, %dma_start3A_37] : memref<128x16xf32, #tpu.memory_space<vmem>> -> memref<120x16xf32, #tpu.memory_space<vmem>>
      tpu.enqueue_dma source(%dma_start3A_38 : memref<120x16xf32, #tpu.memory_space<vmem>>) target(%dma_start3A_35 : memref<120x16xf32, #tpu.memory_space<vmem_shared>>) target_semaphore(%run_scoped3A : memref<!tpu.dma_semaphore, #tpu.memory_space<semaphore_mem>>)
      %dma_wait3A = arith.constant 0 : i32
      %dma_wait3A_39 = arith.constant 0 : i32
      %dma_wait3A_40 = tpu.memref_slice %arg6[%dma_wait3A, %dma_wait3A_39] : memref<128x16xf32, #tpu.memory_space<vmem>> -> memref<120x16xf32, #tpu.memory_space<vmem>>
      %dma_wait3A_41 = arith.constant 0 : i32
      %dma_wait3A_42 = tpu.memref_slice %arg7[%add3A_17, %dma_wait3A_41] : memref<10112x16xf32, #tpu.memory_space<vmem_shared>> -> memref<120x16xf32, #tpu.memory_space<vmem_shared>>
      %dma_wait3A_43 = arith.constant 0 : i32
      %dma_wait3A_44 = tpu.memref_slice %arg7[%add3A_17, %dma_wait3A_43] : memref<10112x16xf32, #tpu.memory_space<vmem_shared>> -> memref<120x16xf32, #tpu.memory_space<vmem_shared>>
      %dma_wait3A_45 = arith.constant 0 : i32
      %dma_wait3A_46 = arith.constant 0 : i32
      %dma_wait3A_47 = tpu.memref_slice %arg6[%dma_wait3A_45, %dma_wait3A_46] : memref<128x16xf32, #tpu.memory_space<vmem>> -> memref<120x16xf32, #tpu.memory_space<vmem>>
      tpu.wait_dma2 semaphore(%run_scoped3A : memref<!tpu.dma_semaphore, #tpu.memory_space<semaphore_mem>>) src(%dma_wait3A_47 : memref<120x16xf32, #tpu.memory_space<vmem>>) dst(%dma_wait3A_44 : memref<120x16xf32, #tpu.memory_space<vmem_shared>>)
      tpu.yield
    }) : () -> ()
    "tpu.region"() ({
      %run_scoped3A = tpu.sem_alloc : memref<!tpu.dma_semaphore, #tpu.memory_space<semaphore_mem>>
      %dma_start3A = arith.constant 0 : i32
      %dma_start3A_30 = arith.constant 0 : i32
      %dma_start3A_31 = tpu.memref_slice %arg2[%add3A, %dma_start3A, %dma_start3A_30] : memref<32x79x128xi32, #tpu.memory_space<hbm>> -> memref<1x79x128xi32, #tpu.memory_space<hbm>>
      %dma_start3A_32 = tpu.memref_squeeze %dma_start3A_31 : memref<1x79x128xi32, #tpu.memory_space<hbm>> -> memref<79x128xi32, #tpu.memory_space<hbm>>
      %dma_start3A_33 = arith.constant 0 : i32
      %dma_start3A_34 = arith.constant 0 : i32
      %dma_start3A_35 = tpu.memref_slice %arg2[%add3A, %dma_start3A_33, %dma_start3A_34] : memref<32x79x128xi32, #tpu.memory_space<hbm>> -> memref<1x79x128xi32, #tpu.memory_space<hbm>>
      %dma_start3A_36 = tpu.memref_squeeze %dma_start3A_35 : memref<1x79x128xi32, #tpu.memory_space<hbm>> -> memref<79x128xi32, #tpu.memory_space<hbm>>
      tpu.enqueue_dma source(%dma_start3A_36 : memref<79x128xi32, #tpu.memory_space<hbm>>) target(%arg4 : memref<79x128xi32, #tpu.memory_space<vmem>>) target_semaphore(%run_scoped3A : memref<!tpu.dma_semaphore, #tpu.memory_space<semaphore_mem>>)
      %dma_wait3A = arith.constant 0 : i32
      %dma_wait3A_37 = arith.constant 0 : i32
      %dma_wait3A_38 = tpu.memref_slice %arg2[%add3A, %dma_wait3A, %dma_wait3A_37] : memref<32x79x128xi32, #tpu.memory_space<hbm>> -> memref<1x79x128xi32, #tpu.memory_space<hbm>>
      %dma_wait3A_39 = tpu.memref_squeeze %dma_wait3A_38 : memref<1x79x128xi32, #tpu.memory_space<hbm>> -> memref<79x128xi32, #tpu.memory_space<hbm>>
      %dma_wait3A_40 = arith.constant 0 : i32
      %dma_wait3A_41 = arith.constant 0 : i32
      %dma_wait3A_42 = tpu.memref_slice %arg2[%add3A, %dma_wait3A_40, %dma_wait3A_41] : memref<32x79x128xi32, #tpu.memory_space<hbm>> -> memref<1x79x128xi32, #tpu.memory_space<hbm>>
      %dma_wait3A_43 = tpu.memref_squeeze %dma_wait3A_42 : memref<1x79x128xi32, #tpu.memory_space<hbm>> -> memref<79x128xi32, #tpu.memory_space<hbm>>
      tpu.wait_dma2 semaphore(%run_scoped3A : memref<!tpu.dma_semaphore, #tpu.memory_space<semaphore_mem>>) src(%dma_wait3A_43 : memref<79x128xi32, #tpu.memory_space<hbm>>) dst(%arg4 : memref<79x128xi32, #tpu.memory_space<vmem>>)
      tpu.yield
    }) : () -> ()
    %barrier3A = arith.constant 0 : index
    tpu.barrier barrier_id(%barrier3A)
    %scan3A_18 = arith.constant 0 : i32
    %scan3A_19 = arith.constant 0 : i32
    %scan3A_20 = arith.constant 79 : i32
    %scan3A_21 = arith.addi %scan3A_19, %scan3A_20 : i32
    %scan3A_22 = arith.constant 1 : i32
    %scan3A_23 = scf.for %scan3A_30 = %scan3A_19 to %scan3A_21 step %scan3A_22 iter_args(%scan3A_31 = %scan3A_18) -> (i32)  : i32 {
      "tpu.region"() ({
        %run_scoped3A = tpu.sem_alloc : memref<!tpu.dma_semaphore, #tpu.memory_space<semaphore_mem>>
        %dma_start3A = arith.constant 0 : i32
        %dma_start3A_33 = tpu.memref_slice %arg4[%scan3A_30, %dma_start3A] : memref<79x128xi32, #tpu.memory_space<vmem>> -> memref<1x128xi32, #tpu.memory_space<vmem>>
        %dma_start3A_34 = tpu.memref_squeeze %dma_start3A_33 : memref<1x128xi32, #tpu.memory_space<vmem>> -> memref<128xi32, #tpu.memory_space<vmem>>
        %dma_start3A_35 = arith.constant 0 : i32
        %dma_start3A_36 = arith.constant 0 : i32
        %dma_start3A_37 = tpu.memref_slice %arg7[%dma_start3A_35, %dma_start3A_36] : memref<10112x16xf32, #tpu.memory_space<vmem_shared>> -> memref<10112x16xf32, #tpu.memory_space<vmem_shared>>
        tpu.enqueue_indirect_dma source(%arg5 : memref<128x16xf32, #tpu.memory_space<vmem>>) target(%dma_start3A_37 : memref<10112x16xf32, #tpu.memory_space<vmem_shared>>) offsets(%dma_start3A_34 : memref<128xi32, #tpu.memory_space<vmem>>) semaphore(%run_scoped3A : memref<!tpu.dma_semaphore, #tpu.memory_space<semaphore_mem>>) {add = true}
        %dma_wait3A = arith.constant 0 : i32
        %dma_wait3A_38 = tpu.memref_slice %arg4[%scan3A_30, %dma_wait3A] : memref<79x128xi32, #tpu.memory_space<vmem>> -> memref<1x128xi32, #tpu.memory_space<vmem>>
        %dma_wait3A_39 = tpu.memref_squeeze %dma_wait3A_38 : memref<1x128xi32, #tpu.memory_space<vmem>> -> memref<128xi32, #tpu.memory_space<vmem>>
        %dma_wait3A_40 = arith.constant 0 : i32
        %dma_wait3A_41 = arith.constant 0 : i32
        %dma_wait3A_42 = tpu.memref_slice %arg7[%dma_wait3A_40, %dma_wait3A_41] : memref<10112x16xf32, #tpu.memory_space<vmem_shared>> -> memref<10112x16xf32, #tpu.memory_space<vmem_shared>>
        tpu.wait_indirect_dma semaphore(%run_scoped3A : memref<!tpu.dma_semaphore, #tpu.memory_space<semaphore_mem>>) src(%arg5 : memref<128x16xf32, #tpu.memory_space<vmem>>) dst(%dma_wait3A_42 : memref<10112x16xf32, #tpu.memory_space<vmem_shared>>)
        tpu.yield
      }) : () -> ()
      %scan3A_32 = arith.constant 0 : i32
      scf.yield %scan3A_32 : i32
    }
    %scan3A_24 = arith.constant 79 : i32
    %barrier3A_25 = arith.constant 0 : index
    tpu.barrier barrier_id(%barrier3A_25)
    %mul3A_26 = arith.constant 632 : i32
    %mul3A_27 = arith.muli %arg1, %mul3A_26 : i32
    %mul3A_28 = arith.constant 632 : i32
    %mul3A_29 = arith.muli %arg1, %mul3A_28 : i32
    "tpu.region"() ({
      %run_scoped3A = tpu.sem_alloc : memref<!tpu.dma_semaphore, #tpu.memory_space<semaphore_mem>>
      %dma_start3A = arith.constant 0 : i32
      %dma_start3A_30 = tpu.memref_slice %arg3[%arg0, %mul3A_29, %dma_start3A] : memref<2x10112x16xf32, #tpu.memory_space<hbm>> -> memref<1x632x16xf32, #tpu.memory_space<hbm>>
      %dma_start3A_31 = tpu.memref_squeeze %dma_start3A_30 : memref<1x632x16xf32, #tpu.memory_space<hbm>> -> memref<632x16xf32, #tpu.memory_space<hbm>>
      %dma_start3A_32 = arith.constant 0 : i32
      %dma_start3A_33 = tpu.memref_slice %arg7[%mul3A_27, %dma_start3A_32] : memref<10112x16xf32, #tpu.memory_space<vmem_shared>> -> memref<632x16xf32, #tpu.memory_space<vmem_shared>>
      tpu.enqueue_dma source(%dma_start3A_33 : memref<632x16xf32, #tpu.memory_space<vmem_shared>>) target(%dma_start3A_31 : memref<632x16xf32, #tpu.memory_space<hbm>>) target_semaphore(%run_scoped3A : memref<!tpu.dma_semaphore, #tpu.memory_space<semaphore_mem>>)
      %dma_wait3A = arith.constant 0 : i32
      %dma_wait3A_34 = tpu.memref_slice %arg3[%arg0, %mul3A_29, %dma_wait3A] : memref<2x10112x16xf32, #tpu.memory_space<hbm>> -> memref<1x632x16xf32, #tpu.memory_space<hbm>>
      %dma_wait3A_35 = tpu.memref_squeeze %dma_wait3A_34 : memref<1x632x16xf32, #tpu.memory_space<hbm>> -> memref<632x16xf32, #tpu.memory_space<hbm>>
      %dma_wait3A_36 = arith.constant 0 : i32
      %dma_wait3A_37 = tpu.memref_slice %arg7[%mul3A_27, %dma_wait3A_36] : memref<10112x16xf32, #tpu.memory_space<vmem_shared>> -> memref<632x16xf32, #tpu.memory_space<vmem_shared>>
      tpu.wait_dma2 semaphore(%run_scoped3A : memref<!tpu.dma_semaphore, #tpu.memory_space<semaphore_mem>>) src(%dma_wait3A_37 : memref<632x16xf32, #tpu.memory_space<vmem_shared>>) dst(%dma_wait3A_35 : memref<632x16xf32, #tpu.memory_space<hbm>>)
      tpu.yield
    }) : () -> ()
    return
  }
}

#map = affine_map<(d0, d1) -> (0, 0, 0, 0, 0)>
#map1 = affine_map<(d0, d1) -> (0, 0)>
#map2 = affine_map<(d0, d1) -> (0, 0, 0)>
module attributes {stable_mosaic.version = 14 : i64} {
  func.func @_sc_aggregate(%arg0: i32, %arg1: i32, %arg2: memref<32x79x2x1x128xi32, #tpu.memory_space<hbm>>, %arg3: memref<10112x128xf32, #tpu.memory_space<hbm>>, %arg4: memref<2x10112x128xf32, #tpu.memory_space<hbm>>, %arg5: memref<2x1x128xi32, #tpu.memory_space<vmem>>, %arg6: memref<2x1x128xi32, #tpu.memory_space<vmem>>, %arg7: memref<128x128xf32, #tpu.memory_space<vmem>>, %arg8: memref<128x128xf32, #tpu.memory_space<vmem>>, %arg9: memref<128x128xf32, #tpu.memory_space<vmem>>, %arg10: memref<10112x128xf32, #tpu.memory_space<vmem_shared>>, %arg11: memref<!tpu.dma_semaphore, #tpu.memory_space<semaphore_mem>>, %arg12: memref<!tpu.dma_semaphore, #tpu.memory_space<semaphore_mem>>, %arg13: memref<!tpu.dma_semaphore, #tpu.memory_space<semaphore_mem>>, %arg14: memref<!tpu.dma_semaphore, #tpu.memory_space<semaphore_mem>>) attributes {dimension_semantics = [#tpu.dimension_semantics<core_parallel>, #tpu.dimension_semantics<subcore_parallel>], iteration_bounds = array<i64: 2, 16>, scalar_prefetch = 0 : i64, scratch_operands = 10 : i64, tpu.core_type = #tpu.core_type<sc_vector_subcore>, window_params = [{transform_indices = #map}, {transform_indices = #map1}, {transform_indices = #map2}]} {
    %mul3A = arith.constant 2 : i32
    %mul3A_0 = arith.muli %arg1, %mul3A : i32
    %add3A = arith.addi %mul3A_0, %arg0 : i32
    %scan3A = arith.constant 0 : i32
    %scan3A_1 = arith.constant 0 : i32
    %scan3A_2 = arith.constant 128 : i32
    %scan3A_3 = arith.addi %scan3A_1, %scan3A_2 : i32
    %scan3A_4 = arith.constant 1 : i32
    %scan3A_5 = scf.for %scan3A_68 = %scan3A_1 to %scan3A_3 step %scan3A_4 iter_args(%scan3A_69 = %scan3A) -> (i32)  : i32 {
      %broadcast_in_dim3A = arith.constant 0.000000e+00 : f32
      %broadcast_in_dim3A_70 = vector.broadcast %broadcast_in_dim3A : f32 to vector<16xf32>
      %swap3A = arith.index_cast %scan3A_68 : i32 to index
      %swap3A_71 = arith.constant 0 : index
      %swap3A_72 = tpu.vector_load %arg9[%swap3A, %swap3A_71] {strides = array<i32>} : memref<128x128xf32, #tpu.memory_space<vmem>>, vector<1x16xf32>,
      %swap3A_73 = vector.shape_cast %swap3A_72 : vector<1x16xf32> to vector<16xf32>
      %swap3A_74 = vector.shape_cast %broadcast_in_dim3A_70 : vector<16xf32> to vector<1x16xf32>
      tpu.vector_store %arg9[%swap3A, %swap3A_71], %swap3A_74 {strides = array<i32>} : memref<128x128xf32, #tpu.memory_space<vmem>>, vector<1x16xf32>,
      %broadcast_in_dim3A_75 = arith.constant 0.000000e+00 : f32
      %broadcast_in_dim3A_76 = vector.broadcast %broadcast_in_dim3A_75 : f32 to vector<16xf32>
      %swap3A_77 = arith.index_cast %scan3A_68 : i32 to index
      %swap3A_78 = arith.constant 16 : index
      %swap3A_79 = tpu.vector_load %arg9[%swap3A_77, %swap3A_78] {strides = array<i32>} : memref<128x128xf32, #tpu.memory_space<vmem>>, vector<1x16xf32>,
      %swap3A_80 = vector.shape_cast %swap3A_79 : vector<1x16xf32> to vector<16xf32>
      %swap3A_81 = vector.shape_cast %broadcast_in_dim3A_76 : vector<16xf32> to vector<1x16xf32>
      tpu.vector_store %arg9[%swap3A_77, %swap3A_78], %swap3A_81 {strides = array<i32>} : memref<128x128xf32, #tpu.memory_space<vmem>>, vector<1x16xf32>,
      %broadcast_in_dim3A_82 = arith.constant 0.000000e+00 : f32
      %broadcast_in_dim3A_83 = vector.broadcast %broadcast_in_dim3A_82 : f32 to vector<16xf32>
      %swap3A_84 = arith.index_cast %scan3A_68 : i32 to index
      %swap3A_85 = arith.constant 32 : index
      %swap3A_86 = tpu.vector_load %arg9[%swap3A_84, %swap3A_85] {strides = array<i32>} : memref<128x128xf32, #tpu.memory_space<vmem>>, vector<1x16xf32>,
      %swap3A_87 = vector.shape_cast %swap3A_86 : vector<1x16xf32> to vector<16xf32>
      %swap3A_88 = vector.shape_cast %broadcast_in_dim3A_83 : vector<16xf32> to vector<1x16xf32>
      tpu.vector_store %arg9[%swap3A_84, %swap3A_85], %swap3A_88 {strides = array<i32>} : memref<128x128xf32, #tpu.memory_space<vmem>>, vector<1x16xf32>,
      %broadcast_in_dim3A_89 = arith.constant 0.000000e+00 : f32
      %broadcast_in_dim3A_90 = vector.broadcast %broadcast_in_dim3A_89 : f32 to vector<16xf32>
      %swap3A_91 = arith.index_cast %scan3A_68 : i32 to index
      %swap3A_92 = arith.constant 48 : index
      %swap3A_93 = tpu.vector_load %arg9[%swap3A_91, %swap3A_92] {strides = array<i32>} : memref<128x128xf32, #tpu.memory_space<vmem>>, vector<1x16xf32>,
      %swap3A_94 = vector.shape_cast %swap3A_93 : vector<1x16xf32> to vector<16xf32>
      %swap3A_95 = vector.shape_cast %broadcast_in_dim3A_90 : vector<16xf32> to vector<1x16xf32>
      tpu.vector_store %arg9[%swap3A_91, %swap3A_92], %swap3A_95 {strides = array<i32>} : memref<128x128xf32, #tpu.memory_space<vmem>>, vector<1x16xf32>,
      %broadcast_in_dim3A_96 = arith.constant 0.000000e+00 : f32
      %broadcast_in_dim3A_97 = vector.broadcast %broadcast_in_dim3A_96 : f32 to vector<16xf32>
      %swap3A_98 = arith.index_cast %scan3A_68 : i32 to index
      %swap3A_99 = arith.constant 64 : index
      %swap3A_100 = tpu.vector_load %arg9[%swap3A_98, %swap3A_99] {strides = array<i32>} : memref<128x128xf32, #tpu.memory_space<vmem>>, vector<1x16xf32>,
      %swap3A_101 = vector.shape_cast %swap3A_100 : vector<1x16xf32> to vector<16xf32>
      %swap3A_102 = vector.shape_cast %broadcast_in_dim3A_97 : vector<16xf32> to vector<1x16xf32>
      tpu.vector_store %arg9[%swap3A_98, %swap3A_99], %swap3A_102 {strides = array<i32>} : memref<128x128xf32, #tpu.memory_space<vmem>>, vector<1x16xf32>,
      %broadcast_in_dim3A_103 = arith.constant 0.000000e+00 : f32
      %broadcast_in_dim3A_104 = vector.broadcast %broadcast_in_dim3A_103 : f32 to vector<16xf32>
      %swap3A_105 = arith.index_cast %scan3A_68 : i32 to index
      %swap3A_106 = arith.constant 80 : index
      %swap3A_107 = tpu.vector_load %arg9[%swap3A_105, %swap3A_106] {strides = array<i32>} : memref<128x128xf32, #tpu.memory_space<vmem>>, vector<1x16xf32>,
      %swap3A_108 = vector.shape_cast %swap3A_107 : vector<1x16xf32> to vector<16xf32>
      %swap3A_109 = vector.shape_cast %broadcast_in_dim3A_104 : vector<16xf32> to vector<1x16xf32>
      tpu.vector_store %arg9[%swap3A_105, %swap3A_106], %swap3A_109 {strides = array<i32>} : memref<128x128xf32, #tpu.memory_space<vmem>>, vector<1x16xf32>,
      %broadcast_in_dim3A_110 = arith.constant 0.000000e+00 : f32
      %broadcast_in_dim3A_111 = vector.broadcast %broadcast_in_dim3A_110 : f32 to vector<16xf32>
      %swap3A_112 = arith.index_cast %scan3A_68 : i32 to index
      %swap3A_113 = arith.constant 96 : index
      %swap3A_114 = tpu.vector_load %arg9[%swap3A_112, %swap3A_113] {strides = array<i32>} : memref<128x128xf32, #tpu.memory_space<vmem>>, vector<1x16xf32>,
      %swap3A_115 = vector.shape_cast %swap3A_114 : vector<1x16xf32> to vector<16xf32>
      %swap3A_116 = vector.shape_cast %broadcast_in_dim3A_111 : vector<16xf32> to vector<1x16xf32>
      tpu.vector_store %arg9[%swap3A_112, %swap3A_113], %swap3A_116 {strides = array<i32>} : memref<128x128xf32, #tpu.memory_space<vmem>>, vector<1x16xf32>,
      %broadcast_in_dim3A_117 = arith.constant 0.000000e+00 : f32
      %broadcast_in_dim3A_118 = vector.broadcast %broadcast_in_dim3A_117 : f32 to vector<16xf32>
      %swap3A_119 = arith.index_cast %scan3A_68 : i32 to index
      %swap3A_120 = arith.constant 112 : index
      %swap3A_121 = tpu.vector_load %arg9[%swap3A_119, %swap3A_120] {strides = array<i32>} : memref<128x128xf32, #tpu.memory_space<vmem>>, vector<1x16xf32>,
      %swap3A_122 = vector.shape_cast %swap3A_121 : vector<1x16xf32> to vector<16xf32>
      %swap3A_123 = vector.shape_cast %broadcast_in_dim3A_118 : vector<16xf32> to vector<1x16xf32>
      tpu.vector_store %arg9[%swap3A_119, %swap3A_120], %swap3A_123 {strides = array<i32>} : memref<128x128xf32, #tpu.memory_space<vmem>>, vector<1x16xf32>,
      %scan3A_124 = arith.constant 0 : i32
      scf.yield %scan3A_124 : i32
    }
    %scan3A_6 = arith.constant 128 : i32
    %scan3A_7 = arith.constant 0 : i32
    %scan3A_8 = arith.constant 0 : i32
    %scan3A_9 = arith.constant 4 : i32
    %scan3A_10 = arith.addi %scan3A_8, %scan3A_9 : i32
    %scan3A_11 = arith.constant 1 : i32
    %scan3A_12 = scf.for %scan3A_68 = %scan3A_8 to %scan3A_10 step %scan3A_11 iter_args(%scan3A_69 = %scan3A_7) -> (i32)  : i32 {
      %mul3A_70 = arith.constant 632 : i32
      %mul3A_71 = arith.muli %arg1, %mul3A_70 : i32
      %mul3A_72 = arith.constant 128 : i32
      %mul3A_73 = arith.muli %scan3A_68, %mul3A_72 : i32
      %add3A_74 = arith.addi %mul3A_71, %mul3A_73 : i32
      "tpu.region"() ({
        %run_scoped3A_76 = tpu.sem_alloc : memref<!tpu.dma_semaphore, #tpu.memory_space<semaphore_mem>>
        %dma_start3A_77 = arith.constant 0 : i32
        %dma_start3A_78 = tpu.memref_slice %arg10[%add3A_74, %dma_start3A_77] : memref<10112x128xf32, #tpu.memory_space<vmem_shared>> -> memref<128x128xf32, #tpu.memory_space<vmem_shared>>
        %dma_start3A_79 = arith.constant 0 : i32
        %dma_start3A_80 = tpu.memref_slice %arg10[%add3A_74, %dma_start3A_79] : memref<10112x128xf32, #tpu.memory_space<vmem_shared>> -> memref<128x128xf32, #tpu.memory_space<vmem_shared>>
        tpu.enqueue_dma source(%arg9 : memref<128x128xf32, #tpu.memory_space<vmem>>) target(%dma_start3A_80 : memref<128x128xf32, #tpu.memory_space<vmem_shared>>) target_semaphore(%run_scoped3A_76 : memref<!tpu.dma_semaphore, #tpu.memory_space<semaphore_mem>>)
        %dma_wait3A_81 = arith.constant 0 : i32
        %dma_wait3A_82 = tpu.memref_slice %arg10[%add3A_74, %dma_wait3A_81] : memref<10112x128xf32, #tpu.memory_space<vmem_shared>> -> memref<128x128xf32, #tpu.memory_space<vmem_shared>>
        %dma_wait3A_83 = arith.constant 0 : i32
        %dma_wait3A_84 = tpu.memref_slice %arg10[%add3A_74, %dma_wait3A_83] : memref<10112x128xf32, #tpu.memory_space<vmem_shared>> -> memref<128x128xf32, #tpu.memory_space<vmem_shared>>
        tpu.wait_dma2 semaphore(%run_scoped3A_76 : memref<!tpu.dma_semaphore, #tpu.memory_space<semaphore_mem>>) src(%arg9 : memref<128x128xf32, #tpu.memory_space<vmem>>) dst(%dma_wait3A_84 : memref<128x128xf32, #tpu.memory_space<vmem_shared>>)
        tpu.yield
      }) : () -> ()
      %scan3A_75 = arith.constant 0 : i32
      scf.yield %scan3A_75 : i32
    }
    %scan3A_13 = arith.constant 4 : i32
    %mul3A_14 = arith.constant 632 : i32
    %mul3A_15 = arith.muli %arg1, %mul3A_14 : i32
    %add3A_16 = arith.constant 512 : i32
    %add3A_17 = arith.addi %mul3A_15, %add3A_16 : i32
    "tpu.region"() ({
      %run_scoped3A_68 = tpu.sem_alloc : memref<!tpu.dma_semaphore, #tpu.memory_space<semaphore_mem>>
      %dma_start3A_69 = arith.constant 0 : i32
      %dma_start3A_70 = arith.constant 0 : i32
      %dma_start3A_71 = tpu.memref_slice %arg9[%dma_start3A_69, %dma_start3A_70] : memref<128x128xf32, #tpu.memory_space<vmem>> -> memref<120x128xf32, #tpu.memory_space<vmem>>
      %dma_start3A_72 = arith.constant 0 : i32
      %dma_start3A_73 = tpu.memref_slice %arg10[%add3A_17, %dma_start3A_72] : memref<10112x128xf32, #tpu.memory_space<vmem_shared>> -> memref<120x128xf32, #tpu.memory_space<vmem_shared>>
      %dma_start3A_74 = arith.constant 0 : i32
      %dma_start3A_75 = tpu.memref_slice %arg10[%add3A_17, %dma_start3A_74] : memref<10112x128xf32, #tpu.memory_space<vmem_shared>> -> memref<120x128xf32, #tpu.memory_space<vmem_shared>>
      %dma_start3A_76 = arith.constant 0 : i32
      %dma_start3A_77 = arith.constant 0 : i32
      %dma_start3A_78 = tpu.memref_slice %arg9[%dma_start3A_76, %dma_start3A_77] : memref<128x128xf32, #tpu.memory_space<vmem>> -> memref<120x128xf32, #tpu.memory_space<vmem>>
      tpu.enqueue_dma source(%dma_start3A_78 : memref<120x128xf32, #tpu.memory_space<vmem>>) target(%dma_start3A_75 : memref<120x128xf32, #tpu.memory_space<vmem_shared>>) target_semaphore(%run_scoped3A_68 : memref<!tpu.dma_semaphore, #tpu.memory_space<semaphore_mem>>)
      %dma_wait3A_79 = arith.constant 0 : i32
      %dma_wait3A_80 = arith.constant 0 : i32
      %dma_wait3A_81 = tpu.memref_slice %arg9[%dma_wait3A_79, %dma_wait3A_80] : memref<128x128xf32, #tpu.memory_space<vmem>> -> memref<120x128xf32, #tpu.memory_space<vmem>>
      %dma_wait3A_82 = arith.constant 0 : i32
      %dma_wait3A_83 = tpu.memref_slice %arg10[%add3A_17, %dma_wait3A_82] : memref<10112x128xf32, #tpu.memory_space<vmem_shared>> -> memref<120x128xf32, #tpu.memory_space<vmem_shared>>
      %dma_wait3A_84 = arith.constant 0 : i32
      %dma_wait3A_85 = tpu.memref_slice %arg10[%add3A_17, %dma_wait3A_84] : memref<10112x128xf32, #tpu.memory_space<vmem_shared>> -> memref<120x128xf32, #tpu.memory_space<vmem_shared>>
      %dma_wait3A_86 = arith.constant 0 : i32
      %dma_wait3A_87 = arith.constant 0 : i32
      %dma_wait3A_88 = tpu.memref_slice %arg9[%dma_wait3A_86, %dma_wait3A_87] : memref<128x128xf32, #tpu.memory_space<vmem>> -> memref<120x128xf32, #tpu.memory_space<vmem>>
      tpu.wait_dma2 semaphore(%run_scoped3A_68 : memref<!tpu.dma_semaphore, #tpu.memory_space<semaphore_mem>>) src(%dma_wait3A_88 : memref<120x128xf32, #tpu.memory_space<vmem>>) dst(%dma_wait3A_85 : memref<120x128xf32, #tpu.memory_space<vmem_shared>>)
      tpu.yield
    }) : () -> ()
    %barrier3A = arith.constant 0 : index
    tpu.barrier barrier_id(%barrier3A)
    %run_scoped3A = arith.constant 0 : i32
    "tpu.region"() ({
      %run_scoped3A_68 = tpu.sem_alloc : memref<!tpu.dma_semaphore, #tpu.memory_space<semaphore_mem>>
      %dma_start3A_69 = arith.constant 0 : i32
      %dma_start3A_70 = arith.constant 0 : i32
      %dma_start3A_71 = arith.constant 0 : i32
      %dma_start3A_72 = tpu.memref_slice %arg2[%add3A, %run_scoped3A, %dma_start3A_69, %dma_start3A_70, %dma_start3A_71] : memref<32x79x2x1x128xi32, #tpu.memory_space<hbm>> -> memref<1x1x2x1x128xi32, #tpu.memory_space<hbm>>
      %dma_start3A_73 = tpu.memref_squeeze %dma_start3A_72 : memref<1x1x2x1x128xi32, #tpu.memory_space<hbm>> -> memref<2x1x128xi32, #tpu.memory_space<hbm>>
      %dma_start3A_74 = arith.constant 0 : i32
      %dma_start3A_75 = arith.constant 0 : i32
      %dma_start3A_76 = arith.constant 0 : i32
      %dma_start3A_77 = tpu.memref_slice %arg2[%add3A, %run_scoped3A, %dma_start3A_74, %dma_start3A_75, %dma_start3A_76] : memref<32x79x2x1x128xi32, #tpu.memory_space<hbm>> -> memref<1x1x2x1x128xi32, #tpu.memory_space<hbm>>
      %dma_start3A_78 = tpu.memref_squeeze %dma_start3A_77 : memref<1x1x2x1x128xi32, #tpu.memory_space<hbm>> -> memref<2x1x128xi32, #tpu.memory_space<hbm>>
      tpu.enqueue_dma source(%dma_start3A_78 : memref<2x1x128xi32, #tpu.memory_space<hbm>>) target(%arg5 : memref<2x1x128xi32, #tpu.memory_space<vmem>>) target_semaphore(%run_scoped3A_68 : memref<!tpu.dma_semaphore, #tpu.memory_space<semaphore_mem>>)
      %dma_wait3A_79 = arith.constant 0 : i32
      %dma_wait3A_80 = arith.constant 0 : i32
      %dma_wait3A_81 = arith.constant 0 : i32
      %dma_wait3A_82 = tpu.memref_slice %arg2[%add3A, %run_scoped3A, %dma_wait3A_79, %dma_wait3A_80, %dma_wait3A_81] : memref<32x79x2x1x128xi32, #tpu.memory_space<hbm>> -> memref<1x1x2x1x128xi32, #tpu.memory_space<hbm>>
      %dma_wait3A_83 = tpu.memref_squeeze %dma_wait3A_82 : memref<1x1x2x1x128xi32, #tpu.memory_space<hbm>> -> memref<2x1x128xi32, #tpu.memory_space<hbm>>
      %dma_wait3A_84 = arith.constant 0 : i32
      %dma_wait3A_85 = arith.constant 0 : i32
      %dma_wait3A_86 = arith.constant 0 : i32
      %dma_wait3A_87 = tpu.memref_slice %arg2[%add3A, %run_scoped3A, %dma_wait3A_84, %dma_wait3A_85, %dma_wait3A_86] : memref<32x79x2x1x128xi32, #tpu.memory_space<hbm>> -> memref<1x1x2x1x128xi32, #tpu.memory_space<hbm>>
      %dma_wait3A_88 = tpu.memref_squeeze %dma_wait3A_87 : memref<1x1x2x1x128xi32, #tpu.memory_space<hbm>> -> memref<2x1x128xi32, #tpu.memory_space<hbm>>
      tpu.wait_dma2 semaphore(%run_scoped3A_68 : memref<!tpu.dma_semaphore, #tpu.memory_space<semaphore_mem>>) src(%dma_wait3A_88 : memref<2x1x128xi32, #tpu.memory_space<hbm>>) dst(%arg5 : memref<2x1x128xi32, #tpu.memory_space<vmem>>)
      tpu.yield
    }) : () -> ()
    %dma_start3A = arith.constant 1 : i32
    %dma_start3A_18 = arith.constant 0 : i32
    %dma_start3A_19 = arith.constant 0 : i32
    %dma_start3A_20 = arith.constant 0 : i32
    %dma_start3A_21 = tpu.memref_slice %arg2[%add3A, %dma_start3A, %dma_start3A_18, %dma_start3A_19, %dma_start3A_20] : memref<32x79x2x1x128xi32, #tpu.memory_space<hbm>> -> memref<1x1x2x1x128xi32, #tpu.memory_space<hbm>>
    %dma_start3A_22 = tpu.memref_squeeze %dma_start3A_21 : memref<1x1x2x1x128xi32, #tpu.memory_space<hbm>> -> memref<2x1x128xi32, #tpu.memory_space<hbm>>
    %dma_start3A_23 = arith.constant 0 : i32
    %dma_start3A_24 = arith.constant 0 : i32
    %dma_start3A_25 = arith.constant 0 : i32
    %dma_start3A_26 = tpu.memref_slice %arg2[%add3A, %dma_start3A, %dma_start3A_23, %dma_start3A_24, %dma_start3A_25] : memref<32x79x2x1x128xi32, #tpu.memory_space<hbm>> -> memref<1x1x2x1x128xi32, #tpu.memory_space<hbm>>
    %dma_start3A_27 = tpu.memref_squeeze %dma_start3A_26 : memref<1x1x2x1x128xi32, #tpu.memory_space<hbm>> -> memref<2x1x128xi32, #tpu.memory_space<hbm>>
    tpu.enqueue_dma source(%dma_start3A_27 : memref<2x1x128xi32, #tpu.memory_space<hbm>>) target(%arg6 : memref<2x1x128xi32, #tpu.memory_space<vmem>>) target_semaphore(%arg14 : memref<!tpu.dma_semaphore, #tpu.memory_space<semaphore_mem>>)
    %dma_start3A_28 = arith.constant 0 : i32
    %dma_start3A_29 = arith.constant 0 : i32
    %dma_start3A_30 = arith.constant 0 : i32
    %dma_start3A_31 = tpu.memref_slice %arg5[%dma_start3A_28, %dma_start3A_29, %dma_start3A_30] : memref<2x1x128xi32, #tpu.memory_space<vmem>> -> memref<1x1x128xi32, #tpu.memory_space<vmem>>
    %dma_start3A_32 = tpu.memref_squeeze %dma_start3A_31 : memref<1x1x128xi32, #tpu.memory_space<vmem>> -> memref<128xi32, #tpu.memory_space<vmem>>
    %dma_start3A_33 = arith.constant 0 : i32
    %dma_start3A_34 = arith.constant 0 : i32
    %dma_start3A_35 = tpu.memref_slice %arg3[%dma_start3A_33, %dma_start3A_34] : memref<10112x128xf32, #tpu.memory_space<hbm>> -> memref<10112x128xf32, #tpu.memory_space<hbm>>
    tpu.enqueue_indirect_dma source(%dma_start3A_35 : memref<10112x128xf32, #tpu.memory_space<hbm>>) target(%arg7 : memref<128x128xf32, #tpu.memory_space<vmem>>) offsets(%dma_start3A_32 : memref<128xi32, #tpu.memory_space<vmem>>) semaphore(%arg11 : memref<!tpu.dma_semaphore, #tpu.memory_space<semaphore_mem>>)
    %scan3A_36 = arith.constant 0 : i32
    %scan3A_37 = arith.constant 0 : i32
    %scan3A_38 = arith.constant 39 : i32
    %scan3A_39 = arith.addi %scan3A_37, %scan3A_38 : i32
    %scan3A_40 = arith.constant 1 : i32
    %scan3A_41 = scf.for %scan3A_68 = %scan3A_37 to %scan3A_39 step %scan3A_40 iter_args(%scan3A_69 = %scan3A_36) -> (i32)  : i32 {
      %mul3A_70 = arith.constant 2 : i32
      %mul3A_71 = arith.muli %mul3A_70, %scan3A_68 : i32
      %dma_wait3A_72 = arith.constant 0 : i32
      %dma_wait3A_73 = arith.constant 0 : i32
      %dma_wait3A_74 = arith.constant 0 : i32
      %dma_wait3A_75 = tpu.memref_slice %arg5[%dma_wait3A_72, %dma_wait3A_73, %dma_wait3A_74] : memref<2x1x128xi32, #tpu.memory_space<vmem>> -> memref<1x1x128xi32, #tpu.memory_space<vmem>>
      %dma_wait3A_76 = tpu.memref_squeeze %dma_wait3A_75 : memref<1x1x128xi32, #tpu.memory_space<vmem>> -> memref<128xi32, #tpu.memory_space<vmem>>
      %dma_wait3A_77 = arith.constant 0 : i32
      %dma_wait3A_78 = arith.constant 0 : i32
      %dma_wait3A_79 = tpu.memref_slice %arg3[%dma_wait3A_77, %dma_wait3A_78] : memref<10112x128xf32, #tpu.memory_space<hbm>> -> memref<10112x128xf32, #tpu.memory_space<hbm>>
      tpu.wait_indirect_dma semaphore(%arg11 : memref<!tpu.dma_semaphore, #tpu.memory_space<semaphore_mem>>) src(%dma_wait3A_79 : memref<10112x128xf32, #tpu.memory_space<hbm>>) dst(%arg7 : memref<128x128xf32, #tpu.memory_space<vmem>>)
      %add3A_80 = arith.constant 1 : i32
      %add3A_81 = arith.addi %mul3A_71, %add3A_80 : i32
      %dma_wait3A_82 = arith.constant 0 : i32
      %dma_wait3A_83 = arith.constant 0 : i32
      %dma_wait3A_84 = arith.constant 0 : i32
      %dma_wait3A_85 = tpu.memref_slice %arg2[%add3A, %add3A_81, %dma_wait3A_82, %dma_wait3A_83, %dma_wait3A_84] : memref<32x79x2x1x128xi32, #tpu.memory_space<hbm>> -> memref<1x1x2x1x128xi32, #tpu.memory_space<hbm>>
      %dma_wait3A_86 = tpu.memref_squeeze %dma_wait3A_85 : memref<1x1x2x1x128xi32, #tpu.memory_space<hbm>> -> memref<2x1x128xi32, #tpu.memory_space<hbm>>
      %dma_wait3A_87 = arith.constant 0 : i32
      %dma_wait3A_88 = arith.constant 0 : i32
      %dma_wait3A_89 = arith.constant 0 : i32
      %dma_wait3A_90 = tpu.memref_slice %arg2[%add3A, %add3A_81, %dma_wait3A_87, %dma_wait3A_88, %dma_wait3A_89] : memref<32x79x2x1x128xi32, #tpu.memory_space<hbm>> -> memref<1x1x2x1x128xi32, #tpu.memory_space<hbm>>
      %dma_wait3A_91 = tpu.memref_squeeze %dma_wait3A_90 : memref<1x1x2x1x128xi32, #tpu.memory_space<hbm>> -> memref<2x1x128xi32, #tpu.memory_space<hbm>>
      tpu.wait_dma2 semaphore(%arg14 : memref<!tpu.dma_semaphore, #tpu.memory_space<semaphore_mem>>) src(%dma_wait3A_91 : memref<2x1x128xi32, #tpu.memory_space<hbm>>) dst(%arg6 : memref<2x1x128xi32, #tpu.memory_space<vmem>>)
      %dma_start3A_92 = arith.constant 0 : i32
      %dma_start3A_93 = arith.constant 0 : i32
      %dma_start3A_94 = arith.constant 0 : i32
      %dma_start3A_95 = tpu.memref_slice %arg6[%dma_start3A_92, %dma_start3A_93, %dma_start3A_94] : memref<2x1x128xi32, #tpu.memory_space<vmem>> -> memref<1x1x128xi32, #tpu.memory_space<vmem>>
      %dma_start3A_96 = tpu.memref_squeeze %dma_start3A_95 : memref<1x1x128xi32, #tpu.memory_space<vmem>> -> memref<128xi32, #tpu.memory_space<vmem>>
      %dma_start3A_97 = arith.constant 0 : i32
      %dma_start3A_98 = arith.constant 0 : i32
      %dma_start3A_99 = tpu.memref_slice %arg3[%dma_start3A_97, %dma_start3A_98] : memref<10112x128xf32, #tpu.memory_space<hbm>> -> memref<10112x128xf32, #tpu.memory_space<hbm>>
      tpu.enqueue_indirect_dma source(%dma_start3A_99 : memref<10112x128xf32, #tpu.memory_space<hbm>>) target(%arg8 : memref<128x128xf32, #tpu.memory_space<vmem>>) offsets(%dma_start3A_96 : memref<128xi32, #tpu.memory_space<vmem>>) semaphore(%arg12 : memref<!tpu.dma_semaphore, #tpu.memory_space<semaphore_mem>>)
      %run_scoped3A_100 = arith.constant 1 : i32
      %run_scoped3A_101 = arith.constant 0 : i32
      "tpu.region"() ({
        %run_scoped3A_158 = tpu.sem_alloc : memref<!tpu.dma_semaphore, #tpu.memory_space<semaphore_mem>>
        %dma_start3A_159 = arith.constant 0 : i32
        %dma_start3A_160 = tpu.memref_slice %arg5[%run_scoped3A_100, %run_scoped3A_101, %dma_start3A_159] : memref<2x1x128xi32, #tpu.memory_space<vmem>> -> memref<1x1x128xi32, #tpu.memory_space<vmem>>
        %dma_start3A_161 = tpu.memref_squeeze %dma_start3A_160 : memref<1x1x128xi32, #tpu.memory_space<vmem>> -> memref<128xi32, #tpu.memory_space<vmem>>
        %dma_start3A_162 = arith.constant 0 : i32
        %dma_start3A_163 = arith.constant 0 : i32
        %dma_start3A_164 = tpu.memref_slice %arg10[%dma_start3A_162, %dma_start3A_163] : memref<10112x128xf32, #tpu.memory_space<vmem_shared>> -> memref<10112x128xf32, #tpu.memory_space<vmem_shared>>
        tpu.enqueue_indirect_dma source(%arg7 : memref<128x128xf32, #tpu.memory_space<vmem>>) target(%dma_start3A_164 : memref<10112x128xf32, #tpu.memory_space<vmem_shared>>) offsets(%dma_start3A_161 : memref<128xi32, #tpu.memory_space<vmem>>) semaphore(%run_scoped3A_158 : memref<!tpu.dma_semaphore, #tpu.memory_space<semaphore_mem>>) {add = true}
        %dma_wait3A_165 = arith.constant 0 : i32
        %dma_wait3A_166 = tpu.memref_slice %arg5[%run_scoped3A_100, %run_scoped3A_101, %dma_wait3A_165] : memref<2x1x128xi32, #tpu.memory_space<vmem>> -> memref<1x1x128xi32, #tpu.memory_space<vmem>>
        %dma_wait3A_167 = tpu.memref_squeeze %dma_wait3A_166 : memref<1x1x128xi32, #tpu.memory_space<vmem>> -> memref<128xi32, #tpu.memory_space<vmem>>
        %dma_wait3A_168 = arith.constant 0 : i32
        %dma_wait3A_169 = arith.constant 0 : i32
        %dma_wait3A_170 = tpu.memref_slice %arg10[%dma_wait3A_168, %dma_wait3A_169] : memref<10112x128xf32, #tpu.memory_space<vmem_shared>> -> memref<10112x128xf32, #tpu.memory_space<vmem_shared>>
        tpu.wait_indirect_dma semaphore(%run_scoped3A_158 : memref<!tpu.dma_semaphore, #tpu.memory_space<semaphore_mem>>) src(%arg7 : memref<128x128xf32, #tpu.memory_space<vmem>>) dst(%dma_wait3A_170 : memref<10112x128xf32, #tpu.memory_space<vmem_shared>>)
        tpu.yield
      }) : () -> ()
      %add3A_102 = arith.constant 2 : i32
      %add3A_103 = arith.addi %mul3A_71, %add3A_102 : i32
      %dma_start3A_104 = arith.constant 0 : i32
      %dma_start3A_105 = arith.constant 0 : i32
      %dma_start3A_106 = arith.constant 0 : i32
      %dma_start3A_107 = tpu.memref_slice %arg2[%add3A, %add3A_103, %dma_start3A_104, %dma_start3A_105, %dma_start3A_106] : memref<32x79x2x1x128xi32, #tpu.memory_space<hbm>> -> memref<1x1x2x1x128xi32, #tpu.memory_space<hbm>>
      %dma_start3A_108 = tpu.memref_squeeze %dma_start3A_107 : memref<1x1x2x1x128xi32, #tpu.memory_space<hbm>> -> memref<2x1x128xi32, #tpu.memory_space<hbm>>
      %dma_start3A_109 = arith.constant 0 : i32
      %dma_start3A_110 = arith.constant 0 : i32
      %dma_start3A_111 = arith.constant 0 : i32
      %dma_start3A_112 = tpu.memref_slice %arg2[%add3A, %add3A_103, %dma_start3A_109, %dma_start3A_110, %dma_start3A_111] : memref<32x79x2x1x128xi32, #tpu.memory_space<hbm>> -> memref<1x1x2x1x128xi32, #tpu.memory_space<hbm>>
      %dma_start3A_113 = tpu.memref_squeeze %dma_start3A_112 : memref<1x1x2x1x128xi32, #tpu.memory_space<hbm>> -> memref<2x1x128xi32, #tpu.memory_space<hbm>>
      tpu.enqueue_dma source(%dma_start3A_113 : memref<2x1x128xi32, #tpu.memory_space<hbm>>) target(%arg5 : memref<2x1x128xi32, #tpu.memory_space<vmem>>) target_semaphore(%arg13 : memref<!tpu.dma_semaphore, #tpu.memory_space<semaphore_mem>>)
      %dma_wait3A_114 = arith.constant 0 : i32
      %dma_wait3A_115 = arith.constant 0 : i32
      %dma_wait3A_116 = arith.constant 0 : i32
      %dma_wait3A_117 = tpu.memref_slice %arg6[%dma_wait3A_114, %dma_wait3A_115, %dma_wait3A_116] : memref<2x1x128xi32, #tpu.memory_space<vmem>> -> memref<1x1x128xi32, #tpu.memory_space<vmem>>
      %dma_wait3A_118 = tpu.memref_squeeze %dma_wait3A_117 : memref<1x1x128xi32, #tpu.memory_space<vmem>> -> memref<128xi32, #tpu.memory_space<vmem>>
      %dma_wait3A_119 = arith.constant 0 : i32
      %dma_wait3A_120 = arith.constant 0 : i32
      %dma_wait3A_121 = tpu.memref_slice %arg3[%dma_wait3A_119, %dma_wait3A_120] : memref<10112x128xf32, #tpu.memory_space<hbm>> -> memref<10112x128xf32, #tpu.memory_space<hbm>>
      tpu.wait_indirect_dma semaphore(%arg12 : memref<!tpu.dma_semaphore, #tpu.memory_space<semaphore_mem>>) src(%dma_wait3A_121 : memref<10112x128xf32, #tpu.memory_space<hbm>>) dst(%arg8 : memref<128x128xf32, #tpu.memory_space<vmem>>)
      %add3A_122 = arith.constant 2 : i32
      %add3A_123 = arith.addi %mul3A_71, %add3A_122 : i32
      %dma_wait3A_124 = arith.constant 0 : i32
      %dma_wait3A_125 = arith.constant 0 : i32
      %dma_wait3A_126 = arith.constant 0 : i32
      %dma_wait3A_127 = tpu.memref_slice %arg2[%add3A, %add3A_123, %dma_wait3A_124, %dma_wait3A_125, %dma_wait3A_126] : memref<32x79x2x1x128xi32, #tpu.memory_space<hbm>> -> memref<1x1x2x1x128xi32, #tpu.memory_space<hbm>>
      %dma_wait3A_128 = tpu.memref_squeeze %dma_wait3A_127 : memref<1x1x2x1x128xi32, #tpu.memory_space<hbm>> -> memref<2x1x128xi32, #tpu.memory_space<hbm>>
      %dma_wait3A_129 = arith.constant 0 : i32
      %dma_wait3A_130 = arith.constant 0 : i32
      %dma_wait3A_131 = arith.constant 0 : i32
      %dma_wait3A_132 = tpu.memref_slice %arg2[%add3A, %add3A_123, %dma_wait3A_129, %dma_wait3A_130, %dma_wait3A_131] : memref<32x79x2x1x128xi32, #tpu.memory_space<hbm>> -> memref<1x1x2x1x128xi32, #tpu.memory_space<hbm>>
      %dma_wait3A_133 = tpu.memref_squeeze %dma_wait3A_132 : memref<1x1x2x1x128xi32, #tpu.memory_space<hbm>> -> memref<2x1x128xi32, #tpu.memory_space<hbm>>
      tpu.wait_dma2 semaphore(%arg13 : memref<!tpu.dma_semaphore, #tpu.memory_space<semaphore_mem>>) src(%dma_wait3A_133 : memref<2x1x128xi32, #tpu.memory_space<hbm>>) dst(%arg5 : memref<2x1x128xi32, #tpu.memory_space<vmem>>)
      %dma_start3A_134 = arith.constant 0 : i32
      %dma_start3A_135 = arith.constant 0 : i32
      %dma_start3A_136 = arith.constant 0 : i32
      %dma_start3A_137 = tpu.memref_slice %arg5[%dma_start3A_134, %dma_start3A_135, %dma_start3A_136] : memref<2x1x128xi32, #tpu.memory_space<vmem>> -> memref<1x1x128xi32, #tpu.memory_space<vmem>>
      %dma_start3A_138 = tpu.memref_squeeze %dma_start3A_137 : memref<1x1x128xi32, #tpu.memory_space<vmem>> -> memref<128xi32, #tpu.memory_space<vmem>>
      %dma_start3A_139 = arith.constant 0 : i32
      %dma_start3A_140 = arith.constant 0 : i32
      %dma_start3A_141 = tpu.memref_slice %arg3[%dma_start3A_139, %dma_start3A_140] : memref<10112x128xf32, #tpu.memory_space<hbm>> -> memref<10112x128xf32, #tpu.memory_space<hbm>>
      tpu.enqueue_indirect_dma source(%dma_start3A_141 : memref<10112x128xf32, #tpu.memory_space<hbm>>) target(%arg7 : memref<128x128xf32, #tpu.memory_space<vmem>>) offsets(%dma_start3A_138 : memref<128xi32, #tpu.memory_space<vmem>>) semaphore(%arg11 : memref<!tpu.dma_semaphore, #tpu.memory_space<semaphore_mem>>)
      %run_scoped3A_142 = arith.constant 1 : i32
      %run_scoped3A_143 = arith.constant 0 : i32
      "tpu.region"() ({
        %run_scoped3A_158 = tpu.sem_alloc : memref<!tpu.dma_semaphore, #tpu.memory_space<semaphore_mem>>
        %dma_start3A_159 = arith.constant 0 : i32
        %dma_start3A_160 = tpu.memref_slice %arg6[%run_scoped3A_142, %run_scoped3A_143, %dma_start3A_159] : memref<2x1x128xi32, #tpu.memory_space<vmem>> -> memref<1x1x128xi32, #tpu.memory_space<vmem>>
        %dma_start3A_161 = tpu.memref_squeeze %dma_start3A_160 : memref<1x1x128xi32, #tpu.memory_space<vmem>> -> memref<128xi32, #tpu.memory_space<vmem>>
        %dma_start3A_162 = arith.constant 0 : i32
        %dma_start3A_163 = arith.constant 0 : i32
        %dma_start3A_164 = tpu.memref_slice %arg10[%dma_start3A_162, %dma_start3A_163] : memref<10112x128xf32, #tpu.memory_space<vmem_shared>> -> memref<10112x128xf32, #tpu.memory_space<vmem_shared>>
        tpu.enqueue_indirect_dma source(%arg8 : memref<128x128xf32, #tpu.memory_space<vmem>>) target(%dma_start3A_164 : memref<10112x128xf32, #tpu.memory_space<vmem_shared>>) offsets(%dma_start3A_161 : memref<128xi32, #tpu.memory_space<vmem>>) semaphore(%run_scoped3A_158 : memref<!tpu.dma_semaphore, #tpu.memory_space<semaphore_mem>>) {add = true}
        %dma_wait3A_165 = arith.constant 0 : i32
        %dma_wait3A_166 = tpu.memref_slice %arg6[%run_scoped3A_142, %run_scoped3A_143, %dma_wait3A_165] : memref<2x1x128xi32, #tpu.memory_space<vmem>> -> memref<1x1x128xi32, #tpu.memory_space<vmem>>
        %dma_wait3A_167 = tpu.memref_squeeze %dma_wait3A_166 : memref<1x1x128xi32, #tpu.memory_space<vmem>> -> memref<128xi32, #tpu.memory_space<vmem>>
        %dma_wait3A_168 = arith.constant 0 : i32
        %dma_wait3A_169 = arith.constant 0 : i32
        %dma_wait3A_170 = tpu.memref_slice %arg10[%dma_wait3A_168, %dma_wait3A_169] : memref<10112x128xf32, #tpu.memory_space<vmem_shared>> -> memref<10112x128xf32, #tpu.memory_space<vmem_shared>>
        tpu.wait_indirect_dma semaphore(%run_scoped3A_158 : memref<!tpu.dma_semaphore, #tpu.memory_space<semaphore_mem>>) src(%arg8 : memref<128x128xf32, #tpu.memory_space<vmem>>) dst(%dma_wait3A_170 : memref<10112x128xf32, #tpu.memory_space<vmem_shared>>)
        tpu.yield
      }) : () -> ()
      %add3A_144 = arith.constant 3 : i32
      %add3A_145 = arith.addi %mul3A_71, %add3A_144 : i32
      %min3A = arith.constant 78 : i32
      %min3A_146 = arith.minsi %add3A_145, %min3A : i32
      %dma_start3A_147 = arith.constant 0 : i32
      %dma_start3A_148 = arith.constant 0 : i32
      %dma_start3A_149 = arith.constant 0 : i32
      %dma_start3A_150 = tpu.memref_slice %arg2[%add3A, %min3A_146, %dma_start3A_147, %dma_start3A_148, %dma_start3A_149] : memref<32x79x2x1x128xi32, #tpu.memory_space<hbm>> -> memref<1x1x2x1x128xi32, #tpu.memory_space<hbm>>
      %dma_start3A_151 = tpu.memref_squeeze %dma_start3A_150 : memref<1x1x2x1x128xi32, #tpu.memory_space<hbm>> -> memref<2x1x128xi32, #tpu.memory_space<hbm>>
      %dma_start3A_152 = arith.constant 0 : i32
      %dma_start3A_153 = arith.constant 0 : i32
      %dma_start3A_154 = arith.constant 0 : i32
      %dma_start3A_155 = tpu.memref_slice %arg2[%add3A, %min3A_146, %dma_start3A_152, %dma_start3A_153, %dma_start3A_154] : memref<32x79x2x1x128xi32, #tpu.memory_space<hbm>> -> memref<1x1x2x1x128xi32, #tpu.memory_space<hbm>>
      %dma_start3A_156 = tpu.memref_squeeze %dma_start3A_155 : memref<1x1x2x1x128xi32, #tpu.memory_space<hbm>> -> memref<2x1x128xi32, #tpu.memory_space<hbm>>
      tpu.enqueue_dma source(%dma_start3A_156 : memref<2x1x128xi32, #tpu.memory_space<hbm>>) target(%arg6 : memref<2x1x128xi32, #tpu.memory_space<vmem>>) target_semaphore(%arg14 : memref<!tpu.dma_semaphore, #tpu.memory_space<semaphore_mem>>)
      %scan3A_157 = arith.constant 0 : i32
      scf.yield %scan3A_157 : i32
    }
    %scan3A_42 = arith.constant 39 : i32
    %dma_wait3A = arith.constant 0 : i32
    %dma_wait3A_43 = arith.constant 0 : i32
    %dma_wait3A_44 = arith.constant 0 : i32
    %dma_wait3A_45 = tpu.memref_slice %arg5[%dma_wait3A, %dma_wait3A_43, %dma_wait3A_44] : memref<2x1x128xi32, #tpu.memory_space<vmem>> -> memref<1x1x128xi32, #tpu.memory_space<vmem>>
    %dma_wait3A_46 = tpu.memref_squeeze %dma_wait3A_45 : memref<1x1x128xi32, #tpu.memory_space<vmem>> -> memref<128xi32, #tpu.memory_space<vmem>>
    %dma_wait3A_47 = arith.constant 0 : i32
    %dma_wait3A_48 = arith.constant 0 : i32
    %dma_wait3A_49 = tpu.memref_slice %arg3[%dma_wait3A_47, %dma_wait3A_48] : memref<10112x128xf32, #tpu.memory_space<hbm>> -> memref<10112x128xf32, #tpu.memory_space<hbm>>
    tpu.wait_indirect_dma semaphore(%arg11 : memref<!tpu.dma_semaphore, #tpu.memory_space<semaphore_mem>>) src(%dma_wait3A_49 : memref<10112x128xf32, #tpu.memory_space<hbm>>) dst(%arg7 : memref<128x128xf32, #tpu.memory_space<vmem>>)
    %run_scoped3A_50 = arith.constant 1 : i32
    %run_scoped3A_51 = arith.constant 0 : i32
    "tpu.region"() ({
      %run_scoped3A_68 = tpu.sem_alloc : memref<!tpu.dma_semaphore, #tpu.memory_space<semaphore_mem>>
      %dma_start3A_69 = arith.constant 0 : i32
      %dma_start3A_70 = tpu.memref_slice %arg5[%run_scoped3A_50, %run_scoped3A_51, %dma_start3A_69] : memref<2x1x128xi32, #tpu.memory_space<vmem>> -> memref<1x1x128xi32, #tpu.memory_space<vmem>>
      %dma_start3A_71 = tpu.memref_squeeze %dma_start3A_70 : memref<1x1x128xi32, #tpu.memory_space<vmem>> -> memref<128xi32, #tpu.memory_space<vmem>>
      %dma_start3A_72 = arith.constant 0 : i32
      %dma_start3A_73 = arith.constant 0 : i32
      %dma_start3A_74 = tpu.memref_slice %arg10[%dma_start3A_72, %dma_start3A_73] : memref<10112x128xf32, #tpu.memory_space<vmem_shared>> -> memref<10112x128xf32, #tpu.memory_space<vmem_shared>>
      tpu.enqueue_indirect_dma source(%arg7 : memref<128x128xf32, #tpu.memory_space<vmem>>) target(%dma_start3A_74 : memref<10112x128xf32, #tpu.memory_space<vmem_shared>>) offsets(%dma_start3A_71 : memref<128xi32, #tpu.memory_space<vmem>>) semaphore(%run_scoped3A_68 : memref<!tpu.dma_semaphore, #tpu.memory_space<semaphore_mem>>) {add = true}
      %dma_wait3A_75 = arith.constant 0 : i32
      %dma_wait3A_76 = tpu.memref_slice %arg5[%run_scoped3A_50, %run_scoped3A_51, %dma_wait3A_75] : memref<2x1x128xi32, #tpu.memory_space<vmem>> -> memref<1x1x128xi32, #tpu.memory_space<vmem>>
      %dma_wait3A_77 = tpu.memref_squeeze %dma_wait3A_76 : memref<1x1x128xi32, #tpu.memory_space<vmem>> -> memref<128xi32, #tpu.memory_space<vmem>>
      %dma_wait3A_78 = arith.constant 0 : i32
      %dma_wait3A_79 = arith.constant 0 : i32
      %dma_wait3A_80 = tpu.memref_slice %arg10[%dma_wait3A_78, %dma_wait3A_79] : memref<10112x128xf32, #tpu.memory_space<vmem_shared>> -> memref<10112x128xf32, #tpu.memory_space<vmem_shared>>
      tpu.wait_indirect_dma semaphore(%run_scoped3A_68 : memref<!tpu.dma_semaphore, #tpu.memory_space<semaphore_mem>>) src(%arg7 : memref<128x128xf32, #tpu.memory_space<vmem>>) dst(%dma_wait3A_80 : memref<10112x128xf32, #tpu.memory_space<vmem_shared>>)
      tpu.yield
    }) : () -> ()
    %dma_wait3A_52 = arith.constant 78 : i32
    %dma_wait3A_53 = arith.constant 0 : i32
    %dma_wait3A_54 = arith.constant 0 : i32
    %dma_wait3A_55 = arith.constant 0 : i32
    %dma_wait3A_56 = tpu.memref_slice %arg2[%add3A, %dma_wait3A_52, %dma_wait3A_53, %dma_wait3A_54, %dma_wait3A_55] : memref<32x79x2x1x128xi32, #tpu.memory_space<hbm>> -> memref<1x1x2x1x128xi32, #tpu.memory_space<hbm>>
    %dma_wait3A_57 = tpu.memref_squeeze %dma_wait3A_56 : memref<1x1x2x1x128xi32, #tpu.memory_space<hbm>> -> memref<2x1x128xi32, #tpu.memory_space<hbm>>
    %dma_wait3A_58 = arith.constant 0 : i32
    %dma_wait3A_59 = arith.constant 0 : i32
    %dma_wait3A_60 = arith.constant 0 : i32
    %dma_wait3A_61 = tpu.memref_slice %arg2[%add3A, %dma_wait3A_52, %dma_wait3A_58, %dma_wait3A_59, %dma_wait3A_60] : memref<32x79x2x1x128xi32, #tpu.memory_space<hbm>> -> memref<1x1x2x1x128xi32, #tpu.memory_space<hbm>>
    %dma_wait3A_62 = tpu.memref_squeeze %dma_wait3A_61 : memref<1x1x2x1x128xi32, #tpu.memory_space<hbm>> -> memref<2x1x128xi32, #tpu.memory_space<hbm>>
    tpu.wait_dma2 semaphore(%arg14 : memref<!tpu.dma_semaphore, #tpu.memory_space<semaphore_mem>>) src(%dma_wait3A_62 : memref<2x1x128xi32, #tpu.memory_space<hbm>>) dst(%arg6 : memref<2x1x128xi32, #tpu.memory_space<vmem>>)
    %barrier3A_63 = arith.constant 0 : index
    tpu.barrier barrier_id(%barrier3A_63)
    %mul3A_64 = arith.constant 632 : i32
    %mul3A_65 = arith.muli %arg1, %mul3A_64 : i32
    %mul3A_66 = arith.constant 632 : i32
    %mul3A_67 = arith.muli %arg1, %mul3A_66 : i32
    "tpu.region"() ({
      %run_scoped3A_68 = tpu.sem_alloc : memref<!tpu.dma_semaphore, #tpu.memory_space<semaphore_mem>>
      %dma_start3A_69 = arith.constant 0 : i32
      %dma_start3A_70 = tpu.memref_slice %arg4[%arg0, %mul3A_67, %dma_start3A_69] : memref<2x10112x128xf32, #tpu.memory_space<hbm>> -> memref<1x632x128xf32, #tpu.memory_space<hbm>>
      %dma_start3A_71 = tpu.memref_squeeze %dma_start3A_70 : memref<1x632x128xf32, #tpu.memory_space<hbm>> -> memref<632x128xf32, #tpu.memory_space<hbm>>
      %dma_start3A_72 = arith.constant 0 : i32
      %dma_start3A_73 = tpu.memref_slice %arg10[%mul3A_65, %dma_start3A_72] : memref<10112x128xf32, #tpu.memory_space<vmem_shared>> -> memref<632x128xf32, #tpu.memory_space<vmem_shared>>
      tpu.enqueue_dma source(%dma_start3A_73 : memref<632x128xf32, #tpu.memory_space<vmem_shared>>) target(%dma_start3A_71 : memref<632x128xf32, #tpu.memory_space<hbm>>) target_semaphore(%run_scoped3A_68 : memref<!tpu.dma_semaphore, #tpu.memory_space<semaphore_mem>>)
      %dma_wait3A_74 = arith.constant 0 : i32
      %dma_wait3A_75 = tpu.memref_slice %arg4[%arg0, %mul3A_67, %dma_wait3A_74] : memref<2x10112x128xf32, #tpu.memory_space<hbm>> -> memref<1x632x128xf32, #tpu.memory_space<hbm>>
      %dma_wait3A_76 = tpu.memref_squeeze %dma_wait3A_75 : memref<1x632x128xf32, #tpu.memory_space<hbm>> -> memref<632x128xf32, #tpu.memory_space<hbm>>
      %dma_wait3A_77 = arith.constant 0 : i32
      %dma_wait3A_78 = tpu.memref_slice %arg10[%mul3A_65, %dma_wait3A_77] : memref<10112x128xf32, #tpu.memory_space<vmem_shared>> -> memref<632x128xf32, #tpu.memory_space<vmem_shared>>
      tpu.wait_dma2 semaphore(%run_scoped3A_68 : memref<!tpu.dma_semaphore, #tpu.memory_space<semaphore_mem>>) src(%dma_wait3A_78 : memref<632x128xf32, #tpu.memory_space<vmem_shared>>) dst(%dma_wait3A_76 : memref<632x128xf32, #tpu.memory_space<hbm>>)
      tpu.yield
    }) : () -> ()
    return
  }
}

module attributes {stable_mosaic.version = 14 : i64} {
  func.func @_tc_prep_body(%arg0: i32, %arg1: memref<2x1264x16xf32, #tpu.memory_space<vmem>>, %arg2: memref<1264x128xf32, #tpu.memory_space<vmem>>, %arg3: memref<128x128xf32, #tpu.memory_space<vmem>>, %arg4: memref<1264x128xf32, #tpu.memory_space<vmem>>) attributes {dimension_semantics = [#tpu.dimension_semantics<arbitrary>], iteration_bounds = array<i64: 8>, scalar_prefetch = 0 : i64, scratch_operands = 0 : i64, tpu.core_type = #tpu.core_type<tc>, window_params = [{transform_indices = @transform_0, window_bounds = array<i64: 2, 1264, 16>}, {transform_indices = @transform_1, window_bounds = array<i64: 1264, 128>}, {pipeline_mode = #tpu.pipeline_mode<synchronous>, transform_indices = @transform_2, window_bounds = array<i64: 128, 128>}, {transform_indices = @transform_3, window_bounds = array<i64: 1264, 128>}]} {
    %get3A = arith.constant 0 : index
    %get3A_0 = arith.constant 0 : index
    %get3A_1 = arith.constant 0 : index
    %get3A_2 = vector.load %arg1[%get3A, %get3A_0, %get3A_1] : memref<2x1264x16xf32, #tpu.memory_space<vmem>>, vector<2x1264x16xf32>
    %slice3A = vector.extract_strided_slice %get3A_2 {offsets = [0, 0, 0], sizes = [1, 1264, 1], strides = [1, 1, 1]} : vector<2x1264x16xf32> to vector<1x1264x1xf32>
    %squeeze3A = vector.shape_cast %slice3A : vector<1x1264x1xf32> to vector<1264x1xf32>
    %slice3A_3 = vector.extract_strided_slice %get3A_2 {offsets = [1, 0, 0], sizes = [1, 1264, 1], strides = [1, 1, 1]} : vector<2x1264x16xf32> to vector<1x1264x1xf32>
    %squeeze3A_4 = vector.shape_cast %slice3A_3 : vector<1x1264x1xf32> to vector<1264x1xf32>
    %add3A = arith.addf %squeeze3A, %squeeze3A_4 : vector<1264x1xf32>
    %add3A_5 = arith.constant 1.000000e+00 : f32
    %add3A_6 = vector.broadcast %add3A_5 : f32 to vector<1264x1xf32>
    %add3A_7 = arith.addf %add3A, %add3A_6 : vector<1264x1xf32>
    %rsqrt3A = math.rsqrt %add3A_7 : vector<1264x1xf32>
    %get3A_8 = arith.constant 0 : index
    %get3A_9 = arith.constant 0 : index
    %get3A_10 = vector.load %arg2[%get3A_8, %get3A_9] : memref<1264x128xf32, #tpu.memory_space<vmem>>, vector<1264x128xf32>
    %get3A_11 = arith.constant 0 : index
    %get3A_12 = arith.constant 0 : index
    %get3A_13 = vector.load %arg3[%get3A_11, %get3A_12] : memref<128x128xf32, #tpu.memory_space<vmem>>, vector<128x128xf32>
    %dot_general3A = arith.constant dense<0.000000e+00> : vector<1264x128xf32>
    %dot_general3A_14 = tpu.matmul %get3A_10, %get3A_13, %dot_general3A {dimension_numbers = #tpu.dot_dimension_numbers<[1], [0], [0], [1], [0, 0, 1, 1], [], []>, transpose_lhs_hint = false} : vector<1264x128xf32>, vector<128x128xf32>, vector<1264x128xf32> -> vector<1264x128xf32>
    %mul3A = vector.broadcast %rsqrt3A : vector<1264x1xf32> to vector<1264x128xf32>
    %mul3A_15 = arith.mulf %mul3A, %dot_general3A_14 : vector<1264x128xf32>
    %swap3A = arith.constant 0 : index
    %swap3A_16 = arith.constant 0 : index
    %swap3A_17 = vector.load %arg4[%swap3A, %swap3A_16] : memref<1264x128xf32, #tpu.memory_space<vmem>>, vector<1264x128xf32>
    tpu.vector_store %arg4[%swap3A, %swap3A_16], %mul3A_15 {strides = array<i32>} : memref<1264x128xf32, #tpu.memory_space<vmem>>, vector<1264x128xf32>,
    return
  }
  func.func @transform_0(%arg0: i32) -> (i32, i32, i32) {
    %c0_i32 = arith.constant 0 : i32
    %c0_i32_0 = arith.constant 0 : i32
    %c0_i32_1 = arith.constant 0 : i32
    return %c0_i32, %arg0, %c0_i32_0 : i32, i32, i32
  }
  func.func @transform_1(%arg0: i32) -> (i32, i32) {
    %c0_i32 = arith.constant 0 : i32
    %c0_i32_0 = arith.constant 0 : i32
    return %arg0, %c0_i32 : i32, i32
  }
  func.func @transform_2(%arg0: i32) -> (i32, i32) {
    %c0_i32 = arith.constant 0 : i32
    %c0_i32_0 = arith.constant 0 : i32
    %c0_i32_1 = arith.constant 0 : i32
    return %c0_i32, %c0_i32_0 : i32, i32
  }
  func.func @transform_3(%arg0: i32) -> (i32, i32) {
    %c0_i32 = arith.constant 0 : i32
    %c0_i32_0 = arith.constant 0 : i32
    return %arg0, %c0_i32 : i32, i32
  }
}

module attributes {stable_mosaic.version = 14 : i64} {
  func.func @_tc_mid_body(%arg0: i32, %arg1: memref<2x1264x16xf32, #tpu.memory_space<vmem>>, %arg2: memref<2x1264x128xf32, #tpu.memory_space<vmem>>, %arg3: memref<1264x128xf32, #tpu.memory_space<vmem>>, %arg4: memref<1x128xf32, #tpu.memory_space<vmem>>, %arg5: memref<128x128xf32, #tpu.memory_space<vmem>>, %arg6: memref<1264x128xf32, #tpu.memory_space<vmem>>) attributes {dimension_semantics = [#tpu.dimension_semantics<arbitrary>], iteration_bounds = array<i64: 8>, scalar_prefetch = 0 : i64, scratch_operands = 0 : i64, tpu.core_type = #tpu.core_type<tc>, window_params = [{transform_indices = @transform_0, window_bounds = array<i64: 2, 1264, 16>}, {transform_indices = @transform_1, window_bounds = array<i64: 2, 1264, 128>}, {transform_indices = @transform_2, window_bounds = array<i64: 1264, 128>}, {pipeline_mode = #tpu.pipeline_mode<synchronous>, transform_indices = @transform_3, window_bounds = array<i64: 1, 128>}, {pipeline_mode = #tpu.pipeline_mode<synchronous>, transform_indices = @transform_4, window_bounds = array<i64: 128, 128>}, {transform_indices = @transform_5, window_bounds = array<i64: 1264, 128>}]} {
    %get3A = arith.constant 0 : index
    %get3A_0 = arith.constant 0 : index
    %get3A_1 = arith.constant 0 : index
    %get3A_2 = vector.load %arg1[%get3A, %get3A_0, %get3A_1] : memref<2x1264x16xf32, #tpu.memory_space<vmem>>, vector<2x1264x16xf32>
    %slice3A = vector.extract_strided_slice %get3A_2 {offsets = [0, 0, 0], sizes = [1, 1264, 1], strides = [1, 1, 1]} : vector<2x1264x16xf32> to vector<1x1264x1xf32>
    %squeeze3A = vector.shape_cast %slice3A : vector<1x1264x1xf32> to vector<1264x1xf32>
    %slice3A_3 = vector.extract_strided_slice %get3A_2 {offsets = [1, 0, 0], sizes = [1, 1264, 1], strides = [1, 1, 1]} : vector<2x1264x16xf32> to vector<1x1264x1xf32>
    %squeeze3A_4 = vector.shape_cast %slice3A_3 : vector<1x1264x1xf32> to vector<1264x1xf32>
    %add3A = arith.addf %squeeze3A, %squeeze3A_4 : vector<1264x1xf32>
    %add3A_5 = arith.constant 1.000000e+00 : f32
    %add3A_6 = vector.broadcast %add3A_5 : f32 to vector<1264x1xf32>
    %add3A_7 = arith.addf %add3A, %add3A_6 : vector<1264x1xf32>
    %rsqrt3A = math.rsqrt %add3A_7 : vector<1264x1xf32>
    %get3A_8 = arith.constant 0 : index
    %get3A_9 = arith.constant 0 : index
    %get3A_10 = arith.constant 0 : index
    %get3A_11 = vector.load %arg2[%get3A_8, %get3A_9, %get3A_10] : memref<2x1264x128xf32, #tpu.memory_space<vmem>>, vector<1x1264x128xf32>
    %get3A_12 = vector.shape_cast %get3A_11 : vector<1x1264x128xf32> to vector<1264x128xf32>
    %get3A_13 = arith.constant 1 : index
    %get3A_14 = arith.constant 0 : index
    %get3A_15 = arith.constant 0 : index
    %get3A_16 = vector.load %arg2[%get3A_13, %get3A_14, %get3A_15] : memref<2x1264x128xf32, #tpu.memory_space<vmem>>, vector<1x1264x128xf32>
    %get3A_17 = vector.shape_cast %get3A_16 : vector<1x1264x128xf32> to vector<1264x128xf32>
    %add3A_18 = arith.addf %get3A_12, %get3A_17 : vector<1264x128xf32>
    %get3A_19 = arith.constant 0 : index
    %get3A_20 = arith.constant 0 : index
    %get3A_21 = vector.load %arg3[%get3A_19, %get3A_20] : memref<1264x128xf32, #tpu.memory_space<vmem>>, vector<1264x128xf32>
    %add3A_22 = arith.addf %add3A_18, %get3A_21 : vector<1264x128xf32>
    %mul3A = vector.broadcast %rsqrt3A : vector<1264x1xf32> to vector<1264x128xf32>
    %mul3A_23 = arith.mulf %mul3A, %add3A_22 : vector<1264x128xf32>
    %get3A_24 = arith.constant 0 : index
    %get3A_25 = arith.constant 0 : index
    %get3A_26 = vector.load %arg4[%get3A_24, %get3A_25] : memref<1x128xf32, #tpu.memory_space<vmem>>, vector<1x128xf32>
    %add3A_27 = vector.broadcast %get3A_26 : vector<1x128xf32> to vector<1264x128xf32>
    %add3A_28 = arith.addf %mul3A_23, %add3A_27 : vector<1264x128xf32>
    %max3A = arith.constant 0.000000e+00 : f32
    %max3A_29 = vector.broadcast %max3A : f32 to vector<1264x128xf32>
    %max3A_30 = arith.maximumf %add3A_28, %max3A_29 : vector<1264x128xf32>
    %get3A_31 = arith.constant 0 : index
    %get3A_32 = arith.constant 0 : index
    %get3A_33 = vector.load %arg5[%get3A_31, %get3A_32] : memref<128x128xf32, #tpu.memory_space<vmem>>, vector<128x128xf32>
    %dot_general3A = arith.constant dense<0.000000e+00> : vector<1264x128xf32>
    %dot_general3A_34 = tpu.matmul %max3A_30, %get3A_33, %dot_general3A {dimension_numbers = #tpu.dot_dimension_numbers<[1], [0], [0], [1], [0, 0, 1, 1], [], []>, transpose_lhs_hint = false} : vector<1264x128xf32>, vector<128x128xf32>, vector<1264x128xf32> -> vector<1264x128xf32>
    %mul3A_35 = vector.broadcast %rsqrt3A : vector<1264x1xf32> to vector<1264x128xf32>
    %mul3A_36 = arith.mulf %mul3A_35, %dot_general3A_34 : vector<1264x128xf32>
    %swap3A = arith.constant 0 : index
    %swap3A_37 = arith.constant 0 : index
    %swap3A_38 = vector.load %arg6[%swap3A, %swap3A_37] : memref<1264x128xf32, #tpu.memory_space<vmem>>, vector<1264x128xf32>
    tpu.vector_store %arg6[%swap3A, %swap3A_37], %mul3A_36 {strides = array<i32>} : memref<1264x128xf32, #tpu.memory_space<vmem>>, vector<1264x128xf32>,
    return
  }
  func.func @transform_0(%arg0: i32) -> (i32, i32, i32) {
    %c0_i32 = arith.constant 0 : i32
    %c0_i32_0 = arith.constant 0 : i32
    %c0_i32_1 = arith.constant 0 : i32
    return %c0_i32, %arg0, %c0_i32_0 : i32, i32, i32
  }
  func.func @transform_1(%arg0: i32) -> (i32, i32, i32) {
    %c0_i32 = arith.constant 0 : i32
    %c0_i32_0 = arith.constant 0 : i32
    %c0_i32_1 = arith.constant 0 : i32
    return %c0_i32, %arg0, %c0_i32_0 : i32, i32, i32
  }
  func.func @transform_2(%arg0: i32) -> (i32, i32) {
    %c0_i32 = arith.constant 0 : i32
    %c0_i32_0 = arith.constant 0 : i32
    return %arg0, %c0_i32 : i32, i32
  }
  func.func @transform_3(%arg0: i32) -> (i32, i32) {
    %c0_i32 = arith.constant 0 : i32
    %c0_i32_0 = arith.constant 0 : i32
    %c0_i32_1 = arith.constant 0 : i32
    return %c0_i32, %c0_i32_0 : i32, i32
  }
  func.func @transform_4(%arg0: i32) -> (i32, i32) {
    %c0_i32 = arith.constant 0 : i32
    %c0_i32_0 = arith.constant 0 : i32
    %c0_i32_1 = arith.constant 0 : i32
    return %c0_i32, %c0_i32_0 : i32, i32
  }
  func.func @transform_5(%arg0: i32) -> (i32, i32) {
    %c0_i32 = arith.constant 0 : i32
    %c0_i32_0 = arith.constant 0 : i32
    return %arg0, %c0_i32 : i32, i32
  }
}

module attributes {stable_mosaic.version = 14 : i64} {
  func.func @_tc_mid2_body(%arg0: i32, %arg1: memref<2x1264x16xf32, #tpu.memory_space<vmem>>, %arg2: memref<2x1264x128xf32, #tpu.memory_space<vmem>>, %arg3: memref<1264x128xf32, #tpu.memory_space<vmem>>, %arg4: memref<1x128xf32, #tpu.memory_space<vmem>>, %arg5: memref<1264x128xf32, #tpu.memory_space<vmem>>) attributes {dimension_semantics = [#tpu.dimension_semantics<arbitrary>], iteration_bounds = array<i64: 8>, scalar_prefetch = 0 : i64, scratch_operands = 0 : i64, tpu.core_type = #tpu.core_type<tc>, window_params = [{transform_indices = @transform_0, window_bounds = array<i64: 2, 1264, 16>}, {transform_indices = @transform_1, window_bounds = array<i64: 2, 1264, 128>}, {transform_indices = @transform_2, window_bounds = array<i64: 1264, 128>}, {pipeline_mode = #tpu.pipeline_mode<synchronous>, transform_indices = @transform_3, window_bounds = array<i64: 1, 128>}, {transform_indices = @transform_4, window_bounds = array<i64: 1264, 128>}]} {
    %get3A = arith.constant 0 : index
    %get3A_0 = arith.constant 0 : index
    %get3A_1 = arith.constant 0 : index
    %get3A_2 = vector.load %arg1[%get3A, %get3A_0, %get3A_1] : memref<2x1264x16xf32, #tpu.memory_space<vmem>>, vector<2x1264x16xf32>
    %slice3A = vector.extract_strided_slice %get3A_2 {offsets = [0, 0, 0], sizes = [1, 1264, 1], strides = [1, 1, 1]} : vector<2x1264x16xf32> to vector<1x1264x1xf32>
    %squeeze3A = vector.shape_cast %slice3A : vector<1x1264x1xf32> to vector<1264x1xf32>
    %slice3A_3 = vector.extract_strided_slice %get3A_2 {offsets = [1, 0, 0], sizes = [1, 1264, 1], strides = [1, 1, 1]} : vector<2x1264x16xf32> to vector<1x1264x1xf32>
    %squeeze3A_4 = vector.shape_cast %slice3A_3 : vector<1x1264x1xf32> to vector<1264x1xf32>
    %add3A = arith.addf %squeeze3A, %squeeze3A_4 : vector<1264x1xf32>
    %add3A_5 = arith.constant 1.000000e+00 : f32
    %add3A_6 = vector.broadcast %add3A_5 : f32 to vector<1264x1xf32>
    %add3A_7 = arith.addf %add3A, %add3A_6 : vector<1264x1xf32>
    %rsqrt3A = math.rsqrt %add3A_7 : vector<1264x1xf32>
    %get3A_8 = arith.constant 0 : index
    %get3A_9 = arith.constant 0 : index
    %get3A_10 = arith.constant 0 : index
    %get3A_11 = vector.load %arg2[%get3A_8, %get3A_9, %get3A_10] : memref<2x1264x128xf32, #tpu.memory_space<vmem>>, vector<1x1264x128xf32>
    %get3A_12 = vector.shape_cast %get3A_11 : vector<1x1264x128xf32> to vector<1264x128xf32>
    %get3A_13 = arith.constant 1 : index
    %get3A_14 = arith.constant 0 : index
    %get3A_15 = arith.constant 0 : index
    %get3A_16 = vector.load %arg2[%get3A_13, %get3A_14, %get3A_15] : memref<2x1264x128xf32, #tpu.memory_space<vmem>>, vector<1x1264x128xf32>
    %get3A_17 = vector.shape_cast %get3A_16 : vector<1x1264x128xf32> to vector<1264x128xf32>
    %add3A_18 = arith.addf %get3A_12, %get3A_17 : vector<1264x128xf32>
    %get3A_19 = arith.constant 0 : index
    %get3A_20 = arith.constant 0 : index
    %get3A_21 = vector.load %arg3[%get3A_19, %get3A_20] : memref<1264x128xf32, #tpu.memory_space<vmem>>, vector<1264x128xf32>
    %add3A_22 = arith.addf %add3A_18, %get3A_21 : vector<1264x128xf32>
    %mul3A = vector.broadcast %rsqrt3A : vector<1264x1xf32> to vector<1264x128xf32>
    %mul3A_23 = arith.mulf %mul3A, %add3A_22 : vector<1264x128xf32>
    %get3A_24 = arith.constant 0 : index
    %get3A_25 = arith.constant 0 : index
    %get3A_26 = vector.load %arg4[%get3A_24, %get3A_25] : memref<1x128xf32, #tpu.memory_space<vmem>>, vector<1x128xf32>
    %add3A_27 = vector.broadcast %get3A_26 : vector<1x128xf32> to vector<1264x128xf32>
    %add3A_28 = arith.addf %mul3A_23, %add3A_27 : vector<1264x128xf32>
    %max3A = arith.constant 0.000000e+00 : f32
    %max3A_29 = vector.broadcast %max3A : f32 to vector<1264x128xf32>
    %max3A_30 = arith.maximumf %add3A_28, %max3A_29 : vector<1264x128xf32>
    %mul3A_31 = vector.broadcast %rsqrt3A : vector<1264x1xf32> to vector<1264x128xf32>
    %mul3A_32 = arith.mulf %mul3A_31, %max3A_30 : vector<1264x128xf32>
    %swap3A = arith.constant 0 : index
    %swap3A_33 = arith.constant 0 : index
    %swap3A_34 = vector.load %arg5[%swap3A, %swap3A_33] : memref<1264x128xf32, #tpu.memory_space<vmem>>, vector<1264x128xf32>
    tpu.vector_store %arg5[%swap3A, %swap3A_33], %mul3A_32 {strides = array<i32>} : memref<1264x128xf32, #tpu.memory_space<vmem>>, vector<1264x128xf32>,
    return
  }
  func.func @transform_0(%arg0: i32) -> (i32, i32, i32) {
    %c0_i32 = arith.constant 0 : i32
    %c0_i32_0 = arith.constant 0 : i32
    %c0_i32_1 = arith.constant 0 : i32
    return %c0_i32, %arg0, %c0_i32_0 : i32, i32, i32
  }
  func.func @transform_1(%arg0: i32) -> (i32, i32, i32) {
    %c0_i32 = arith.constant 0 : i32
    %c0_i32_0 = arith.constant 0 : i32
    %c0_i32_1 = arith.constant 0 : i32
    return %c0_i32, %arg0, %c0_i32_0 : i32, i32, i32
  }
  func.func @transform_2(%arg0: i32) -> (i32, i32) {
    %c0_i32 = arith.constant 0 : i32
    %c0_i32_0 = arith.constant 0 : i32
    return %arg0, %c0_i32 : i32, i32
  }
  func.func @transform_3(%arg0: i32) -> (i32, i32) {
    %c0_i32 = arith.constant 0 : i32
    %c0_i32_0 = arith.constant 0 : i32
    %c0_i32_1 = arith.constant 0 : i32
    return %c0_i32, %c0_i32_0 : i32, i32
  }
  func.func @transform_4(%arg0: i32) -> (i32, i32) {
    %c0_i32 = arith.constant 0 : i32
    %c0_i32_0 = arith.constant 0 : i32
    return %arg0, %c0_i32 : i32, i32
  }
}

module attributes {stable_mosaic.version = 14 : i64} {
  func.func @_tc_final_body(%arg0: i32, %arg1: memref<2x1264x16xf32, #tpu.memory_space<vmem>>, %arg2: memref<2x1264x128xf32, #tpu.memory_space<vmem>>, %arg3: memref<1264x128xf32, #tpu.memory_space<vmem>>, %arg4: memref<1x128xf32, #tpu.memory_space<vmem>>, %arg5: memref<128x128xf32, #tpu.memory_space<vmem>>, %arg6: memref<1264x128xf32, #tpu.memory_space<vmem>>) attributes {dimension_semantics = [#tpu.dimension_semantics<arbitrary>], iteration_bounds = array<i64: 8>, scalar_prefetch = 0 : i64, scratch_operands = 0 : i64, tpu.core_type = #tpu.core_type<tc>, window_params = [{transform_indices = @transform_0, window_bounds = array<i64: 2, 1264, 16>}, {transform_indices = @transform_1, window_bounds = array<i64: 2, 1264, 128>}, {transform_indices = @transform_2, window_bounds = array<i64: 1264, 128>}, {pipeline_mode = #tpu.pipeline_mode<synchronous>, transform_indices = @transform_3, window_bounds = array<i64: 1, 128>}, {pipeline_mode = #tpu.pipeline_mode<synchronous>, transform_indices = @transform_4, window_bounds = array<i64: 128, 128>}, {transform_indices = @transform_5, window_bounds = array<i64: 1264, 128>}]} {
    %get3A = arith.constant 0 : index
    %get3A_0 = arith.constant 0 : index
    %get3A_1 = arith.constant 0 : index
    %get3A_2 = vector.load %arg1[%get3A, %get3A_0, %get3A_1] : memref<2x1264x16xf32, #tpu.memory_space<vmem>>, vector<2x1264x16xf32>
    %slice3A = vector.extract_strided_slice %get3A_2 {offsets = [0, 0, 0], sizes = [1, 1264, 1], strides = [1, 1, 1]} : vector<2x1264x16xf32> to vector<1x1264x1xf32>
    %squeeze3A = vector.shape_cast %slice3A : vector<1x1264x1xf32> to vector<1264x1xf32>
    %slice3A_3 = vector.extract_strided_slice %get3A_2 {offsets = [1, 0, 0], sizes = [1, 1264, 1], strides = [1, 1, 1]} : vector<2x1264x16xf32> to vector<1x1264x1xf32>
    %squeeze3A_4 = vector.shape_cast %slice3A_3 : vector<1x1264x1xf32> to vector<1264x1xf32>
    %add3A = arith.addf %squeeze3A, %squeeze3A_4 : vector<1264x1xf32>
    %add3A_5 = arith.constant 1.000000e+00 : f32
    %add3A_6 = vector.broadcast %add3A_5 : f32 to vector<1264x1xf32>
    %add3A_7 = arith.addf %add3A, %add3A_6 : vector<1264x1xf32>
    %rsqrt3A = math.rsqrt %add3A_7 : vector<1264x1xf32>
    %get3A_8 = arith.constant 0 : index
    %get3A_9 = arith.constant 0 : index
    %get3A_10 = arith.constant 0 : index
    %get3A_11 = vector.load %arg2[%get3A_8, %get3A_9, %get3A_10] : memref<2x1264x128xf32, #tpu.memory_space<vmem>>, vector<1x1264x128xf32>
    %get3A_12 = vector.shape_cast %get3A_11 : vector<1x1264x128xf32> to vector<1264x128xf32>
    %get3A_13 = arith.constant 1 : index
    %get3A_14 = arith.constant 0 : index
    %get3A_15 = arith.constant 0 : index
    %get3A_16 = vector.load %arg2[%get3A_13, %get3A_14, %get3A_15] : memref<2x1264x128xf32, #tpu.memory_space<vmem>>, vector<1x1264x128xf32>
    %get3A_17 = vector.shape_cast %get3A_16 : vector<1x1264x128xf32> to vector<1264x128xf32>
    %add3A_18 = arith.addf %get3A_12, %get3A_17 : vector<1264x128xf32>
    %get3A_19 = arith.constant 0 : index
    %get3A_20 = arith.constant 0 : index
    %get3A_21 = vector.load %arg3[%get3A_19, %get3A_20] : memref<1264x128xf32, #tpu.memory_space<vmem>>, vector<1264x128xf32>
    %add3A_22 = arith.addf %add3A_18, %get3A_21 : vector<1264x128xf32>
    %mul3A = vector.broadcast %rsqrt3A : vector<1264x1xf32> to vector<1264x128xf32>
    %mul3A_23 = arith.mulf %mul3A, %add3A_22 : vector<1264x128xf32>
    %get3A_24 = arith.constant 0 : index
    %get3A_25 = arith.constant 0 : index
    %get3A_26 = vector.load %arg5[%get3A_24, %get3A_25] : memref<128x128xf32, #tpu.memory_space<vmem>>, vector<128x128xf32>
    %dot_general3A = arith.constant dense<0.000000e+00> : vector<1264x128xf32>
    %dot_general3A_27 = tpu.matmul %mul3A_23, %get3A_26, %dot_general3A {dimension_numbers = #tpu.dot_dimension_numbers<[1], [0], [0], [1], [0, 0, 1, 1], [], []>, transpose_lhs_hint = false} : vector<1264x128xf32>, vector<128x128xf32>, vector<1264x128xf32> -> vector<1264x128xf32>
    %get3A_28 = arith.constant 0 : index
    %get3A_29 = arith.constant 0 : index
    %get3A_30 = vector.load %arg4[%get3A_28, %get3A_29] : memref<1x128xf32, #tpu.memory_space<vmem>>, vector<1x128xf32>
    %add3A_31 = vector.broadcast %get3A_30 : vector<1x128xf32> to vector<1264x128xf32>
    %add3A_32 = arith.addf %dot_general3A_27, %add3A_31 : vector<1264x128xf32>
    %swap3A = arith.constant 0 : index
    %swap3A_33 = arith.constant 0 : index
    %swap3A_34 = vector.load %arg6[%swap3A, %swap3A_33] : memref<1264x128xf32, #tpu.memory_space<vmem>>, vector<1264x128xf32>
    tpu.vector_store %arg6[%swap3A, %swap3A_33], %add3A_32 {strides = array<i32>} : memref<1264x128xf32, #tpu.memory_space<vmem>>, vector<1264x128xf32>,
    return
  }
  func.func @transform_0(%arg0: i32) -> (i32, i32, i32) {
    %c0_i32 = arith.constant 0 : i32
    %c0_i32_0 = arith.constant 0 : i32
    %c0_i32_1 = arith.constant 0 : i32
    return %c0_i32, %arg0, %c0_i32_0 : i32, i32, i32
  }
  func.func @transform_1(%arg0: i32) -> (i32, i32, i32) {
    %c0_i32 = arith.constant 0 : i32
    %c0_i32_0 = arith.constant 0 : i32
    %c0_i32_1 = arith.constant 0 : i32
    return %c0_i32, %arg0, %c0_i32_0 : i32, i32, i32
  }
  func.func @transform_2(%arg0: i32) -> (i32, i32) {
    %c0_i32 = arith.constant 0 : i32
    %c0_i32_0 = arith.constant 0 : i32
    return %arg0, %c0_i32 : i32, i32
  }
  func.func @transform_3(%arg0: i32) -> (i32, i32) {
    %c0_i32 = arith.constant 0 : i32
    %c0_i32_0 = arith.constant 0 : i32
    %c0_i32_1 = arith.constant 0 : i32
    return %c0_i32, %c0_i32_0 : i32, i32
  }
  func.func @transform_4(%arg0: i32) -> (i32, i32) {
    %c0_i32 = arith.constant 0 : i32
    %c0_i32_0 = arith.constant 0 : i32
    %c0_i32_1 = arith.constant 0 : i32
    return %c0_i32, %c0_i32_0 : i32, i32
  }
  func.func @transform_5(%arg0: i32) -> (i32, i32) {
    %c0_i32 = arith.constant 0 : i32
    %c0_i32_0 = arith.constant 0 : i32
    return %arg0, %c0_i32 : i32, i32
  }
}

</mosaic_0001>

<sc_bundles>
// kernel: kernel.10.cloned.1.call-start
scs
__scs_entry_jumppad:
0x0: {  	(pc) =	sbr.rel $0x88, $3  }
0x1: {  	(tag) =	ssettag $0x0;
	lr =	simm.s32 $0x1  }
0x2: {  	[smem:$0x3F99] =	sst lr;
	_ =	strace $0xD0000000  }
0x3: {  	_ = 	snop  }
0x4: {  	_ = 	snop  }
0x5: {  	_ = 	snop  }
0x6: {  	_ = 	snop  }
0x7: {  	_ = 	snop  }
__scs_overlays_trampoline_lowered:
0x8: {  	[smem:$0x3FA8] =	sst s0  }
0x9: {  	[smem:$0x3FA9] =	sst s1  }
0xa: {  	[smem:$0x3FAA] =	sst s2  }
0xb: {  	[smem:$0x3FAB] =	sst s3  }
0xc: {  	[smem:$0x3FAC] =	sst s4  }
0xd: {  	[smem:$0x3FAD] =	sst s5  }
0xe: {  	[smem:$0x3FAE] =	sst s6  }
0xf: {  	[smem:$0x3FAF] =	sst s7  }
0x10: {  	[smem:$0x3FB0] =	sst s8  }
0x11: {  	[smem:$0x3FB1] =	sst s9;
	s0 =	simm.s32 @!p0 $0x0  }
0x12: {  	s1 =	sld [smem:$0x3F97];
	s0 =	simm.s32 @p0 $0x1  }
0x13: {  	[smem:$0x3FB2] =	sst s0;
	s0 =	simm.s32 @!p1 $0x0  }
0x14: {  	s2 =	sld [smem:$0x3F96];
	s0 =	simm.s32 @p1 $0x1  }
0x15: {  	[smem:$0x3FB3] =	sst s0;
	s0 =	simm.s32 @!p2 $0x0  }
0x16: {  	s3 =	sld [smem:$0x3FDB];
	s0 =	simm.s32 @p2 $0x1  }
0x17: {  	s4 =	simm.s32 $0x1BF5;
	[smem:$0x3FB5] =	sst s0  }
0x18: {  	s0 =	sld [smem:$0x3F98];
	_ =	swait.ge [sflag:s4], $0x0  }
0x19: {  	s7 =	sld [smem:$0x3F99]  }
0x1a: {  	s8 =	sadd.s32 $0xFFFFE003, lr  }
0x1b: {  	s9 =	sadd.s32 $0xFFFFFEF7, lr;
	s5 =	simm.s32 $0xFFFFFFFF;
	p2 =	slt.u32 s8, $0xFFFFF086  }
0x1c: {  	p1 =	slt.u32 s9, $0xF7A;
	s5 =	simm.s32 @!p2 $0x0  }
0x1d: {  	s5 =	simm.s32 @p1 $0x1;
	p0 =	seq.s32 s7, s2  }
0x1e: {  	s7 =	smul.u32 @!p0 $0xF7A, s2;
	p2 =	seq.s32 @!p0 s5, $0x0  }
0x1f: {  	s9 =	smul.u32 $0xF7A, s1;
	s8 =	simm.s32 @!p0 $0x1BF5;
	p2 =	por !p2, p0  }
0x20: {  	[sflag:s8] =	ssyncset.s32 @!p0 $0xFFFFF086;
	s6 =	sadd.s32 @!p0 s3, s7;
	s7 =	simm.s32 @!p0 $0x108  }
0x21: {  	s3 =	sadd.s32 s3, s9;
	s6 =	sadd.s32 @!p0 $0x88, s6;
	s7 =	simm.s32 @p2 $0x1082  }
0x22: {  	[simem:s7], [sflag:s8] =	dma.local @!p0 [hbm:s6], $0xF7A  }
0x23: {  	s9 =	sor.u32 $0xD0000000, s2;
	s6 =	simm.s32 $0x108;
	_ =	swait.ge @!p0 [sflag:s8], $0x0  }
0x24: {  	s3 =	sadd.s32 $0x88, s3;
	s6 =	simm.s32 @!p1 $0x1082;
	[sflag:s4] =	ssyncset.s32 $0xFFFFF086  }
0x25: {  	[simem:s6], [sflag:s4] =	dma.local [hbm:s3], $0xF7A  }
0x26: {  	[smem:$0x3F99] =	sst s1;
	(tag) =	ssettag s2;
	_ =	strace s9  }
0x27: {  	s1 =	sld [smem:$0x3FA9]  }
0x28: {  	s2 =	sld [smem:$0x3FAA]  }
0x29: {  	s4 =	sld [smem:$0x3FAC]  }
0x2a: {  	p0 =	seq.s32 s5, $0x0;
	s5 =	sld [smem:$0x3FAD]  }
0x2b: {  	s6 =	sld [smem:$0x3FAE]  }
0x2c: {  	s7 =	sld [smem:$0x3FAF]  }
0x2d: {  	s3 =	simm.s32 $0x108;
	s8 =	sld [smem:$0x3FB0]  }
0x2e: {  	s3 =	simm.s32 @!p0 $0x1082;
	s9 =	sld [smem:$0x3FB1]  }
0x2f: {  	lr =	sadd.s32 s0, s3;
	s0 =	sld [smem:$0x3FA8]  }
0x30: {  	s3 =	sld [smem:$0x3FAB]  }
0x31: {  	[smem:$0x3FB4] =	sst s10  }
0x32: {  	s10 =	sld [smem:$0x3FB2];
	_ =	sdelay $0x3  }
0x33: {  	p0 =	seq.s32 s10, $0x1;
	s10 =	sld [smem:$0x3FB4];
	_ =	sdelay $0x3  }
0x34: {  	[smem:$0x3FB4] =	sst s10  }
0x35: {  	s10 =	sld [smem:$0x3FB3];
	_ =	sdelay $0x3  }
0x36: {  	p1 =	seq.s32 s10, $0x1;
	s10 =	sld [smem:$0x3FB4];
	_ =	sdelay $0x3  }
0x37: {  	[smem:$0x3FB4] =	sst s10  }
0x38: {  	s10 =	sld [smem:$0x3FB5]  }
0x39: {  	_ = 	snop;
	(pc) =	sbr.ind lr, $3  }
0x3a: {  	_ = 	snop  }
0x3b: {  	_ = 	snop  }
0x3c: {  	p2 =	seq.s32 s10, $0x1;
	s10 =	sld [smem:$0x3FB4]  }
0x3d: {  	_ =	shalt  }
0x3e: {  	_ =	shalt  }
0x3f: {  	_ =	shalt  }
0x40: {  	_ =	shalt  }
0x41: {  	_ =	shalt  }
0x42: {  	_ =	shalt  }
0x43: {  	_ =	shalt  }
0x44: {  	_ =	shalt  }
0x45: {  	_ =	shalt  }
0x46: {  	_ =	shalt  }
0x47: {  	_ =	shalt  }
0x48: {  	_ =	shalt  }
0x49: {  	_ =	shalt  }
0x4a: {  	_ =	shalt  }
0x4b: {  	_ =	shalt  }
0x4c: {  	_ =	shalt  }
0x4d: {  	_ =	shalt  }
0x4e: {  	_ =	shalt  }
0x4f: {  	_ =	shalt  }
0x50: {  	_ =	shalt  }
0x51: {  	_ =	shalt  }
0x52: {  	_ =	shalt  }
0x53: {  	_ =	shalt  }
0x54: {  	_ =	shalt  }
0x55: {  	_ =	shalt  }
0x56: {  	_ =	shalt  }
0x57: {  	_ =	shalt  }
0x58: {  	_ =	shalt  }
0x59: {  	_ =	shalt  }
0x5a: {  	_ =	shalt  }
0x5b: {  	_ =	shalt  }
0x5c: {  	_ =	shalt  }
0x5d: {  	_ =	shalt  }
0x5e: {  	_ =	shalt  }
0x5f: {  	_ =	shalt  }
0x60: {  	_ =	shalt  }
0x61: {  	_ =	shalt  }
0x62: {  	_ =	shalt  }
0x63: {  	_ =	shalt  }
0x64: {  	_ =	shalt  }
0x65: {  	_ =	shalt  }
0x66: {  	_ =	shalt  }
0x67: {  	_ =	shalt  }
0x68: {  	_ =	shalt  }
0x69: {  	_ =	shalt  }
0x6a: {  	_ =	shalt  }
0x6b: {  	_ =	shalt  }
0x6c: {  	_ =	shalt  }
0x6d: {  	_ =	shalt  }
0x6e: {  	_ =	shalt  }
0x6f: {  	_ =	shalt  }
0x70: {  	_ =	shalt  }
0x71: {  	_ =	shalt  }
0x72: {  	_ =	shalt  }
0x73: {  	_ =	shalt  }
0x74: {  	_ =	shalt  }
0x75: {  	_ =	shalt  }
0x76: {  	_ =	shalt  }
0x77: {  	_ =	shalt  }
0x78: {  	_ =	shalt  }
0x79: {  	_ =	shalt  }
0x7a: {  	_ =	shalt  }
0x7b: {  	_ =	shalt  }
0x7c: {  	_ =	shalt  }
0x7d: {  	_ =	shalt  }
0x7e: {  	_ =	shalt  }
0x7f: {  	_ =	shalt  }
0x80: {  	_ =	shalt  }
0x81: {  	_ =	shalt  }
0x82: {  	_ =	shalt  }
0x83: {  	_ =	shalt  }
0x84: {  	_ =	shalt  }
0x85: {  	_ =	shalt  }
0x86: {  	_ =	shalt  }
0x87: {  	_ =	shalt  }
.Lfunc_end0:
.L_simem_size_0:
called_computation_lowered:
.L_overlay_start_0:
0x88: {  	s2 =	sld [smem:$0x3FD9]  }
0x89: {  	s3 =	sld [smem:$0x3FFE];
	_ =	sdelay $0x1  }
0x8a: {  	s1 =	srdreg.scid  }
0x8b: {  	s0 =	sand.u32 $0x1, s1  }
0x8c: {  	s16 =	sshll.u32 s0, $0xA;
	s2 =	sadd.s32 s3, s2  }
0x8d: {  	s2 =	sadd.s32 s2, s16  }
0x8e: {  	[smem:$0x3FC0] =	sst s2  }
0x8f: {  	_ = 	snop  }
0x90: {  	(tm) =	ssettm $0x1  }
0x91: {  	s17 =	sld [smem:$0x3FFB];
	_ =	sdelay $0x3  }
0x92: {  	_ =	strace s17  }
0x93: {  	s2 =	sld [smem:$0x3FFC];
	_ =	sdelay $0x3  }
0x94: {  	_ =	strace s2  }
0x95: {  	s2 =	sld [smem:$0x3FFD];
	_ =	sdelay $0x3  }
0x96: {  	_ =	strace s2  }
0x97: {  	_ =	strace $0x8FFFFFFF  }
0x98: {  	s18 =	sld [smem:$0x3FDB];
	_ =	sdelay $0x1  }
0x99: {  	s19 =	simm.s32 $_scs_section_size  }
0x9a: {  	s4 =	simm.s32 $_size__tile_overlayer_lowered;
	s5 =	simm.s32 $_tile_overlayer_lowered  }
0x9b: {  	s22 =	simm.s32 $0x1BFF;
	s21 =	sshll.u32 s5, $0x1;
	s2 =	sadd.s32 s19, s18  }
0x9c: {  	s6 =	simm.s32 $0x0;
	s20 =	sshll.u32 s4, $0x1;
	s4 =	sadd.s32 s21, s2  }
0x9d: {  	[timem:s6], [sflag:s22] =	dma.local [hbm:s4], s20  }
0x9e: {  	_ =	swait.ge [sflag:s22], s20  }
0x9f: {  	s3 =	ssub.s32 $0x0, s20;
	[sflag:s22] =	ssyncset.done $0x0  }
0xa0: {  	[sflag:s22] =	ssyncadd.s32 s3;
	_ =	sdelay $0x1  }
0xa1: {  	s23 =	simm.s32 $0x1B8B  }
0xa2: {  	_ =	swait.ge [sflag:s23], $0x1  }
0xa3: {  	[sflag:s23] =	ssyncset.done $0x0  }
0xa4: {  	s25 =	simm.s32 $0x1B8E;
	s24 =	sld [smem:$0x3FFE];
	[sflag:s23] =	ssyncadd.s32 $0xFFFFFFFF  }
0xa5: {  	s26 =	simm.s32 $execute0_lowered;
	[smem:$0x3FD2] =	sst s25  }
0xa6: {  	s4 =	sshll.u32 s26, $0x1;
	_ =	strace $0x80000046;
	[dreg:$0x1] =	wrdreg $0xFFFFFFFF  }
0xa7: {  	s28 =	simm.s32 $_size_execute0_lowered;
	s2 =	sadd.s32 s2, s4;
	[dreg:$0x0] =	wrdreg $0x0  }
0xa8: {  	s4 =	sshll.u32 s28, $0x1;
	[dreg:$0x2] =	wrdreg s2  }
0xa9: {  	[dreg:$0x3] =	wrdreg s4  }
0xaa: {  	[dreg:$0x4] =	wrdreg $0xC0  }
0xab: {  	_ =	task [dreg:s6], $0x5FFFF  }
0xac: {  	[dreg:$0x1] =	wrdreg $0xFFFFFFFF  }
0xad: {  	[dreg:$0x0] =	wrdreg $0x60  }
0xae: {  	[dreg:$0x2] =	wrdreg s24  }
0xaf: {  	[dreg:$0x3] =	wrdreg $0xA8000  }
0xb0: {  	[dreg:$0x4] =	wrdreg $0x9  }
0xb1: {  	_ =	task.clear_ibuf [dreg:s6], $0x5FFFF;
	_ =	strace $0x90000046  }
0xb2: {  	s29 =	simm.s32 $0x9;
	_ =	strace $0x80000048  }
0xb3: {  	_ =	swait.ge [sflag:s29], $0x1  }
0xb4: {  	[sflag:s29] =	ssyncadd.s32 $0xFFFFFFFF  }
0xb5: {  	_ =	strace $0x90000048  }
0xb6: {  	_ =	sfence  }
0xb7: {  	s30 =	sld [smem:$0x0];
	_ =	sdelay $0x2  }
0xb8: {  	s31 =	sshll.u32 s1, $0xD;
	s1 =	sshrl.u32 s1, $0x2  }
0xb9: {  	s3 =	sand.u32 $0x4000, s31;
	s1 =	sadd.s32 s1, s30  }
0xba: {  	s0 =	sor.u32 s3, s0;
	s1 =	sshll.u32 s1, $0x11  }
0xbb: {  	s0 =	sor.u32 s1, s0  }
0xbc: {  	s0 =	sadd.s32 $0x8F2B, s0  }
0xbd: {  	[sflag:s0] =	ssyncadd.remote.s32 $0x1  }
0xbe: {  	_ =	sfence.sel $0xFFFF  }
0xbf: {  	[dreg:$0x0] =	wrdreg $0xFFFFFFFF;
	(pc) =	sbr.abs _section_cstart, $3  }
0xc0: {  	[dreg:$0x1] =	wrdreg $0xFFFFFFFF  }
0xc1: {  	_ =	task.clear_ibuf [dreg:s6], $0x2FFFF;
	_ =	strace $0x9FFFFFFF  }
0xc2: {  	(tm) =	ssettm $0x7FFFFFFF  }
0xc3: {  	_ =	shalt  }
tec
execute0_lowered:
.L_overlay_start_1:
0x0: {  	(tag) =	ssettag $0x1  }
0x1: {  	s1 =	srdreg.scid;
	s5 =	rddreg [dreg:$0x0]  }
0x2: {  	s0 =	stileid.u32;
	s2 =	rddreg [dreg:$0x1];
	s3 =	simm.s32 $0x0  }
0x3: {  	s12 =	simm.s32 $0x6800;
	s13 =	simm.s32 $0x1;
	s14 =	simm.s32 $0x80  }
0x4: {  	s15 =	simm.s32 $0x2800;
	s4 =	sand.u32 $0x1, s1;
	s8 =	smul.u32 $0x13C00, s0  }
0x5: {  	s28 =	sshll.u32 s0, $0x1;
	[smem:$0x7FF] =	sst s3;
	s9 =	smul.u32 $0x4F000, s0  }
0x6: {  	s16 =	sshll.u32 s0, $0x6;
	s1 =	sor.u32 s4, s28;
	s7 =	smul.u32 $0x13C000, s4  }
0x7: {  	s29 =	ssub.s32 $0x2, s4;
	s16 =	sor.u32 $0x1C01, s16;
	s6 =	smul.u32 $0x500, s1  }
0x8: {  	s1 =	rddreg [dreg:$0x2];
	_ =	strace $0x80000047;
	s30 =	sshrl.u32 s9, $0x2  }
0x9: {  	s31 =	sshrl.u32 s29, $0x1;
	s7 =	sadd.s32 s8, s7;
	s4 =	sadd.s32 s30, s2  }
0xa: {  	s8 =	ssub.s32 s29, s31;
	s6 =	sadd.s32 s6, s5;
	s7 =	sshrl.u32 s7, $0x3  }
0xb: {  	s8 =	smax.u32 s8, $0x1;
	s9 =	sadd.s32 $0x4000, s4;
	s10 =	sadd.s32 $0x8000, s4  }
0xc: {  	s11 =	sadd.s32 $0xC000, s4;
	s17 =	sshrl.u32 s4, $0x3;
	s7 =	sadd.s32 s7, s5  }
0xd: {  	v0 =	vimm.f32 $1.000000000e+00;
	v1 =	vimm.f32 $0.0e+00;
	s5 =	sadd.s32 $0x10000, s4;
	s6 =	sadd.s32 $0x3200, s6;
	s7 =	sadd.s32 $0xD200, s7  }
.LBB2_1:
0xe: {  	s18 =	simm.s32 $0x200;
	s19 =	simm.s32 $0x0  }
.LBB2_2:
0xf: {  	p0 =	sne.s32 s18, $0xFE00;
	[tilespmem:s19+$0x2800] =	vst v0;
	s20 =	smov.u32 s18;
	s18 =	sadd.s32 $0x200, s18  }
.Ltmp0:
0x10: {  	[tilespmem:s19+$0x6800] =	vst v1;
	(pc) =	sbr.rel @p0 .LBB2_2-.Ltmp0, $2  }
0x11: {  	_ =	sdelay $0x2  }
0x12: {  	s19 =	sshra.s32 s20, $0x2  }
0x13: {  	[tilespmem:s19+$0x2800] =	vst v0  }
0x14: {  	[tilespmem:s19+$0x6800] =	vst v1  }
0x15: {  	[spmem:s4] =	stream.linear.scatter [tilespmem:s12], [sflag:$0x1], $0x4000, $0x38;
	[tilespmem:$0xCF80] =	vst v63  }
0x16: {  	_ =	swait.ge [sflag:s13], $0x4000  }
0x17: {  	[sflag:s13] =	ssyncset.done $0x0  }
0x18: {  	[sflag:s13] =	ssyncadd.s32 $0xFFFFC000  }
0x19: {  	[spmem:s9] =	stream.linear.scatter [tilespmem:s12], [sflag:$0x1], $0x4000, $0x38;
	[tilespmem:$0xCF80] =	vst v63  }
0x1a: {  	_ =	swait.ge [sflag:s13], $0x4000  }
0x1b: {  	[sflag:s13] =	ssyncset.done $0x0  }
0x1c: {  	[sflag:s13] =	ssyncadd.s32 $0xFFFFC000  }
0x1d: {  	[spmem:s10] =	stream.linear.scatter [tilespmem:s12], [sflag:$0x1], $0x4000, $0x38;
	[tilespmem:$0xCF80] =	vst v63  }
0x1e: {  	_ =	swait.ge [sflag:s13], $0x4000  }
0x1f: {  	[sflag:s13] =	ssyncset.done $0x0  }
0x20: {  	[sflag:s13] =	ssyncadd.s32 $0xFFFFC000  }
0x21: {  	[spmem:s11] =	stream.linear.scatter [tilespmem:s12], [sflag:$0x1], $0x4000, $0x38;
	[tilespmem:$0xCF80] =	vst v63  }
0x22: {  	_ =	swait.ge [sflag:s13], $0x4000  }
0x23: {  	[sflag:s13] =	ssyncset.done $0x0  }
0x24: {  	[sflag:s13] =	ssyncadd.s32 $0xFFFFC000  }
0x25: {  	[spmem:s5] =	stream.linear.scatter [tilespmem:s12], [sflag:$0x1], $0x3C00, $0x38;
	[tilespmem:$0xCF80] =	vst v63  }
0x26: {  	_ =	swait.ge [sflag:s13], $0x3C00  }
0x27: {  	[sflag:s13] =	ssyncset.done $0x0  }
0x28: {  	s18 =	simm.s32 $0x0;
	[sflag:s13] =	ssyncadd.s32 $0xFFFFC400  }
0x29: {  	[tilespmem:s18], [sflag:$0x1] =	stream.linear.gather [hbm4b:s6+s18], $0x2780, $0x38;
	[tilespmem:$0xCF80] =	vst v63  }
0x2a: {  	_ =	swait.ge [sflag:s13], $0x2780  }
0x2b: {  	[sflag:s13] =	ssyncset.done $0x0  }
0x2c: {  	[sflag:s13] =	ssyncadd.s32 $0xFFFFD880  }
0x2d: {  	s31 =	simm.s32 $0x0;
	[bflag:$0x0] =	sbarrier.arrive $0xFFFF  }
0x2e: {  	[spmem:s2] =	stream.indirect.scatter.add.f32 [tilespmem:s15], [sflag:$0x1], $0x10, s31, s14, $0xb8;
	[tilespmem:$0xCF80] =	vst v63  }
0x2f: {  	_ =	swait.ge [sflag:s13], $0x800  }
0x30: {  	s18 =	simm.s32 $0x200;
	[sflag:s13] =	ssyncset.done $0x0  }
.LBB2_4:
0x31: {  	s19 =	sshra.s32 s18, $0x2;
	[sflag:s13] =	ssyncadd.s32 $0xFFFFF800;
	p0 =	sne.s32 s18, $0x9C00  }
0x32: {  	[spmem:s2] =	stream.indirect.scatter.add.f32 [tilespmem:s15], [sflag:$0x1], $0x10, s19, s14, $0xb8;
	[tilespmem:$0xCF80] =	vst v63  }
.Ltmp1:
0x33: {  	_ = 	snop;
	(pc) =	sbr.rel @p0 .LBB2_4-.Ltmp1, $4  }
0x34: {  	_ = 	snop  }
0x35: {  	s18 =	sadd.s32 $0x200, s18  }
0x36: {  	_ =	swait.ge [sflag:s13], $0x800  }
0x37: {  	[sflag:s13] =	ssyncset.done $0x0  }
0x38: {  	s3 =	sadd.s32 $0x1, s3  }
0x39: {  	[sflag:s13] =	ssyncadd.s32 $0xFFFFF800;
	p0 =	sne.s32 s3, s8  }
.Ltmp2:
0x3a: {  	[bflag:$0x0] =	sbarrier.arrive $0xFFFF;
	(pc) =	sbr.rel @p0 .LBB2_1-.Ltmp2, $4  }
0x3b: {  	[hbm:s7], [sflag:s16] =	dma.local [spmem:s17], $0x2780  }
0x3c: {  	_ =	swait.ge [sflag:s13], $0x2780  }
0x3d: {  	[sflag:s13] =	ssyncset.done $0x0  }
0x3e: {  	[sflag:s13] =	ssyncadd.s32 $0xFFFFD880  }
0x3f: {  	_ =	sfence.sel $0x180000  }
0x40: {  	[bflag:$0x0] =	sbarrier.arrive $0xFFFF  }
0x41: {  	p0 =	sne.s32 s0, $0x0;
	_ =	strace $0x90000047  }
0x42: {  	s0 =	sadd.s32 @!p0 $0x100000, s1;
	[bflag:$0x2] =	sbarrier.arrive $0xFFFF  }
0x43: {  	[sflag:s0] =	ssyncadd.tile.s32 @!p0 $0x1;
	_ =	shalt  }
.Lfunc_end2:
_tile_overlayer_lowered:
.L_overlay_start_2:
0x44: {  	(tag) =	ssettag $0x2  }
0x45: {  	s0 =	rddreg [dreg:$0x0];
	s2 =	stileid.u32  }
0x46: {  	s1 =	rddreg [dreg:$0x1];
	p0 =	sne.s32 s2, $0x0  }
0x47: {  	s3 =	rddreg [dreg:$0x2];
	[bflag:$0x3] =	sbarrier.arrive $0xFFFF;
	s2 =	simm.s32 @!p0 $0x1C01  }
0x48: {  	[timem:s3], [sflag:s2] =	dma.local @!p0 [hbm:s0], s1  }
0x49: {  	s0 =	simm.s32 @!p0 $0x1  }
0x4a: {  	_ =	swait.ge @!p0 [sflag:s0], s1  }
0x4b: {  	s1 =	ssub.s32 @!p0 $0x0, s1;
	[sflag:s0] =	ssyncset.done @!p0 $0x0  }
0x4c: {  	[sflag:s0] =	ssyncadd.s32 @!p0 s1  }
0x4d: {  	[bflag:$0x3] =	sbarrier.arrive $0xFFFF  }
0x4e: {  	_ =	shalt  }

// kernel: kernel.13.cloned.1.call-start
scs
__scs_entry_jumppad:
0x0: {  	(pc) =	sbr.rel $0x88, $3  }
0x1: {  	(tag) =	ssettag $0x0;
	lr =	simm.s32 $0x1  }
0x2: {  	[smem:$0x3F99] =	sst lr;
	_ =	strace $0xD0000000  }
0x3: {  	_ = 	snop  }
0x4: {  	_ = 	snop  }
0x5: {  	_ = 	snop  }
0x6: {  	_ = 	snop  }
0x7: {  	_ = 	snop  }
__scs_overlays_trampoline_lowered:
0x8: {  	[smem:$0x3FA8] =	sst s0  }
0x9: {  	[smem:$0x3FA9] =	sst s1  }
0xa: {  	[smem:$0x3FAA] =	sst s2  }
0xb: {  	[smem:$0x3FAB] =	sst s3  }
0xc: {  	[smem:$0x3FAC] =	sst s4  }
0xd: {  	[smem:$0x3FAD] =	sst s5  }
0xe: {  	[smem:$0x3FAE] =	sst s6  }
0xf: {  	[smem:$0x3FAF] =	sst s7  }
0x10: {  	[smem:$0x3FB0] =	sst s8  }
0x11: {  	[smem:$0x3FB1] =	sst s9;
	s0 =	simm.s32 @!p0 $0x0  }
0x12: {  	s1 =	sld [smem:$0x3F97];
	s0 =	simm.s32 @p0 $0x1  }
0x13: {  	[smem:$0x3FB2] =	sst s0;
	s0 =	simm.s32 @!p1 $0x0  }
0x14: {  	s2 =	sld [smem:$0x3F96];
	s0 =	simm.s32 @p1 $0x1  }
0x15: {  	[smem:$0x3FB3] =	sst s0;
	s0 =	simm.s32 @!p2 $0x0  }
0x16: {  	s3 =	sld [smem:$0x3FDB];
	s0 =	simm.s32 @p2 $0x1  }
0x17: {  	s4 =	simm.s32 $0x1BF5;
	[smem:$0x3FB5] =	sst s0  }
0x18: {  	s0 =	sld [smem:$0x3F98];
	_ =	swait.ge [sflag:s4], $0x0  }
0x19: {  	s7 =	sld [smem:$0x3F99]  }
0x1a: {  	s8 =	sadd.s32 $0xFFFFE003, lr  }
0x1b: {  	s9 =	sadd.s32 $0xFFFFFEF7, lr;
	s5 =	simm.s32 $0xFFFFFFFF;
	p2 =	slt.u32 s8, $0xFFFFF086  }
0x1c: {  	p1 =	slt.u32 s9, $0xF7A;
	s5 =	simm.s32 @!p2 $0x0  }
0x1d: {  	s5 =	simm.s32 @p1 $0x1;
	p0 =	seq.s32 s7, s2  }
0x1e: {  	s7 =	smul.u32 @!p0 $0xF7A, s2;
	p2 =	seq.s32 @!p0 s5, $0x0  }
0x1f: {  	s9 =	smul.u32 $0xF7A, s1;
	s8 =	simm.s32 @!p0 $0x1BF5;
	p2 =	por !p2, p0  }
0x20: {  	[sflag:s8] =	ssyncset.s32 @!p0 $0xFFFFF086;
	s6 =	sadd.s32 @!p0 s3, s7;
	s7 =	simm.s32 @!p0 $0x108  }
0x21: {  	s3 =	sadd.s32 s3, s9;
	s6 =	sadd.s32 @!p0 $0x88, s6;
	s7 =	simm.s32 @p2 $0x1082  }
0x22: {  	[simem:s7], [sflag:s8] =	dma.local @!p0 [hbm:s6], $0xF7A  }
0x23: {  	s9 =	sor.u32 $0xD0000000, s2;
	s6 =	simm.s32 $0x108;
	_ =	swait.ge @!p0 [sflag:s8], $0x0  }
0x24: {  	s3 =	sadd.s32 $0x88, s3;
	s6 =	simm.s32 @!p1 $0x1082;
	[sflag:s4] =	ssyncset.s32 $0xFFFFF086  }
0x25: {  	[simem:s6], [sflag:s4] =	dma.local [hbm:s3], $0xF7A  }
0x26: {  	[smem:$0x3F99] =	sst s1;
	(tag) =	ssettag s2;
	_ =	strace s9  }
0x27: {  	s1 =	sld [smem:$0x3FA9]  }
0x28: {  	s2 =	sld [smem:$0x3FAA]  }
0x29: {  	s4 =	sld [smem:$0x3FAC]  }
0x2a: {  	p0 =	seq.s32 s5, $0x0;
	s5 =	sld [smem:$0x3FAD]  }
0x2b: {  	s6 =	sld [smem:$0x3FAE]  }
0x2c: {  	s7 =	sld [smem:$0x3FAF]  }
0x2d: {  	s3 =	simm.s32 $0x108;
	s8 =	sld [smem:$0x3FB0]  }
0x2e: {  	s3 =	simm.s32 @!p0 $0x1082;
	s9 =	sld [smem:$0x3FB1]  }
0x2f: {  	lr =	sadd.s32 s0, s3;
	s0 =	sld [smem:$0x3FA8]  }
0x30: {  	s3 =	sld [smem:$0x3FAB]  }
0x31: {  	[smem:$0x3FB4] =	sst s10  }
0x32: {  	s10 =	sld [smem:$0x3FB2];
	_ =	sdelay $0x3  }
0x33: {  	p0 =	seq.s32 s10, $0x1;
	s10 =	sld [smem:$0x3FB4];
	_ =	sdelay $0x3  }
0x34: {  	[smem:$0x3FB4] =	sst s10  }
0x35: {  	s10 =	sld [smem:$0x3FB3];
	_ =	sdelay $0x3  }
0x36: {  	p1 =	seq.s32 s10, $0x1;
	s10 =	sld [smem:$0x3FB4];
	_ =	sdelay $0x3  }
0x37: {  	[smem:$0x3FB4] =	sst s10  }
0x38: {  	s10 =	sld [smem:$0x3FB5]  }
0x39: {  	_ = 	snop;
	(pc) =	sbr.ind lr, $3  }
0x3a: {  	_ = 	snop  }
0x3b: {  	_ = 	snop  }
0x3c: {  	p2 =	seq.s32 s10, $0x1;
	s10 =	sld [smem:$0x3FB4]  }
0x3d: {  	_ =	shalt  }
0x3e: {  	_ =	shalt  }
0x3f: {  	_ =	shalt  }
0x40: {  	_ =	shalt  }
0x41: {  	_ =	shalt  }
0x42: {  	_ =	shalt  }
0x43: {  	_ =	shalt  }
0x44: {  	_ =	shalt  }
0x45: {  	_ =	shalt  }
0x46: {  	_ =	shalt  }
0x47: {  	_ =	shalt  }
0x48: {  	_ =	shalt  }
0x49: {  	_ =	shalt  }
0x4a: {  	_ =	shalt  }
0x4b: {  	_ =	shalt  }
0x4c: {  	_ =	shalt  }
0x4d: {  	_ =	shalt  }
0x4e: {  	_ =	shalt  }
0x4f: {  	_ =	shalt  }
0x50: {  	_ =	shalt  }
0x51: {  	_ =	shalt  }
0x52: {  	_ =	shalt  }
0x53: {  	_ =	shalt  }
0x54: {  	_ =	shalt  }
0x55: {  	_ =	shalt  }
0x56: {  	_ =	shalt  }
0x57: {  	_ =	shalt  }
0x58: {  	_ =	shalt  }
0x59: {  	_ =	shalt  }
0x5a: {  	_ =	shalt  }
0x5b: {  	_ =	shalt  }
0x5c: {  	_ =	shalt  }
0x5d: {  	_ =	shalt  }
0x5e: {  	_ =	shalt  }
0x5f: {  	_ =	shalt  }
0x60: {  	_ =	shalt  }
0x61: {  	_ =	shalt  }
0x62: {  	_ =	shalt  }
0x63: {  	_ =	shalt  }
0x64: {  	_ =	shalt  }
0x65: {  	_ =	shalt  }
0x66: {  	_ =	shalt  }
0x67: {  	_ =	shalt  }
0x68: {  	_ =	shalt  }
0x69: {  	_ =	shalt  }
0x6a: {  	_ =	shalt  }
0x6b: {  	_ =	shalt  }
0x6c: {  	_ =	shalt  }
0x6d: {  	_ =	shalt  }
0x6e: {  	_ =	shalt  }
0x6f: {  	_ =	shalt  }
0x70: {  	_ =	shalt  }
0x71: {  	_ =	shalt  }
0x72: {  	_ =	shalt  }
0x73: {  	_ =	shalt  }
0x74: {  	_ =	shalt  }
0x75: {  	_ =	shalt  }
0x76: {  	_ =	shalt  }
0x77: {  	_ =	shalt  }
0x78: {  	_ =	shalt  }
0x79: {  	_ =	shalt  }
0x7a: {  	_ =	shalt  }
0x7b: {  	_ =	shalt  }
0x7c: {  	_ =	shalt  }
0x7d: {  	_ =	shalt  }
0x7e: {  	_ =	shalt  }
0x7f: {  	_ =	shalt  }
0x80: {  	_ =	shalt  }
0x81: {  	_ =	shalt  }
0x82: {  	_ =	shalt  }
0x83: {  	_ =	shalt  }
0x84: {  	_ =	shalt  }
0x85: {  	_ =	shalt  }
0x86: {  	_ =	shalt  }
0x87: {  	_ =	shalt  }
.Lfunc_end0:
.L_simem_size_0:
called_computation.1_lowered:
.L_overlay_start_0:
0x88: {  	s2 =	sld [smem:$0x3FD9]  }
0x89: {  	s3 =	sld [smem:$0x3FFE];
	_ =	sdelay $0x1  }
0x8a: {  	s1 =	srdreg.scid  }
0x8b: {  	s0 =	sand.u32 $0x1, s1  }
0x8c: {  	s17 =	sshll.u32 s0, $0xA;
	s2 =	sadd.s32 s3, s2  }
0x8d: {  	s2 =	sadd.s32 s2, s17  }
0x8e: {  	[smem:$0x3FC0] =	sst s2  }
0x8f: {  	_ = 	snop  }
0x90: {  	s2 =	sld [smem:$0x3FD0];
	(tm) =	ssettm $0x1  }
0x91: {  	s18 =	sld [smem:$0x3FFB];
	_ =	sdelay $0x3  }
0x92: {  	_ =	strace s18  }
0x93: {  	s3 =	sld [smem:$0x3FFC];
	_ =	sdelay $0x3  }
0x94: {  	_ =	strace s3  }
0x95: {  	s3 =	sld [smem:$0x3FFD];
	_ =	sdelay $0x3  }
0x96: {  	_ =	strace s3  }
0x97: {  	_ =	strace $0x8FFFFFFF  }
0x98: {  	s19 =	sld [smem:$0x3FDB];
	_ =	sdelay $0x1  }
0x99: {  	s4 =	simm.s32 $_scs_section_size  }
0x9a: {  	s5 =	simm.s32 $_size__tile_overlayer_lowered;
	s6 =	simm.s32 $_tile_overlayer_lowered  }
0x9b: {  	s22 =	simm.s32 $0x1BFF;
	s21 =	sshll.u32 s6, $0x1;
	s3 =	sadd.s32 s4, s19  }
0x9c: {  	s7 =	simm.s32 $0x0;
	s20 =	sshll.u32 s5, $0x1;
	s5 =	sadd.s32 s21, s3  }
0x9d: {  	[timem:s7], [sflag:s22] =	dma.local [hbm:s5], s20  }
0x9e: {  	_ =	swait.ge [sflag:s22], s20  }
0x9f: {  	s4 =	ssub.s32 $0x0, s20;
	[sflag:s22] =	ssyncset.done $0x0  }
0xa0: {  	[sflag:s22] =	ssyncadd.s32 s4;
	_ =	sdelay $0x1  }
0xa1: {  	s23 =	simm.s32 $0x1B8B  }
0xa2: {  	_ =	swait.ge [sflag:s23], $0x1  }
0xa3: {  	[sflag:s23] =	ssyncset.done $0x0  }
0xa4: {  	s25 =	simm.s32 $0x1B8E;
	s24 =	sld [smem:$0x3FFE];
	[sflag:s23] =	ssyncadd.s32 $0xFFFFFFFF  }
0xa5: {  	s26 =	simm.s32 $execute0_lowered;
	[smem:$0x3FD2] =	sst s25  }
0xa6: {  	s5 =	sshll.u32 s26, $0x1;
	_ =	strace $0x80000049;
	[dreg:$0x1] =	wrdreg $0xFFFFFFFF  }
0xa7: {  	s28 =	simm.s32 $_size_execute0_lowered;
	s3 =	sadd.s32 s3, s5;
	[dreg:$0x0] =	wrdreg $0x0  }
0xa8: {  	s5 =	sshll.u32 s28, $0x1;
	[dreg:$0x2] =	wrdreg s3  }
0xa9: {  	[dreg:$0x3] =	wrdreg s5  }
0xaa: {  	[dreg:$0x4] =	wrdreg $0xC0  }
0xab: {  	_ =	task [dreg:s7], $0x5FFFF  }
0xac: {  	[dreg:$0x1] =	wrdreg $0xFFFFFFFF  }
0xad: {  	[dreg:$0x0] =	wrdreg $0x60  }
0xae: {  	[dreg:$0x2] =	wrdreg s2  }
0xaf: {  	[dreg:$0x3] =	wrdreg s24  }
0xb0: {  	[dreg:$0x4] =	wrdreg $0xC2000  }
0xb1: {  	[dreg:$0x5] =	wrdreg $0x9  }
0xb2: {  	_ =	task.clear_ibuf [dreg:s7], $0x6FFFF;
	_ =	strace $0x90000049  }
0xb3: {  	s29 =	simm.s32 $0x9;
	_ =	strace $0x8000004B  }
0xb4: {  	_ =	swait.ge [sflag:s29], $0x1  }
0xb5: {  	[sflag:s29] =	ssyncadd.s32 $0xFFFFFFFF  }
0xb6: {  	_ =	strace $0x9000004B  }
0xb7: {  	_ =	sfence  }
0xb8: {  	s30 =	sld [smem:$0x0];
	_ =	sdelay $0x2  }
0xb9: {  	s31 =	sshll.u32 s1, $0xD;
	s1 =	sshrl.u32 s1, $0x2  }
0xba: {  	s3 =	sand.u32 $0x4000, s31;
	s1 =	sadd.s32 s1, s30  }
0xbb: {  	s0 =	sor.u32 s3, s0;
	s1 =	sshll.u32 s1, $0x11  }
0xbc: {  	s0 =	sor.u32 s1, s0  }
0xbd: {  	s0 =	sadd.s32 $0x8F2B, s0  }
0xbe: {  	[sflag:s0] =	ssyncadd.remote.s32 $0x1  }
0xbf: {  	_ =	sfence.sel $0xFFFF  }
0xc0: {  	[dreg:$0x0] =	wrdreg $0xFFFFFFFF;
	(pc) =	sbr.abs _section_cstart, $3  }
0xc1: {  	[dreg:$0x1] =	wrdreg $0xFFFFFFFF  }
0xc2: {  	_ =	task.clear_ibuf [dreg:s7], $0x2FFFF;
	_ =	strace $0x9FFFFFFF  }
0xc3: {  	(tm) =	ssettm $0x7FFFFFFF  }
tec
execute0_lowered:
.L_overlay_start_1:
0x0: {  	(tag) =	ssettag $0x1  }
0x1: {  	s1 =	rddreg [dreg:$0x0]  }
0x2: {  	s0 =	rddreg [dreg:$0x1]  }
0x3: {  	s2 =	rddreg [dreg:$0x2]  }
0x4: {  	s3 =	srdreg.scid;
	s4 =	simm.s32 $0x0;
	s11 =	stileid.u32  }
0x5: {  	s18 =	simm.s32 $0x8200;
	s19 =	simm.s32 $0x5;
	s20 =	simm.s32 $0x100  }
0x6: {  	s21 =	simm.s32 $0x80;
	s22 =	simm.s32 $0x200;
	s28 =	simm.s32 $0x3  }
0x7: {  	s29 =	simm.s32 $0x180;
	s30 =	simm.s32 $0x0;
	s7 =	smul.u32 $0x13C00, s11  }
0x8: {  	s3 =	sand.u32 $0x1, s3;
	[smem:$0x7FF] =	sst s4;
	s8 =	smul.u32 $0x4F000, s11  }
0x9: {  	s5 =	sadd.s32 $0x3200, s0;
	s23 =	sshll.u32 s11, $0x1;
	s6 =	smul.u32 $0x13C000, s3  }
0xa: {  	s11 =	smul.u32 $0x9E00, s11;
	_ =	strace $0x8000004A;
	s9 =	ssub.s32 $0x2, s3  }
0xb: {  	s10 =	sshrl.u32 s9, $0x1;
	s24 =	sshrl.u32 s8, $0x2;
	s6 =	sadd.s32 s7, s6  }
0xc: {  	s7 =	sor.u32 s3, s23;
	s3 =	smul.u32 $0x4F00, s3;
	s12 =	ssub.s32 s9, s10  }
0xd: {  	s23 =	simm.s32 $0x1;
	s6 =	sshrl.u32 s6, $0x3;
	s7 =	smul.u32 $0x4F00, s7  }
0xe: {  	s0 =	sadd.s32 s6, s0;
	s6 =	sadd.s32 s24, s2;
	s31 =	sadd.s32 s3, s11  }
0xf: {  	s11 =	smax.u32 s12, $0x1;
	s24 =	simm.s32 $0x4;
	s25 =	sshrl.u32 s7, $0x3  }
0x10: {  	s26 =	sadd.s32 $0x10000, s6;
	s10 =	sadd.s32 $0x2AA00, s0;
	s12 =	sadd.s32 $0x4000, s6  }
0x11: {  	s3 =	sadd.s32 $0x300, s31;
	s13 =	sadd.s32 $0x8000, s6;
	s14 =	sadd.s32 $0xC000, s6  }
0x12: {  	s16 =	sadd.s32 $0x200, s31;
	[dreg:$0x4] =	wrdreg s26;
	s8 =	sadd.s32 s1, s25  }
0x13: {  	s3 =	sshrl.u32 s3, $0x3;
	s25 =	simm.s32 $0x4200;
	s26 =	simm.s32 $0x2  }
0x14: {  	v0 =	vimm.f32 $0.0e+00;
	s9 =	sadd.s32 $0x20, s8;
	s15 =	sadd.s32 $0x9C0, s8;
	s17 =	sadd.s32 s3, s1  }
.LBB2_1:
0x15: {  	s0 =	simm.s32 $0x0;
	s31 =	simm.s32 $0x200  }
.LBB2_2:
0x16: {  	p0 =	sne.s32 s31, $0xFE00;
	[tilespmem:s0+$0x8270] =	vst v0  }
0x17: {  	[tilespmem:s0+$0x8200] =	vst v0  }
0x18: {  	[tilespmem:s0+$0x8210] =	vst v0  }
.Ltmp0:
0x19: {  	[tilespmem:s0+$0x8220] =	vst v0;
	(pc) =	sbr.rel @p0 .LBB2_2-.Ltmp0, $4  }
0x1a: {  	[tilespmem:s0+$0x8230] =	vst v0  }
0x1b: {  	[tilespmem:s0+$0x8240] =	vst v0  }
0x1c: {  	[tilespmem:s0+$0x8250] =	vst v0  }
0x1d: {  	[tilespmem:s0+$0x8260] =	vst v0;
	s0 =	sshra.s32 s31, $0x2;
	s31 =	sadd.s32 $0x200, s31  }
0x1e: {  	[tilespmem:s0+$0x8270] =	vst v0  }
0x1f: {  	[tilespmem:s0+$0x8200] =	vst v0  }
0x20: {  	[tilespmem:s0+$0x8210] =	vst v0  }
0x21: {  	[tilespmem:s0+$0x8220] =	vst v0  }
0x22: {  	[tilespmem:s0+$0x8230] =	vst v0  }
0x23: {  	[tilespmem:s0+$0x8240] =	vst v0  }
0x24: {  	[tilespmem:s0+$0x8250] =	vst v0  }
0x25: {  	[tilespmem:s0+$0x8260] =	vst v0  }
0x26: {  	[spmem:s6] =	stream.linear.scatter [tilespmem:s18], [sflag:$0x5], $0x4000, $0x38;
	[tilespmem:$0x1FE00] =	vst v63  }
0x27: {  	_ =	swait.ge [sflag:s19], $0x4000  }
0x28: {  	[sflag:s19] =	ssyncset.done $0x0  }
0x29: {  	[sflag:s19] =	ssyncadd.s32 $0xFFFFC000  }
0x2a: {  	[spmem:s12] =	stream.linear.scatter [tilespmem:s18], [sflag:$0x5], $0x4000, $0x38;
	[tilespmem:$0x1FE00] =	vst v63  }
0x2b: {  	_ =	swait.ge [sflag:s19], $0x4000  }
0x2c: {  	[sflag:s19] =	ssyncset.done $0x0  }
0x2d: {  	[sflag:s19] =	ssyncadd.s32 $0xFFFFC000  }
0x2e: {  	[spmem:s13] =	stream.linear.scatter [tilespmem:s18], [sflag:$0x5], $0x4000, $0x38;
	[tilespmem:$0x1FE00] =	vst v63  }
0x2f: {  	_ =	swait.ge [sflag:s19], $0x4000  }
0x30: {  	[sflag:s19] =	ssyncset.done $0x0  }
0x31: {  	[sflag:s19] =	ssyncadd.s32 $0xFFFFC000  }
0x32: {  	[spmem:s14] =	stream.linear.scatter [tilespmem:s18], [sflag:$0x5], $0x4000, $0x38;
	[tilespmem:$0x1FE00] =	vst v63  }
0x33: {  	_ =	swait.ge [sflag:s19], $0x4000  }
0x34: {  	[sflag:s19] =	ssyncset.done $0x0  }
0x35: {  	s7 =	rddreg [dreg:$0x4];
	[sflag:s19] =	ssyncadd.s32 $0xFFFFC000  }
0x36: {  	[spmem:s7] =	stream.linear.scatter [tilespmem:s18], [sflag:$0x5], $0x3C00, $0x38;
	[tilespmem:$0x1FE00] =	vst v63  }
0x37: {  	_ =	swait.ge [sflag:s19], $0x3C00  }
0x38: {  	[sflag:s19] =	ssyncset.done $0x0  }
0x39: {  	[sflag:s19] =	ssyncadd.s32 $0xFFFFC400  }
0x3a: {  	s3 =	simm.s32 $0x0;
	[bflag:$0x0] =	sbarrier.arrive $0xFFFF  }
0x3b: {  	[tilespmem:s3], [sflag:$0x5] =	stream.linear.gather [hbm4b:s8+s3], $0x100, $0x38;
	[tilespmem:$0x1FE00] =	vst v63  }
0x3c: {  	_ =	swait.ge [sflag:s19], $0x100  }
0x3d: {  	[sflag:s19] =	ssyncset.done $0x0  }
0x3e: {  	[sflag:s19] =	ssyncadd.s32 $0xFFFFFF00  }
0x3f: {  	[tilespmem:s20], [sflag:$0x4] =	stream.linear.gather [hbm4b:s9+s3], $0x100, $0x38;
	[tilespmem:$0x1FE00] =	vst v63  }
0x40: {  	_ = 	snop  }
0x41: {  	[tilespmem:s22], [sflag:$0x1] =	stream.indirect.gather [hbm4b:s5+s21], $0x80, s3, s21, $0xb8;
	[tilespmem:$0x1FE00] =	vst v63  }
0x42: {  	_ =	swait.ge [sflag:s23], $0x4000  }
0x43: {  	[sflag:s23] =	ssyncset.done $0x0  }
0x44: {  	[sflag:s23] =	ssyncadd.s32 $0xFFFFC000  }
0x45: {  	_ =	swait.ge [sflag:s24], $0x100  }
0x46: {  	[sflag:s24] =	ssyncset.done $0x0  }
0x47: {  	[sflag:s24] =	ssyncadd.s32 $0xFFFFFF00  }
0x48: {  	[tilespmem:s25], [sflag:$0x2] =	stream.indirect.gather [hbm4b:s5+s21], $0x80, s20, s21, $0xb8;
	[tilespmem:$0x1FE00] =	vst v63  }
0x49: {  	_ = 	snop  }
0x4a: {  	[spmem:s2] =	stream.indirect.scatter.add.f32 [tilespmem:s22], [sflag:$0x5], $0x80, s21, s21, $0xb8;
	[tilespmem:$0x1FE00] =	vst v63  }
0x4b: {  	_ =	swait.ge [sflag:s19], $0x4000  }
0x4c: {  	s7 =	sshrl.u32 s16, $0x3;
	[sflag:s19] =	ssyncset.done $0x0  }
0x4d: {  	s0 =	sadd.s32 s1, s7;
	[sflag:s19] =	ssyncadd.s32 $0xFFFFC000  }
0x4e: {  	[tilespmem:s4], [sflag:$0x3] =	stream.linear.gather [hbm4b:s0+s4], $0x100, $0x38;
	[tilespmem:$0x1FE00] =	vst v63  }
0x4f: {  	_ =	swait.ge [sflag:s26], $0x4000  }
0x50: {  	[sflag:s26] =	ssyncset.done $0x0  }
0x51: {  	[sflag:s26] =	ssyncadd.s32 $0xFFFFC000  }
0x52: {  	_ =	swait.ge [sflag:s28], $0x100  }
0x53: {  	[sflag:s28] =	ssyncset.done $0x0  }
0x54: {  	[sflag:s28] =	ssyncadd.s32 $0xFFFFFF00  }
0x55: {  	[tilespmem:s22], [sflag:$0x1] =	stream.indirect.gather [hbm4b:s5+s21], $0x80, s4, s21, $0xb8;
	[tilespmem:$0x1FE00] =	vst v63  }
0x56: {  	_ = 	snop  }
0x57: {  	[spmem:s2] =	stream.indirect.scatter.add.f32 [tilespmem:s25], [sflag:$0x5], $0x80, s29, s21, $0xb8;
	[tilespmem:$0x1FE00] =	vst v63  }
0x58: {  	_ =	swait.ge [sflag:s19], $0x4000  }
0x59: {  	s31 =	simm.s32 $0x40;
	[sflag:s19] =	ssyncset.done $0x0  }
0x5a: {  	s3 =	sadd.s32 $0x0, s17;
	s0 =	sadd.s32 $0x200, s16;
	[sflag:s19] =	ssyncadd.s32 $0xFFFFC000  }
.LBB2_4:
0x5b: {  	[tilespmem:s20], [sflag:$0x4] =	stream.linear.gather [hbm4b:s3+s4], $0x100, $0x38;
	[tilespmem:$0x1FE00] =	vst v63  }
0x5c: {  	s3 =	smov.u32 s31  }
0x5d: {  	p0 =	sne.s32 s31, $0x940;
	s31 =	sadd.s32 $0x40, s31;
	_ =	swait.ge [sflag:s23], $0x4000  }
0x5e: {  	[sflag:s23] =	ssyncset.done $0x0  }
0x5f: {  	[sflag:s23] =	ssyncadd.s32 $0xFFFFC000  }
0x60: {  	_ =	swait.ge [sflag:s24], $0x100  }
0x61: {  	[sflag:s24] =	ssyncset.done $0x0  }
0x62: {  	[sflag:s24] =	ssyncadd.s32 $0xFFFFFF00  }
0x63: {  	[tilespmem:s25], [sflag:$0x2] =	stream.indirect.gather [hbm4b:s5+s21], $0x80, s20, s21, $0xb8;
	[tilespmem:$0x1FE00] =	vst v63  }
0x64: {  	_ = 	snop  }
0x65: {  	[spmem:s2] =	stream.indirect.scatter.add.f32 [tilespmem:s22], [sflag:$0x5], $0x80, s21, s21, $0xb8;
	[tilespmem:$0x1FE00] =	vst v63  }
0x66: {  	_ =	swait.ge [sflag:s19], $0x4000  }
0x67: {  	s7 =	sshrl.u32 s0, $0x3;
	[sflag:s19] =	ssyncset.done $0x0  }
0x68: {  	s7 =	sadd.s32 s1, s7;
	[sflag:s19] =	ssyncadd.s32 $0xFFFFC000  }
0x69: {  	[tilespmem:s4], [sflag:$0x3] =	stream.linear.gather [hbm4b:s7+s4], $0x100, $0x38;
	[tilespmem:$0x1FE00] =	vst v63  }
0x6a: {  	_ =	swait.ge [sflag:s26], $0x4000  }
0x6b: {  	[sflag:s26] =	ssyncset.done $0x0  }
0x6c: {  	[sflag:s26] =	ssyncadd.s32 $0xFFFFC000  }
0x6d: {  	_ =	swait.ge [sflag:s28], $0x100  }
0x6e: {  	[sflag:s28] =	ssyncset.done $0x0  }
0x6f: {  	[sflag:s28] =	ssyncadd.s32 $0xFFFFFF00  }
0x70: {  	[tilespmem:s22], [sflag:$0x1] =	stream.indirect.gather [hbm4b:s5+s21], $0x80, s4, s21, $0xb8;
	[tilespmem:$0x1FE00] =	vst v63  }
.Ltmp1:
0x71: {  	(pc) =	sbr.rel @p0 .LBB2_4-.Ltmp1, $4  }
0x72: {  	[spmem:s2] =	stream.indirect.scatter.add.f32 [tilespmem:s25], [sflag:$0x5], $0x80, s29, s21, $0xb8;
	[tilespmem:$0x1FE00] =	vst v63  }
0x73: {  	_ =	swait.ge [sflag:s19], $0x4000  }
0x74: {  	[sflag:s19] =	ssyncset.done $0x0  }
0x75: {  	s0 =	sadd.s32 $0x200, s0;
	s3 =	sadd.s32 s3, s17;
	[sflag:s19] =	ssyncadd.s32 $0xFFFFC000  }
0x76: {  	[tilespmem:s20], [sflag:$0x4] =	stream.linear.gather [hbm4b:s3+s4], $0x100, $0x38;
	[tilespmem:$0x1FE00] =	vst v63  }
0x77: {  	_ =	swait.ge [sflag:s23], $0x4000  }
0x78: {  	[sflag:s23] =	ssyncset.done $0x0  }
0x79: {  	[sflag:s23] =	ssyncadd.s32 $0xFFFFC000  }
0x7a: {  	_ =	swait.ge [sflag:s24], $0x100  }
0x7b: {  	[sflag:s24] =	ssyncset.done $0x0  }
0x7c: {  	[sflag:s24] =	ssyncadd.s32 $0xFFFFFF00  }
0x7d: {  	[tilespmem:s25], [sflag:$0x2] =	stream.indirect.gather [hbm4b:s5+s21], $0x80, s20, s21, $0xb8;
	[tilespmem:$0x1FE00] =	vst v63  }
0x7e: {  	_ = 	snop  }
0x7f: {  	[spmem:s2] =	stream.indirect.scatter.add.f32 [tilespmem:s22], [sflag:$0x5], $0x80, s21, s21, $0xb8;
	[tilespmem:$0x1FE00] =	vst v63  }
0x80: {  	_ =	swait.ge [sflag:s19], $0x4000  }
0x81: {  	[sflag:s19] =	ssyncset.done $0x0  }
0x82: {  	[sflag:s19] =	ssyncadd.s32 $0xFFFFC000  }
0x83: {  	[tilespmem:s4], [sflag:$0x3] =	stream.linear.gather [hbm4b:s15+s4], $0x100, $0x38;
	[tilespmem:$0x1FE00] =	vst v63  }
0x84: {  	_ =	swait.ge [sflag:s26], $0x4000  }
0x85: {  	[sflag:s26] =	ssyncset.done $0x0  }
0x86: {  	[sflag:s26] =	ssyncadd.s32 $0xFFFFC000  }
0x87: {  	_ =	swait.ge [sflag:s28], $0x100  }
0x88: {  	[sflag:s28] =	ssyncset.done $0x0  }
0x89: {  	[sflag:s28] =	ssyncadd.s32 $0xFFFFFF00  }
0x8a: {  	[tilespmem:s22], [sflag:$0x1] =	stream.indirect.gather [hbm4b:s5+s21], $0x80, s4, s21, $0xb8;
	[tilespmem:$0x1FE00] =	vst v63  }
0x8b: {  	_ = 	snop  }
0x8c: {  	[spmem:s2] =	stream.indirect.scatter.add.f32 [tilespmem:s25], [sflag:$0x5], $0x80, s29, s21, $0xb8;
	[tilespmem:$0x1FE00] =	vst v63  }
0x8d: {  	_ =	swait.ge [sflag:s19], $0x4000  }
0x8e: {  	[sflag:s19] =	ssyncset.done $0x0  }
0x8f: {  	[sflag:s19] =	ssyncadd.s32 $0xFFFFC000  }
0x90: {  	[tilespmem:s20], [sflag:$0x4] =	stream.linear.gather [hbm4b:s15+s4], $0x100, $0x38;
	[tilespmem:$0x1FE00] =	vst v63  }
0x91: {  	_ =	swait.ge [sflag:s23], $0x4000  }
0x92: {  	[sflag:s23] =	ssyncset.done $0x0  }
0x93: {  	[sflag:s23] =	ssyncadd.s32 $0xFFFFC000  }
0x94: {  	[spmem:s2] =	stream.indirect.scatter.add.f32 [tilespmem:s22], [sflag:$0x5], $0x80, s21, s21, $0xb8;
	[tilespmem:$0x1FE00] =	vst v63  }
0x95: {  	_ =	swait.ge [sflag:s19], $0x4000  }
0x96: {  	[sflag:s19] =	ssyncset.done $0x0  }
0x97: {  	[sflag:s19] =	ssyncadd.s32 $0xFFFFC000  }
0x98: {  	s0 =	stileid.u32;
	_ =	swait.ge [sflag:s24], $0x100  }
0x99: {  	s31 =	sshrl.u32 s6, $0x3;
	s30 =	sadd.s32 $0x1, s30;
	[sflag:s24] =	ssyncset.done $0x0  }
0x9a: {  	s0 =	sshll.u32 s0, $0x6;
	p0 =	sne.s32 s30, s11;
	[sflag:s24] =	ssyncadd.s32 $0xFFFFFF00  }
.Ltmp2:
0x9b: {  	s0 =	sor.u32 $0x1C05, s0;
	[bflag:$0x0] =	sbarrier.arrive $0xFFFF;
	(pc) =	sbr.rel @p0 .LBB2_1-.Ltmp2, $4  }
0x9c: {  	[hbm:s10], [sflag:s0] =	dma.local [spmem:s31], $0x2780  }
0x9d: {  	_ =	swait.ge [sflag:s19], $0x2780  }
0x9e: {  	[sflag:s19] =	ssyncset.done $0x0  }
0x9f: {  	[sflag:s19] =	ssyncadd.s32 $0xFFFFD880  }
0xa0: {  	_ =	sfence.sel $0x180000  }
0xa1: {  	[bflag:$0x0] =	sbarrier.arrive $0xFFFF  }
0xa2: {  	_ =	strace $0x9000004A  }
0xa3: {  	s0 =	stileid.u32;
	[bflag:$0x2] =	sbarrier.arrive $0xFFFF  }
0xa4: {  	p0 =	sne.s32 s0, $0x0;
	s0 =	rddreg [dreg:$0x3]  }
0xa5: {  	s0 =	sadd.s32 @!p0 $0x100000, s0  }
0xa6: {  	[sflag:s0] =	ssyncadd.tile.s32 @!p0 $0x1;
	_ =	shalt  }
.Lfunc_end2:
_tile_overlayer_lowered:
.L_overlay_start_2:
0xa7: {  	(tag) =	ssettag $0x2  }
0xa8: {  	s0 =	rddreg [dreg:$0x0];
	s2 =	stileid.u32  }
0xa9: {  	s1 =	rddreg [dreg:$0x1];
	p0 =	sne.s32 s2, $0x0  }
0xaa: {  	s3 =	rddreg [dreg:$0x2];
	[bflag:$0x3] =	sbarrier.arrive $0xFFFF;
	s2 =	simm.s32 @!p0 $0x1C05  }
0xab: {  	[timem:s3], [sflag:s2] =	dma.local @!p0 [hbm:s0], s1  }
0xac: {  	s0 =	simm.s32 @!p0 $0x5  }
0xad: {  	_ =	swait.ge @!p0 [sflag:s0], s1  }
0xae: {  	s1 =	ssub.s32 @!p0 $0x0, s1;
	[sflag:s0] =	ssyncset.done @!p0 $0x0  }
0xaf: {  	[sflag:s0] =	ssyncadd.s32 @!p0 s1  }
0xb0: {  	[bflag:$0x3] =	sbarrier.arrive $0xFFFF  }
0xb1: {  	_ =	shalt  }

// kernel: kernel.16.cloned.1.call-start
scs
__scs_entry_jumppad:
0x0: {  	(pc) =	sbr.rel $0x88, $3  }
0x1: {  	(tag) =	ssettag $0x0;
	lr =	simm.s32 $0x1  }
0x2: {  	[smem:$0x3F99] =	sst lr;
	_ =	strace $0xD0000000  }
0x3: {  	_ = 	snop  }
0x4: {  	_ = 	snop  }
0x5: {  	_ = 	snop  }
0x6: {  	_ = 	snop  }
0x7: {  	_ = 	snop  }
__scs_overlays_trampoline_lowered:
0x8: {  	[smem:$0x3FA8] =	sst s0  }
0x9: {  	[smem:$0x3FA9] =	sst s1  }
0xa: {  	[smem:$0x3FAA] =	sst s2  }
0xb: {  	[smem:$0x3FAB] =	sst s3  }
0xc: {  	[smem:$0x3FAC] =	sst s4  }
0xd: {  	[smem:$0x3FAD] =	sst s5  }
0xe: {  	[smem:$0x3FAE] =	sst s6  }
0xf: {  	[smem:$0x3FAF] =	sst s7  }
0x10: {  	[smem:$0x3FB0] =	sst s8  }
0x11: {  	[smem:$0x3FB1] =	sst s9;
	s0 =	simm.s32 @!p0 $0x0  }
0x12: {  	s1 =	sld [smem:$0x3F97];
	s0 =	simm.s32 @p0 $0x1  }
0x13: {  	[smem:$0x3FB2] =	sst s0;
	s0 =	simm.s32 @!p1 $0x0  }
0x14: {  	s2 =	sld [smem:$0x3F96];
	s0 =	simm.s32 @p1 $0x1  }
0x15: {  	[smem:$0x3FB3] =	sst s0;
	s0 =	simm.s32 @!p2 $0x0  }
0x16: {  	s3 =	sld [smem:$0x3FDB];
	s0 =	simm.s32 @p2 $0x1  }
0x17: {  	s4 =	simm.s32 $0x1BF5;
	[smem:$0x3FB5] =	sst s0  }
0x18: {  	s0 =	sld [smem:$0x3F98];
	_ =	swait.ge [sflag:s4], $0x0  }
0x19: {  	s7 =	sld [smem:$0x3F99]  }
0x1a: {  	s8 =	sadd.s32 $0xFFFFE003, lr  }
0x1b: {  	s9 =	sadd.s32 $0xFFFFFEF7, lr;
	s5 =	simm.s32 $0xFFFFFFFF;
	p2 =	slt.u32 s8, $0xFFFFF086  }
0x1c: {  	p1 =	slt.u32 s9, $0xF7A;
	s5 =	simm.s32 @!p2 $0x0  }
0x1d: {  	s5 =	simm.s32 @p1 $0x1;
	p0 =	seq.s32 s7, s2  }
0x1e: {  	s7 =	smul.u32 @!p0 $0xF7A, s2;
	p2 =	seq.s32 @!p0 s5, $0x0  }
0x1f: {  	s9 =	smul.u32 $0xF7A, s1;
	s8 =	simm.s32 @!p0 $0x1BF5;
	p2 =	por !p2, p0  }
0x20: {  	[sflag:s8] =	ssyncset.s32 @!p0 $0xFFFFF086;
	s6 =	sadd.s32 @!p0 s3, s7;
	s7 =	simm.s32 @!p0 $0x108  }
0x21: {  	s3 =	sadd.s32 s3, s9;
	s6 =	sadd.s32 @!p0 $0x88, s6;
	s7 =	simm.s32 @p2 $0x1082  }
0x22: {  	[simem:s7], [sflag:s8] =	dma.local @!p0 [hbm:s6], $0xF7A  }
0x23: {  	s9 =	sor.u32 $0xD0000000, s2;
	s6 =	simm.s32 $0x108;
	_ =	swait.ge @!p0 [sflag:s8], $0x0  }
0x24: {  	s3 =	sadd.s32 $0x88, s3;
	s6 =	simm.s32 @!p1 $0x1082;
	[sflag:s4] =	ssyncset.s32 $0xFFFFF086  }
0x25: {  	[simem:s6], [sflag:s4] =	dma.local [hbm:s3], $0xF7A  }
0x26: {  	[smem:$0x3F99] =	sst s1;
	(tag) =	ssettag s2;
	_ =	strace s9  }
0x27: {  	s1 =	sld [smem:$0x3FA9]  }
0x28: {  	s2 =	sld [smem:$0x3FAA]  }
0x29: {  	s4 =	sld [smem:$0x3FAC]  }
0x2a: {  	p0 =	seq.s32 s5, $0x0;
	s5 =	sld [smem:$0x3FAD]  }
0x2b: {  	s6 =	sld [smem:$0x3FAE]  }
0x2c: {  	s7 =	sld [smem:$0x3FAF]  }
0x2d: {  	s3 =	simm.s32 $0x108;
	s8 =	sld [smem:$0x3FB0]  }
0x2e: {  	s3 =	simm.s32 @!p0 $0x1082;
	s9 =	sld [smem:$0x3FB1]  }
0x2f: {  	lr =	sadd.s32 s0, s3;
	s0 =	sld [smem:$0x3FA8]  }
0x30: {  	s3 =	sld [smem:$0x3FAB]  }
0x31: {  	[smem:$0x3FB4] =	sst s10  }
0x32: {  	s10 =	sld [smem:$0x3FB2];
	_ =	sdelay $0x3  }
0x33: {  	p0 =	seq.s32 s10, $0x1;
	s10 =	sld [smem:$0x3FB4];
	_ =	sdelay $0x3  }
0x34: {  	[smem:$0x3FB4] =	sst s10  }
0x35: {  	s10 =	sld [smem:$0x3FB3];
	_ =	sdelay $0x3  }
0x36: {  	p1 =	seq.s32 s10, $0x1;
	s10 =	sld [smem:$0x3FB4];
	_ =	sdelay $0x3  }
0x37: {  	[smem:$0x3FB4] =	sst s10  }
0x38: {  	s10 =	sld [smem:$0x3FB5]  }
0x39: {  	_ = 	snop;
	(pc) =	sbr.ind lr, $3  }
0x3a: {  	_ = 	snop  }
0x3b: {  	_ = 	snop  }
0x3c: {  	p2 =	seq.s32 s10, $0x1;
	s10 =	sld [smem:$0x3FB4]  }
0x3d: {  	_ =	shalt  }
0x3e: {  	_ =	shalt  }
0x3f: {  	_ =	shalt  }
0x40: {  	_ =	shalt  }
0x41: {  	_ =	shalt  }
0x42: {  	_ =	shalt  }
0x43: {  	_ =	shalt  }
0x44: {  	_ =	shalt  }
0x45: {  	_ =	shalt  }
0x46: {  	_ =	shalt  }
0x47: {  	_ =	shalt  }
0x48: {  	_ =	shalt  }
0x49: {  	_ =	shalt  }
0x4a: {  	_ =	shalt  }
0x4b: {  	_ =	shalt  }
0x4c: {  	_ =	shalt  }
0x4d: {  	_ =	shalt  }
0x4e: {  	_ =	shalt  }
0x4f: {  	_ =	shalt  }
0x50: {  	_ =	shalt  }
0x51: {  	_ =	shalt  }
0x52: {  	_ =	shalt  }
0x53: {  	_ =	shalt  }
0x54: {  	_ =	shalt  }
0x55: {  	_ =	shalt  }
0x56: {  	_ =	shalt  }
0x57: {  	_ =	shalt  }
0x58: {  	_ =	shalt  }
0x59: {  	_ =	shalt  }
0x5a: {  	_ =	shalt  }
0x5b: {  	_ =	shalt  }
0x5c: {  	_ =	shalt  }
0x5d: {  	_ =	shalt  }
0x5e: {  	_ =	shalt  }
0x5f: {  	_ =	shalt  }
0x60: {  	_ =	shalt  }
0x61: {  	_ =	shalt  }
0x62: {  	_ =	shalt  }
0x63: {  	_ =	shalt  }
0x64: {  	_ =	shalt  }
0x65: {  	_ =	shalt  }
0x66: {  	_ =	shalt  }
0x67: {  	_ =	shalt  }
0x68: {  	_ =	shalt  }
0x69: {  	_ =	shalt  }
0x6a: {  	_ =	shalt  }
0x6b: {  	_ =	shalt  }
0x6c: {  	_ =	shalt  }
0x6d: {  	_ =	shalt  }
0x6e: {  	_ =	shalt  }
0x6f: {  	_ =	shalt  }
0x70: {  	_ =	shalt  }
0x71: {  	_ =	shalt  }
0x72: {  	_ =	shalt  }
0x73: {  	_ =	shalt  }
0x74: {  	_ =	shalt  }
0x75: {  	_ =	shalt  }
0x76: {  	_ =	shalt  }
0x77: {  	_ =	shalt  }
0x78: {  	_ =	shalt  }
0x79: {  	_ =	shalt  }
0x7a: {  	_ =	shalt  }
0x7b: {  	_ =	shalt  }
0x7c: {  	_ =	shalt  }
0x7d: {  	_ =	shalt  }
0x7e: {  	_ =	shalt  }
0x7f: {  	_ =	shalt  }
0x80: {  	_ =	shalt  }
0x81: {  	_ =	shalt  }
0x82: {  	_ =	shalt  }
0x83: {  	_ =	shalt  }
0x84: {  	_ =	shalt  }
0x85: {  	_ =	shalt  }
0x86: {  	_ =	shalt  }
0x87: {  	_ =	shalt  }
.Lfunc_end0:
.L_simem_size_0:
called_computation.2_lowered:
.L_overlay_start_0:
0x88: {  	s2 =	sld [smem:$0x3FD9]  }
0x89: {  	s3 =	sld [smem:$0x3FFE];
	_ =	sdelay $0x1  }
0x8a: {  	s1 =	srdreg.scid  }
0x8b: {  	s0 =	sand.u32 $0x1, s1  }
0x8c: {  	s17 =	sshll.u32 s0, $0xA;
	s2 =	sadd.s32 s3, s2  }
0x8d: {  	s2 =	sadd.s32 s2, s17  }
0x8e: {  	[smem:$0x3FC0] =	sst s2  }
0x8f: {  	_ = 	snop  }
0x90: {  	s2 =	sld [smem:$0x3FD0];
	(tm) =	ssettm $0x1  }
0x91: {  	s18 =	sld [smem:$0x3FFB];
	_ =	sdelay $0x3  }
0x92: {  	_ =	strace s18  }
0x93: {  	s3 =	sld [smem:$0x3FFC];
	_ =	sdelay $0x3  }
0x94: {  	_ =	strace s3  }
0x95: {  	s3 =	sld [smem:$0x3FFD];
	_ =	sdelay $0x3  }
0x96: {  	_ =	strace s3  }
0x97: {  	_ =	strace $0x8FFFFFFF  }
0x98: {  	s19 =	sld [smem:$0x3FDB];
	_ =	sdelay $0x1  }
0x99: {  	s4 =	simm.s32 $_scs_section_size  }
0x9a: {  	s5 =	simm.s32 $_size__tile_overlayer_lowered;
	s6 =	simm.s32 $_tile_overlayer_lowered  }
0x9b: {  	s22 =	simm.s32 $0x1BFF;
	s21 =	sshll.u32 s6, $0x1;
	s3 =	sadd.s32 s4, s19  }
0x9c: {  	s7 =	simm.s32 $0x0;
	s20 =	sshll.u32 s5, $0x1;
	s5 =	sadd.s32 s21, s3  }
0x9d: {  	[timem:s7], [sflag:s22] =	dma.local [hbm:s5], s20  }
0x9e: {  	_ =	swait.ge [sflag:s22], s20  }
0x9f: {  	s4 =	ssub.s32 $0x0, s20;
	[sflag:s22] =	ssyncset.done $0x0  }
0xa0: {  	[sflag:s22] =	ssyncadd.s32 s4;
	_ =	sdelay $0x1  }
0xa1: {  	s23 =	simm.s32 $0x1B8B  }
0xa2: {  	_ =	swait.ge [sflag:s23], $0x1  }
0xa3: {  	[sflag:s23] =	ssyncset.done $0x0  }
0xa4: {  	s25 =	simm.s32 $0x1B8E;
	s24 =	sld [smem:$0x3FFE];
	[sflag:s23] =	ssyncadd.s32 $0xFFFFFFFF  }
0xa5: {  	s26 =	simm.s32 $execute0_lowered;
	[smem:$0x3FD2] =	sst s25  }
0xa6: {  	s5 =	sshll.u32 s26, $0x1;
	_ =	strace $0x8000004C;
	[dreg:$0x1] =	wrdreg $0xFFFFFFFF  }
0xa7: {  	s28 =	simm.s32 $_size_execute0_lowered;
	s3 =	sadd.s32 s3, s5;
	[dreg:$0x0] =	wrdreg $0x0  }
0xa8: {  	s5 =	sshll.u32 s28, $0x1;
	[dreg:$0x2] =	wrdreg s3  }
0xa9: {  	[dreg:$0x3] =	wrdreg s5  }
0xaa: {  	[dreg:$0x4] =	wrdreg $0xC0  }
0xab: {  	_ =	task [dreg:s7], $0x5FFFF  }
0xac: {  	[dreg:$0x1] =	wrdreg $0xFFFFFFFF  }
0xad: {  	[dreg:$0x0] =	wrdreg $0x60  }
0xae: {  	[dreg:$0x2] =	wrdreg s2  }
0xaf: {  	[dreg:$0x3] =	wrdreg s24  }
0xb0: {  	[dreg:$0x4] =	wrdreg $0xC2000  }
0xb1: {  	[dreg:$0x5] =	wrdreg $0x9  }
0xb2: {  	_ =	task.clear_ibuf [dreg:s7], $0x6FFFF;
	_ =	strace $0x9000004C  }
0xb3: {  	s29 =	simm.s32 $0x9;
	_ =	strace $0x8000004E  }
0xb4: {  	_ =	swait.ge [sflag:s29], $0x1  }
0xb5: {  	[sflag:s29] =	ssyncadd.s32 $0xFFFFFFFF  }
0xb6: {  	_ =	strace $0x9000004E  }
0xb7: {  	_ =	sfence  }
0xb8: {  	s30 =	sld [smem:$0x0];
	_ =	sdelay $0x2  }
0xb9: {  	s31 =	sshll.u32 s1, $0xD;
	s1 =	sshrl.u32 s1, $0x2  }
0xba: {  	s3 =	sand.u32 $0x4000, s31;
	s1 =	sadd.s32 s1, s30  }
0xbb: {  	s0 =	sor.u32 s3, s0;
	s1 =	sshll.u32 s1, $0x11  }
0xbc: {  	s0 =	sor.u32 s1, s0  }
0xbd: {  	s0 =	sadd.s32 $0x8F2B, s0  }
0xbe: {  	[sflag:s0] =	ssyncadd.remote.s32 $0x1  }
0xbf: {  	_ =	sfence.sel $0xFFFF  }
0xc0: {  	[dreg:$0x0] =	wrdreg $0xFFFFFFFF;
	(pc) =	sbr.abs _section_cstart, $3  }
0xc1: {  	[dreg:$0x1] =	wrdreg $0xFFFFFFFF  }
0xc2: {  	_ =	task.clear_ibuf [dreg:s7], $0x2FFFF;
	_ =	strace $0x9FFFFFFF  }
0xc3: {  	(tm) =	ssettm $0x7FFFFFFF  }
tec
execute0_lowered:
.L_overlay_start_1:
0x0: {  	(tag) =	ssettag $0x1  }
0x1: {  	s1 =	rddreg [dreg:$0x0]  }
0x2: {  	s0 =	rddreg [dreg:$0x1]  }
0x3: {  	s2 =	rddreg [dreg:$0x2]  }
0x4: {  	s3 =	srdreg.scid;
	s4 =	simm.s32 $0x0;
	s11 =	stileid.u32  }
0x5: {  	s18 =	simm.s32 $0x8200;
	s19 =	simm.s32 $0x5;
	s20 =	simm.s32 $0x100  }
0x6: {  	s21 =	simm.s32 $0x80;
	s22 =	simm.s32 $0x200;
	s28 =	simm.s32 $0x3  }
0x7: {  	s29 =	simm.s32 $0x180;
	s30 =	simm.s32 $0x0;
	s7 =	smul.u32 $0x13C00, s11  }
0x8: {  	s3 =	sand.u32 $0x1, s3;
	[smem:$0x7FF] =	sst s4;
	s8 =	smul.u32 $0x4F000, s11  }
0x9: {  	s5 =	sadd.s32 $0x3200, s0;
	s23 =	sshll.u32 s11, $0x1;
	s6 =	smul.u32 $0x13C000, s3  }
0xa: {  	s11 =	smul.u32 $0x9E00, s11;
	_ =	strace $0x8000004D;
	s9 =	ssub.s32 $0x2, s3  }
0xb: {  	s10 =	sshrl.u32 s9, $0x1;
	s24 =	sshrl.u32 s8, $0x2;
	s6 =	sadd.s32 s7, s6  }
0xc: {  	s7 =	sor.u32 s3, s23;
	s3 =	smul.u32 $0x4F00, s3;
	s12 =	ssub.s32 s9, s10  }
0xd: {  	s23 =	simm.s32 $0x1;
	s6 =	sshrl.u32 s6, $0x3;
	s7 =	smul.u32 $0x4F00, s7  }
0xe: {  	s0 =	sadd.s32 s6, s0;
	s6 =	sadd.s32 s24, s2;
	s31 =	sadd.s32 s3, s11  }
0xf: {  	s11 =	smax.u32 s12, $0x1;
	s24 =	simm.s32 $0x4;
	s25 =	sshrl.u32 s7, $0x3  }
0x10: {  	s26 =	sadd.s32 $0x10000, s6;
	s10 =	sadd.s32 $0x2AA00, s0;
	s12 =	sadd.s32 $0x4000, s6  }
0x11: {  	s3 =	sadd.s32 $0x300, s31;
	s13 =	sadd.s32 $0x8000, s6;
	s14 =	sadd.s32 $0xC000, s6  }
0x12: {  	s16 =	sadd.s32 $0x200, s31;
	[dreg:$0x4] =	wrdreg s26;
	s8 =	sadd.s32 s1, s25  }
0x13: {  	s3 =	sshrl.u32 s3, $0x3;
	s25 =	simm.s32 $0x4200;
	s26 =	simm.s32 $0x2  }
0x14: {  	v0 =	vimm.f32 $0.0e+00;
	s9 =	sadd.s32 $0x20, s8;
	s15 =	sadd.s32 $0x9C0, s8;
	s17 =	sadd.s32 s3, s1  }
.LBB2_1:
0x15: {  	s0 =	simm.s32 $0x0;
	s31 =	simm.s32 $0x200  }
.LBB2_2:
0x16: {  	p0 =	sne.s32 s31, $0xFE00;
	[tilespmem:s0+$0x8270] =	vst v0  }
0x17: {  	[tilespmem:s0+$0x8200] =	vst v0  }
0x18: {  	[tilespmem:s0+$0x8210] =	vst v0  }
.Ltmp0:
0x19: {  	[tilespmem:s0+$0x8220] =	vst v0;
	(pc) =	sbr.rel @p0 .LBB2_2-.Ltmp0, $4  }
0x1a: {  	[tilespmem:s0+$0x8230] =	vst v0  }
0x1b: {  	[tilespmem:s0+$0x8240] =	vst v0  }
0x1c: {  	[tilespmem:s0+$0x8250] =	vst v0  }
0x1d: {  	[tilespmem:s0+$0x8260] =	vst v0;
	s0 =	sshra.s32 s31, $0x2;
	s31 =	sadd.s32 $0x200, s31  }
0x1e: {  	[tilespmem:s0+$0x8270] =	vst v0  }
0x1f: {  	[tilespmem:s0+$0x8200] =	vst v0  }
0x20: {  	[tilespmem:s0+$0x8210] =	vst v0  }
0x21: {  	[tilespmem:s0+$0x8220] =	vst v0  }
0x22: {  	[tilespmem:s0+$0x8230] =	vst v0  }
0x23: {  	[tilespmem:s0+$0x8240] =	vst v0  }
0x24: {  	[tilespmem:s0+$0x8250] =	vst v0  }
0x25: {  	[tilespmem:s0+$0x8260] =	vst v0  }
0x26: {  	[spmem:s6] =	stream.linear.scatter [tilespmem:s18], [sflag:$0x5], $0x4000, $0x38;
	[tilespmem:$0x1FE00] =	vst v63  }
0x27: {  	_ =	swait.ge [sflag:s19], $0x4000  }
0x28: {  	[sflag:s19] =	ssyncset.done $0x0  }
0x29: {  	[sflag:s19] =	ssyncadd.s32 $0xFFFFC000  }
0x2a: {  	[spmem:s12] =	stream.linear.scatter [tilespmem:s18], [sflag:$0x5], $0x4000, $0x38;
	[tilespmem:$0x1FE00] =	vst v63  }
0x2b: {  	_ =	swait.ge [sflag:s19], $0x4000  }
0x2c: {  	[sflag:s19] =	ssyncset.done $0x0  }
0x2d: {  	[sflag:s19] =	ssyncadd.s32 $0xFFFFC000  }
0x2e: {  	[spmem:s13] =	stream.linear.scatter [tilespmem:s18], [sflag:$0x5], $0x4000, $0x38;
	[tilespmem:$0x1FE00] =	vst v63  }
0x2f: {  	_ =	swait.ge [sflag:s19], $0x4000  }
0x30: {  	[sflag:s19] =	ssyncset.done $0x0  }
0x31: {  	[sflag:s19] =	ssyncadd.s32 $0xFFFFC000  }
0x32: {  	[spmem:s14] =	stream.linear.scatter [tilespmem:s18], [sflag:$0x5], $0x4000, $0x38;
	[tilespmem:$0x1FE00] =	vst v63  }
0x33: {  	_ =	swait.ge [sflag:s19], $0x4000  }
0x34: {  	[sflag:s19] =	ssyncset.done $0x0  }
0x35: {  	s7 =	rddreg [dreg:$0x4];
	[sflag:s19] =	ssyncadd.s32 $0xFFFFC000  }
0x36: {  	[spmem:s7] =	stream.linear.scatter [tilespmem:s18], [sflag:$0x5], $0x3C00, $0x38;
	[tilespmem:$0x1FE00] =	vst v63  }
0x37: {  	_ =	swait.ge [sflag:s19], $0x3C00  }
0x38: {  	[sflag:s19] =	ssyncset.done $0x0  }
0x39: {  	[sflag:s19] =	ssyncadd.s32 $0xFFFFC400  }
0x3a: {  	s3 =	simm.s32 $0x0;
	[bflag:$0x0] =	sbarrier.arrive $0xFFFF  }
0x3b: {  	[tilespmem:s3], [sflag:$0x5] =	stream.linear.gather [hbm4b:s8+s3], $0x100, $0x38;
	[tilespmem:$0x1FE00] =	vst v63  }
0x3c: {  	_ =	swait.ge [sflag:s19], $0x100  }
0x3d: {  	[sflag:s19] =	ssyncset.done $0x0  }
0x3e: {  	[sflag:s19] =	ssyncadd.s32 $0xFFFFFF00  }
0x3f: {  	[tilespmem:s20], [sflag:$0x4] =	stream.linear.gather [hbm4b:s9+s3], $0x100, $0x38;
	[tilespmem:$0x1FE00] =	vst v63  }
0x40: {  	_ = 	snop  }
0x41: {  	[tilespmem:s22], [sflag:$0x1] =	stream.indirect.gather [hbm4b:s5+s21], $0x80, s3, s21, $0xb8;
	[tilespmem:$0x1FE00] =	vst v63  }
0x42: {  	_ =	swait.ge [sflag:s23], $0x4000  }
0x43: {  	[sflag:s23] =	ssyncset.done $0x0  }
0x44: {  	[sflag:s23] =	ssyncadd.s32 $0xFFFFC000  }
0x45: {  	_ =	swait.ge [sflag:s24], $0x100  }
0x46: {  	[sflag:s24] =	ssyncset.done $0x0  }
0x47: {  	[sflag:s24] =	ssyncadd.s32 $0xFFFFFF00  }
0x48: {  	[tilespmem:s25], [sflag:$0x2] =	stream.indirect.gather [hbm4b:s5+s21], $0x80, s20, s21, $0xb8;
	[tilespmem:$0x1FE00] =	vst v63  }
0x49: {  	_ = 	snop  }
0x4a: {  	[spmem:s2] =	stream.indirect.scatter.add.f32 [tilespmem:s22], [sflag:$0x5], $0x80, s21, s21, $0xb8;
	[tilespmem:$0x1FE00] =	vst v63  }
0x4b: {  	_ =	swait.ge [sflag:s19], $0x4000  }
0x4c: {  	s7 =	sshrl.u32 s16, $0x3;
	[sflag:s19] =	ssyncset.done $0x0  }
0x4d: {  	s0 =	sadd.s32 s1, s7;
	[sflag:s19] =	ssyncadd.s32 $0xFFFFC000  }
0x4e: {  	[tilespmem:s4], [sflag:$0x3] =	stream.linear.gather [hbm4b:s0+s4], $0x100, $0x38;
	[tilespmem:$0x1FE00] =	vst v63  }
0x4f: {  	_ =	swait.ge [sflag:s26], $0x4000  }
0x50: {  	[sflag:s26] =	ssyncset.done $0x0  }
0x51: {  	[sflag:s26] =	ssyncadd.s32 $0xFFFFC000  }
0x52: {  	_ =	swait.ge [sflag:s28], $0x100  }
0x53: {  	[sflag:s28] =	ssyncset.done $0x0  }
0x54: {  	[sflag:s28] =	ssyncadd.s32 $0xFFFFFF00  }
0x55: {  	[tilespmem:s22], [sflag:$0x1] =	stream.indirect.gather [hbm4b:s5+s21], $0x80, s4, s21, $0xb8;
	[tilespmem:$0x1FE00] =	vst v63  }
0x56: {  	_ = 	snop  }
0x57: {  	[spmem:s2] =	stream.indirect.scatter.add.f32 [tilespmem:s25], [sflag:$0x5], $0x80, s29, s21, $0xb8;
	[tilespmem:$0x1FE00] =	vst v63  }
0x58: {  	_ =	swait.ge [sflag:s19], $0x4000  }
0x59: {  	s31 =	simm.s32 $0x40;
	[sflag:s19] =	ssyncset.done $0x0  }
0x5a: {  	s3 =	sadd.s32 $0x0, s17;
	s0 =	sadd.s32 $0x200, s16;
	[sflag:s19] =	ssyncadd.s32 $0xFFFFC000  }
.LBB2_4:
0x5b: {  	[tilespmem:s20], [sflag:$0x4] =	stream.linear.gather [hbm4b:s3+s4], $0x100, $0x38;
	[tilespmem:$0x1FE00] =	vst v63  }
0x5c: {  	s3 =	smov.u32 s31  }
0x5d: {  	p0 =	sne.s32 s31, $0x940;
	s31 =	sadd.s32 $0x40, s31;
	_ =	swait.ge [sflag:s23], $0x4000  }
0x5e: {  	[sflag:s23] =	ssyncset.done $0x0  }
0x5f: {  	[sflag:s23] =	ssyncadd.s32 $0xFFFFC000  }
0x60: {  	_ =	swait.ge [sflag:s24], $0x100  }
0x61: {  	[sflag:s24] =	ssyncset.done $0x0  }
0x62: {  	[sflag:s24] =	ssyncadd.s32 $0xFFFFFF00  }
0x63: {  	[tilespmem:s25], [sflag:$0x2] =	stream.indirect.gather [hbm4b:s5+s21], $0x80, s20, s21, $0xb8;
	[tilespmem:$0x1FE00] =	vst v63  }
0x64: {  	_ = 	snop  }
0x65: {  	[spmem:s2] =	stream.indirect.scatter.add.f32 [tilespmem:s22], [sflag:$0x5], $0x80, s21, s21, $0xb8;
	[tilespmem:$0x1FE00] =	vst v63  }
0x66: {  	_ =	swait.ge [sflag:s19], $0x4000  }
0x67: {  	s7 =	sshrl.u32 s0, $0x3;
	[sflag:s19] =	ssyncset.done $0x0  }
0x68: {  	s7 =	sadd.s32 s1, s7;
	[sflag:s19] =	ssyncadd.s32 $0xFFFFC000  }
0x69: {  	[tilespmem:s4], [sflag:$0x3] =	stream.linear.gather [hbm4b:s7+s4], $0x100, $0x38;
	[tilespmem:$0x1FE00] =	vst v63  }
0x6a: {  	_ =	swait.ge [sflag:s26], $0x4000  }
0x6b: {  	[sflag:s26] =	ssyncset.done $0x0  }
0x6c: {  	[sflag:s26] =	ssyncadd.s32 $0xFFFFC000  }
0x6d: {  	_ =	swait.ge [sflag:s28], $0x100  }
0x6e: {  	[sflag:s28] =	ssyncset.done $0x0  }
0x6f: {  	[sflag:s28] =	ssyncadd.s32 $0xFFFFFF00  }
0x70: {  	[tilespmem:s22], [sflag:$0x1] =	stream.indirect.gather [hbm4b:s5+s21], $0x80, s4, s21, $0xb8;
	[tilespmem:$0x1FE00] =	vst v63  }
.Ltmp1:
0x71: {  	(pc) =	sbr.rel @p0 .LBB2_4-.Ltmp1, $4  }
0x72: {  	[spmem:s2] =	stream.indirect.scatter.add.f32 [tilespmem:s25], [sflag:$0x5], $0x80, s29, s21, $0xb8;
	[tilespmem:$0x1FE00] =	vst v63  }
0x73: {  	_ =	swait.ge [sflag:s19], $0x4000  }
0x74: {  	[sflag:s19] =	ssyncset.done $0x0  }
0x75: {  	s0 =	sadd.s32 $0x200, s0;
	s3 =	sadd.s32 s3, s17;
	[sflag:s19] =	ssyncadd.s32 $0xFFFFC000  }
0x76: {  	[tilespmem:s20], [sflag:$0x4] =	stream.linear.gather [hbm4b:s3+s4], $0x100, $0x38;
	[tilespmem:$0x1FE00] =	vst v63  }
0x77: {  	_ =	swait.ge [sflag:s23], $0x4000  }
0x78: {  	[sflag:s23] =	ssyncset.done $0x0  }
0x79: {  	[sflag:s23] =	ssyncadd.s32 $0xFFFFC000  }
0x7a: {  	_ =	swait.ge [sflag:s24], $0x100  }
0x7b: {  	[sflag:s24] =	ssyncset.done $0x0  }
0x7c: {  	[sflag:s24] =	ssyncadd.s32 $0xFFFFFF00  }
0x7d: {  	[tilespmem:s25], [sflag:$0x2] =	stream.indirect.gather [hbm4b:s5+s21], $0x80, s20, s21, $0xb8;
	[tilespmem:$0x1FE00] =	vst v63  }
0x7e: {  	_ = 	snop  }
0x7f: {  	[spmem:s2] =	stream.indirect.scatter.add.f32 [tilespmem:s22], [sflag:$0x5], $0x80, s21, s21, $0xb8;
	[tilespmem:$0x1FE00] =	vst v63  }
0x80: {  	_ =	swait.ge [sflag:s19], $0x4000  }
0x81: {  	[sflag:s19] =	ssyncset.done $0x0  }
0x82: {  	[sflag:s19] =	ssyncadd.s32 $0xFFFFC000  }
0x83: {  	[tilespmem:s4], [sflag:$0x3] =	stream.linear.gather [hbm4b:s15+s4], $0x100, $0x38;
	[tilespmem:$0x1FE00] =	vst v63  }
0x84: {  	_ =	swait.ge [sflag:s26], $0x4000  }
0x85: {  	[sflag:s26] =	ssyncset.done $0x0  }
0x86: {  	[sflag:s26] =	ssyncadd.s32 $0xFFFFC000  }
0x87: {  	_ =	swait.ge [sflag:s28], $0x100  }
0x88: {  	[sflag:s28] =	ssyncset.done $0x0  }
0x89: {  	[sflag:s28] =	ssyncadd.s32 $0xFFFFFF00  }
0x8a: {  	[tilespmem:s22], [sflag:$0x1] =	stream.indirect.gather [hbm4b:s5+s21], $0x80, s4, s21, $0xb8;
	[tilespmem:$0x1FE00] =	vst v63  }
0x8b: {  	_ = 	snop  }
0x8c: {  	[spmem:s2] =	stream.indirect.scatter.add.f32 [tilespmem:s25], [sflag:$0x5], $0x80, s29, s21, $0xb8;
	[tilespmem:$0x1FE00] =	vst v63  }
0x8d: {  	_ =	swait.ge [sflag:s19], $0x4000  }
0x8e: {  	[sflag:s19] =	ssyncset.done $0x0  }
0x8f: {  	[sflag:s19] =	ssyncadd.s32 $0xFFFFC000  }
0x90: {  	[tilespmem:s20], [sflag:$0x4] =	stream.linear.gather [hbm4b:s15+s4], $0x100, $0x38;
	[tilespmem:$0x1FE00] =	vst v63  }
0x91: {  	_ =	swait.ge [sflag:s23], $0x4000  }
0x92: {  	[sflag:s23] =	ssyncset.done $0x0  }
0x93: {  	[sflag:s23] =	ssyncadd.s32 $0xFFFFC000  }
0x94: {  	[spmem:s2] =	stream.indirect.scatter.add.f32 [tilespmem:s22], [sflag:$0x5], $0x80, s21, s21, $0xb8;
	[tilespmem:$0x1FE00] =	vst v63  }
0x95: {  	_ =	swait.ge [sflag:s19], $0x4000  }
0x96: {  	[sflag:s19] =	ssyncset.done $0x0  }
0x97: {  	[sflag:s19] =	ssyncadd.s32 $0xFFFFC000  }
0x98: {  	s0 =	stileid.u32;
	_ =	swait.ge [sflag:s24], $0x100  }
0x99: {  	s31 =	sshrl.u32 s6, $0x3;
	s30 =	sadd.s32 $0x1, s30;
	[sflag:s24] =	ssyncset.done $0x0  }
0x9a: {  	s0 =	sshll.u32 s0, $0x6;
	p0 =	sne.s32 s30, s11;
	[sflag:s24] =	ssyncadd.s32 $0xFFFFFF00  }
.Ltmp2:
0x9b: {  	s0 =	sor.u32 $0x1C05, s0;
	[bflag:$0x0] =	sbarrier.arrive $0xFFFF;
	(pc) =	sbr.rel @p0 .LBB2_1-.Ltmp2, $4  }
0x9c: {  	[hbm:s10], [sflag:s0] =	dma.local [spmem:s31], $0x2780  }
0x9d: {  	_ =	swait.ge [sflag:s19], $0x2780  }
0x9e: {  	[sflag:s19] =	ssyncset.done $0x0  }
0x9f: {  	[sflag:s19] =	ssyncadd.s32 $0xFFFFD880  }
0xa0: {  	_ =	sfence.sel $0x180000  }
0xa1: {  	[bflag:$0x0] =	sbarrier.arrive $0xFFFF  }
0xa2: {  	_ =	strace $0x9000004D  }
0xa3: {  	s0 =	stileid.u32;
	[bflag:$0x2] =	sbarrier.arrive $0xFFFF  }
0xa4: {  	p0 =	sne.s32 s0, $0x0;
	s0 =	rddreg [dreg:$0x3]  }
0xa5: {  	s0 =	sadd.s32 @!p0 $0x100000, s0  }
0xa6: {  	[sflag:s0] =	ssyncadd.tile.s32 @!p0 $0x1;
	_ =	shalt  }
.Lfunc_end2:
_tile_overlayer_lowered:
.L_overlay_start_2:
0xa7: {  	(tag) =	ssettag $0x2  }
0xa8: {  	s0 =	rddreg [dreg:$0x0];
	s2 =	stileid.u32  }
0xa9: {  	s1 =	rddreg [dreg:$0x1];
	p0 =	sne.s32 s2, $0x0  }
0xaa: {  	s3 =	rddreg [dreg:$0x2];
	[bflag:$0x3] =	sbarrier.arrive $0xFFFF;
	s2 =	simm.s32 @!p0 $0x1C05  }
0xab: {  	[timem:s3], [sflag:s2] =	dma.local @!p0 [hbm:s0], s1  }
0xac: {  	s0 =	simm.s32 @!p0 $0x5  }
0xad: {  	_ =	swait.ge @!p0 [sflag:s0], s1  }
0xae: {  	s1 =	ssub.s32 @!p0 $0x0, s1;
	[sflag:s0] =	ssyncset.done @!p0 $0x0  }
0xaf: {  	[sflag:s0] =	ssyncadd.s32 @!p0 s1  }
0xb0: {  	[bflag:$0x3] =	sbarrier.arrive $0xFFFF  }
0xb1: {  	_ =	shalt  }

// kernel: kernel.19.cloned.1.call-start
scs
__scs_entry_jumppad:
0x0: {  	(pc) =	sbr.rel $0x88, $3  }
0x1: {  	(tag) =	ssettag $0x0;
	lr =	simm.s32 $0x1  }
0x2: {  	[smem:$0x3F99] =	sst lr;
	_ =	strace $0xD0000000  }
0x3: {  	_ = 	snop  }
0x4: {  	_ = 	snop  }
0x5: {  	_ = 	snop  }
0x6: {  	_ = 	snop  }
0x7: {  	_ = 	snop  }
__scs_overlays_trampoline_lowered:
0x8: {  	[smem:$0x3FA8] =	sst s0  }
0x9: {  	[smem:$0x3FA9] =	sst s1  }
0xa: {  	[smem:$0x3FAA] =	sst s2  }
0xb: {  	[smem:$0x3FAB] =	sst s3  }
0xc: {  	[smem:$0x3FAC] =	sst s4  }
0xd: {  	[smem:$0x3FAD] =	sst s5  }
0xe: {  	[smem:$0x3FAE] =	sst s6  }
0xf: {  	[smem:$0x3FAF] =	sst s7  }
0x10: {  	[smem:$0x3FB0] =	sst s8  }
0x11: {  	[smem:$0x3FB1] =	sst s9;
	s0 =	simm.s32 @!p0 $0x0  }
0x12: {  	s1 =	sld [smem:$0x3F97];
	s0 =	simm.s32 @p0 $0x1  }
0x13: {  	[smem:$0x3FB2] =	sst s0;
	s0 =	simm.s32 @!p1 $0x0  }
0x14: {  	s2 =	sld [smem:$0x3F96];
	s0 =	simm.s32 @p1 $0x1  }
0x15: {  	[smem:$0x3FB3] =	sst s0;
	s0 =	simm.s32 @!p2 $0x0  }
0x16: {  	s3 =	sld [smem:$0x3FDB];
	s0 =	simm.s32 @p2 $0x1  }
0x17: {  	s4 =	simm.s32 $0x1BF5;
	[smem:$0x3FB5] =	sst s0  }
0x18: {  	s0 =	sld [smem:$0x3F98];
	_ =	swait.ge [sflag:s4], $0x0  }
0x19: {  	s7 =	sld [smem:$0x3F99]  }
0x1a: {  	s8 =	sadd.s32 $0xFFFFE003, lr  }
0x1b: {  	s9 =	sadd.s32 $0xFFFFFEF7, lr;
	s5 =	simm.s32 $0xFFFFFFFF;
	p2 =	slt.u32 s8, $0xFFFFF086  }
0x1c: {  	p1 =	slt.u32 s9, $0xF7A;
	s5 =	simm.s32 @!p2 $0x0  }
0x1d: {  	s5 =	simm.s32 @p1 $0x1;
	p0 =	seq.s32 s7, s2  }
0x1e: {  	s7 =	smul.u32 @!p0 $0xF7A, s2;
	p2 =	seq.s32 @!p0 s5, $0x0  }
0x1f: {  	s9 =	smul.u32 $0xF7A, s1;
	s8 =	simm.s32 @!p0 $0x1BF5;
	p2 =	por !p2, p0  }
0x20: {  	[sflag:s8] =	ssyncset.s32 @!p0 $0xFFFFF086;
	s6 =	sadd.s32 @!p0 s3, s7;
	s7 =	simm.s32 @!p0 $0x108  }
0x21: {  	s3 =	sadd.s32 s3, s9;
	s6 =	sadd.s32 @!p0 $0x88, s6;
	s7 =	simm.s32 @p2 $0x1082  }
0x22: {  	[simem:s7], [sflag:s8] =	dma.local @!p0 [hbm:s6], $0xF7A  }
0x23: {  	s9 =	sor.u32 $0xD0000000, s2;
	s6 =	simm.s32 $0x108;
	_ =	swait.ge @!p0 [sflag:s8], $0x0  }
0x24: {  	s3 =	sadd.s32 $0x88, s3;
	s6 =	simm.s32 @!p1 $0x1082;
	[sflag:s4] =	ssyncset.s32 $0xFFFFF086  }
0x25: {  	[simem:s6], [sflag:s4] =	dma.local [hbm:s3], $0xF7A  }
0x26: {  	[smem:$0x3F99] =	sst s1;
	(tag) =	ssettag s2;
	_ =	strace s9  }
0x27: {  	s1 =	sld [smem:$0x3FA9]  }
0x28: {  	s2 =	sld [smem:$0x3FAA]  }
0x29: {  	s4 =	sld [smem:$0x3FAC]  }
0x2a: {  	p0 =	seq.s32 s5, $0x0;
	s5 =	sld [smem:$0x3FAD]  }
0x2b: {  	s6 =	sld [smem:$0x3FAE]  }
0x2c: {  	s7 =	sld [smem:$0x3FAF]  }
0x2d: {  	s3 =	simm.s32 $0x108;
	s8 =	sld [smem:$0x3FB0]  }
0x2e: {  	s3 =	simm.s32 @!p0 $0x1082;
	s9 =	sld [smem:$0x3FB1]  }
0x2f: {  	lr =	sadd.s32 s0, s3;
	s0 =	sld [smem:$0x3FA8]  }
0x30: {  	s3 =	sld [smem:$0x3FAB]  }
0x31: {  	[smem:$0x3FB4] =	sst s10  }
0x32: {  	s10 =	sld [smem:$0x3FB2];
	_ =	sdelay $0x3  }
0x33: {  	p0 =	seq.s32 s10, $0x1;
	s10 =	sld [smem:$0x3FB4];
	_ =	sdelay $0x3  }
0x34: {  	[smem:$0x3FB4] =	sst s10  }
0x35: {  	s10 =	sld [smem:$0x3FB3];
	_ =	sdelay $0x3  }
0x36: {  	p1 =	seq.s32 s10, $0x1;
	s10 =	sld [smem:$0x3FB4];
	_ =	sdelay $0x3  }
0x37: {  	[smem:$0x3FB4] =	sst s10  }
0x38: {  	s10 =	sld [smem:$0x3FB5]  }
0x39: {  	_ = 	snop;
	(pc) =	sbr.ind lr, $3  }
0x3a: {  	_ = 	snop  }
0x3b: {  	_ = 	snop  }
0x3c: {  	p2 =	seq.s32 s10, $0x1;
	s10 =	sld [smem:$0x3FB4]  }
0x3d: {  	_ =	shalt  }
0x3e: {  	_ =	shalt  }
0x3f: {  	_ =	shalt  }
0x40: {  	_ =	shalt  }
0x41: {  	_ =	shalt  }
0x42: {  	_ =	shalt  }
0x43: {  	_ =	shalt  }
0x44: {  	_ =	shalt  }
0x45: {  	_ =	shalt  }
0x46: {  	_ =	shalt  }
0x47: {  	_ =	shalt  }
0x48: {  	_ =	shalt  }
0x49: {  	_ =	shalt  }
0x4a: {  	_ =	shalt  }
0x4b: {  	_ =	shalt  }
0x4c: {  	_ =	shalt  }
0x4d: {  	_ =	shalt  }
0x4e: {  	_ =	shalt  }
0x4f: {  	_ =	shalt  }
0x50: {  	_ =	shalt  }
0x51: {  	_ =	shalt  }
0x52: {  	_ =	shalt  }
0x53: {  	_ =	shalt  }
0x54: {  	_ =	shalt  }
0x55: {  	_ =	shalt  }
0x56: {  	_ =	shalt  }
0x57: {  	_ =	shalt  }
0x58: {  	_ =	shalt  }
0x59: {  	_ =	shalt  }
0x5a: {  	_ =	shalt  }
0x5b: {  	_ =	shalt  }
0x5c: {  	_ =	shalt  }
0x5d: {  	_ =	shalt  }
0x5e: {  	_ =	shalt  }
0x5f: {  	_ =	shalt  }
0x60: {  	_ =	shalt  }
0x61: {  	_ =	shalt  }
0x62: {  	_ =	shalt  }
0x63: {  	_ =	shalt  }
0x64: {  	_ =	shalt  }
0x65: {  	_ =	shalt  }
0x66: {  	_ =	shalt  }
0x67: {  	_ =	shalt  }
0x68: {  	_ =	shalt  }
0x69: {  	_ =	shalt  }
0x6a: {  	_ =	shalt  }
0x6b: {  	_ =	shalt  }
0x6c: {  	_ =	shalt  }
0x6d: {  	_ =	shalt  }
0x6e: {  	_ =	shalt  }
0x6f: {  	_ =	shalt  }
0x70: {  	_ =	shalt  }
0x71: {  	_ =	shalt  }
0x72: {  	_ =	shalt  }
0x73: {  	_ =	shalt  }
0x74: {  	_ =	shalt  }
0x75: {  	_ =	shalt  }
0x76: {  	_ =	shalt  }
0x77: {  	_ =	shalt  }
0x78: {  	_ =	shalt  }
0x79: {  	_ =	shalt  }
0x7a: {  	_ =	shalt  }
0x7b: {  	_ =	shalt  }
0x7c: {  	_ =	shalt  }
0x7d: {  	_ =	shalt  }
0x7e: {  	_ =	shalt  }
0x7f: {  	_ =	shalt  }
0x80: {  	_ =	shalt  }
0x81: {  	_ =	shalt  }
0x82: {  	_ =	shalt  }
0x83: {  	_ =	shalt  }
0x84: {  	_ =	shalt  }
0x85: {  	_ =	shalt  }
0x86: {  	_ =	shalt  }
0x87: {  	_ =	shalt  }
.Lfunc_end0:
.L_simem_size_0:
called_computation.3_lowered:
.L_overlay_start_0:
0x88: {  	s2 =	sld [smem:$0x3FD9]  }
0x89: {  	s3 =	sld [smem:$0x3FFE];
	_ =	sdelay $0x1  }
0x8a: {  	s1 =	srdreg.scid  }
0x8b: {  	s0 =	sand.u32 $0x1, s1  }
0x8c: {  	s17 =	sshll.u32 s0, $0xA;
	s2 =	sadd.s32 s3, s2  }
0x8d: {  	s2 =	sadd.s32 s2, s17  }
0x8e: {  	[smem:$0x3FC0] =	sst s2  }
0x8f: {  	_ = 	snop  }
0x90: {  	s2 =	sld [smem:$0x3FD0];
	(tm) =	ssettm $0x1  }
0x91: {  	s18 =	sld [smem:$0x3FFB];
	_ =	sdelay $0x3  }
0x92: {  	_ =	strace s18  }
0x93: {  	s3 =	sld [smem:$0x3FFC];
	_ =	sdelay $0x3  }
0x94: {  	_ =	strace s3  }
0x95: {  	s3 =	sld [smem:$0x3FFD];
	_ =	sdelay $0x3  }
0x96: {  	_ =	strace s3  }
0x97: {  	_ =	strace $0x8FFFFFFF  }
0x98: {  	s19 =	sld [smem:$0x3FDB];
	_ =	sdelay $0x1  }
0x99: {  	s4 =	simm.s32 $_scs_section_size  }
0x9a: {  	s5 =	simm.s32 $_size__tile_overlayer_lowered;
	s6 =	simm.s32 $_tile_overlayer_lowered  }
0x9b: {  	s22 =	simm.s32 $0x1BFF;
	s21 =	sshll.u32 s6, $0x1;
	s3 =	sadd.s32 s4, s19  }
0x9c: {  	s7 =	simm.s32 $0x0;
	s20 =	sshll.u32 s5, $0x1;
	s5 =	sadd.s32 s21, s3  }
0x9d: {  	[timem:s7], [sflag:s22] =	dma.local [hbm:s5], s20  }
0x9e: {  	_ =	swait.ge [sflag:s22], s20  }
0x9f: {  	s4 =	ssub.s32 $0x0, s20;
	[sflag:s22] =	ssyncset.done $0x0  }
0xa0: {  	[sflag:s22] =	ssyncadd.s32 s4;
	_ =	sdelay $0x1  }
0xa1: {  	s23 =	simm.s32 $0x1B8B  }
0xa2: {  	_ =	swait.ge [sflag:s23], $0x1  }
0xa3: {  	[sflag:s23] =	ssyncset.done $0x0  }
0xa4: {  	s25 =	simm.s32 $0x1B8E;
	s24 =	sld [smem:$0x3FFE];
	[sflag:s23] =	ssyncadd.s32 $0xFFFFFFFF  }
0xa5: {  	s26 =	simm.s32 $execute0_lowered;
	[smem:$0x3FD2] =	sst s25  }
0xa6: {  	s5 =	sshll.u32 s26, $0x1;
	_ =	strace $0x8000004F;
	[dreg:$0x1] =	wrdreg $0xFFFFFFFF  }
0xa7: {  	s28 =	simm.s32 $_size_execute0_lowered;
	s3 =	sadd.s32 s3, s5;
	[dreg:$0x0] =	wrdreg $0x0  }
0xa8: {  	s5 =	sshll.u32 s28, $0x1;
	[dreg:$0x2] =	wrdreg s3  }
0xa9: {  	[dreg:$0x3] =	wrdreg s5  }
0xaa: {  	[dreg:$0x4] =	wrdreg $0xC0  }
0xab: {  	_ =	task [dreg:s7], $0x5FFFF  }
0xac: {  	[dreg:$0x1] =	wrdreg $0xFFFFFFFF  }
0xad: {  	[dreg:$0x0] =	wrdreg $0x60  }
0xae: {  	[dreg:$0x2] =	wrdreg s2  }
0xaf: {  	[dreg:$0x3] =	wrdreg s24  }
0xb0: {  	[dreg:$0x4] =	wrdreg $0xC2000  }
0xb1: {  	[dreg:$0x5] =	wrdreg $0x9  }
0xb2: {  	_ =	task.clear_ibuf [dreg:s7], $0x6FFFF;
	_ =	strace $0x9000004F  }
0xb3: {  	s29 =	simm.s32 $0x9;
	_ =	strace $0x80000051  }
0xb4: {  	_ =	swait.ge [sflag:s29], $0x1  }
0xb5: {  	[sflag:s29] =	ssyncadd.s32 $0xFFFFFFFF  }
0xb6: {  	_ =	strace $0x90000051  }
0xb7: {  	_ =	sfence  }
0xb8: {  	s30 =	sld [smem:$0x0];
	_ =	sdelay $0x2  }
0xb9: {  	s31 =	sshll.u32 s1, $0xD;
	s1 =	sshrl.u32 s1, $0x2  }
0xba: {  	s3 =	sand.u32 $0x4000, s31;
	s1 =	sadd.s32 s1, s30  }
0xbb: {  	s0 =	sor.u32 s3, s0;
	s1 =	sshll.u32 s1, $0x11  }
0xbc: {  	s0 =	sor.u32 s1, s0  }
0xbd: {  	s0 =	sadd.s32 $0x8F2B, s0  }
0xbe: {  	[sflag:s0] =	ssyncadd.remote.s32 $0x1  }
0xbf: {  	_ =	sfence.sel $0xFFFF  }
0xc0: {  	[dreg:$0x0] =	wrdreg $0xFFFFFFFF;
	(pc) =	sbr.abs _section_cstart, $3  }
0xc1: {  	[dreg:$0x1] =	wrdreg $0xFFFFFFFF  }
0xc2: {  	_ =	task.clear_ibuf [dreg:s7], $0x2FFFF;
	_ =	strace $0x9FFFFFFF  }
0xc3: {  	(tm) =	ssettm $0x7FFFFFFF  }
tec
execute0_lowered:
.L_overlay_start_1:
0x0: {  	(tag) =	ssettag $0x1  }
0x1: {  	s1 =	rddreg [dreg:$0x0]  }
0x2: {  	s0 =	rddreg [dreg:$0x1]  }
0x3: {  	s2 =	rddreg [dreg:$0x2]  }
0x4: {  	s3 =	srdreg.scid;
	s4 =	simm.s32 $0x0;
	s11 =	stileid.u32  }
0x5: {  	s18 =	simm.s32 $0x8200;
	s19 =	simm.s32 $0x5;
	s20 =	simm.s32 $0x100  }
0x6: {  	s21 =	simm.s32 $0x80;
	s22 =	simm.s32 $0x200;
	s28 =	simm.s32 $0x3  }
0x7: {  	s29 =	simm.s32 $0x180;
	s30 =	simm.s32 $0x0;
	s7 =	smul.u32 $0x13C00, s11  }
0x8: {  	s3 =	sand.u32 $0x1, s3;
	[smem:$0x7FF] =	sst s4;
	s8 =	smul.u32 $0x4F000, s11  }
0x9: {  	s5 =	sadd.s32 $0x3200, s0;
	s23 =	sshll.u32 s11, $0x1;
	s6 =	smul.u32 $0x13C000, s3  }
0xa: {  	s11 =	smul.u32 $0x9E00, s11;
	_ =	strace $0x80000050;
	s9 =	ssub.s32 $0x2, s3  }
0xb: {  	s10 =	sshrl.u32 s9, $0x1;
	s24 =	sshrl.u32 s8, $0x2;
	s6 =	sadd.s32 s7, s6  }
0xc: {  	s7 =	sor.u32 s3, s23;
	s3 =	smul.u32 $0x4F00, s3;
	s12 =	ssub.s32 s9, s10  }
0xd: {  	s23 =	simm.s32 $0x1;
	s6 =	sshrl.u32 s6, $0x3;
	s7 =	smul.u32 $0x4F00, s7  }
0xe: {  	s0 =	sadd.s32 s6, s0;
	s6 =	sadd.s32 s24, s2;
	s31 =	sadd.s32 s3, s11  }
0xf: {  	s11 =	smax.u32 s12, $0x1;
	s24 =	simm.s32 $0x4;
	s25 =	sshrl.u32 s7, $0x3  }
0x10: {  	s26 =	sadd.s32 $0x10000, s6;
	s10 =	sadd.s32 $0x2AA00, s0;
	s12 =	sadd.s32 $0x4000, s6  }
0x11: {  	s3 =	sadd.s32 $0x300, s31;
	s13 =	sadd.s32 $0x8000, s6;
	s14 =	sadd.s32 $0xC000, s6  }
0x12: {  	s16 =	sadd.s32 $0x200, s31;
	[dreg:$0x4] =	wrdreg s26;
	s8 =	sadd.s32 s1, s25  }
0x13: {  	s3 =	sshrl.u32 s3, $0x3;
	s25 =	simm.s32 $0x4200;
	s26 =	simm.s32 $0x2  }
0x14: {  	v0 =	vimm.f32 $0.0e+00;
	s9 =	sadd.s32 $0x20, s8;
	s15 =	sadd.s32 $0x9C0, s8;
	s17 =	sadd.s32 s3, s1  }
.LBB2_1:
0x15: {  	s0 =	simm.s32 $0x0;
	s31 =	simm.s32 $0x200  }
.LBB2_2:
0x16: {  	p0 =	sne.s32 s31, $0xFE00;
	[tilespmem:s0+$0x8270] =	vst v0  }
0x17: {  	[tilespmem:s0+$0x8200] =	vst v0  }
0x18: {  	[tilespmem:s0+$0x8210] =	vst v0  }
.Ltmp0:
0x19: {  	[tilespmem:s0+$0x8220] =	vst v0;
	(pc) =	sbr.rel @p0 .LBB2_2-.Ltmp0, $4  }
0x1a: {  	[tilespmem:s0+$0x8230] =	vst v0  }
0x1b: {  	[tilespmem:s0+$0x8240] =	vst v0  }
0x1c: {  	[tilespmem:s0+$0x8250] =	vst v0  }
0x1d: {  	[tilespmem:s0+$0x8260] =	vst v0;
	s0 =	sshra.s32 s31, $0x2;
	s31 =	sadd.s32 $0x200, s31  }
0x1e: {  	[tilespmem:s0+$0x8270] =	vst v0  }
0x1f: {  	[tilespmem:s0+$0x8200] =	vst v0  }
0x20: {  	[tilespmem:s0+$0x8210] =	vst v0  }
0x21: {  	[tilespmem:s0+$0x8220] =	vst v0  }
0x22: {  	[tilespmem:s0+$0x8230] =	vst v0  }
0x23: {  	[tilespmem:s0+$0x8240] =	vst v0  }
0x24: {  	[tilespmem:s0+$0x8250] =	vst v0  }
0x25: {  	[tilespmem:s0+$0x8260] =	vst v0  }
0x26: {  	[spmem:s6] =	stream.linear.scatter [tilespmem:s18], [sflag:$0x5], $0x4000, $0x38;
	[tilespmem:$0x1FE00] =	vst v63  }
0x27: {  	_ =	swait.ge [sflag:s19], $0x4000  }
0x28: {  	[sflag:s19] =	ssyncset.done $0x0  }
0x29: {  	[sflag:s19] =	ssyncadd.s32 $0xFFFFC000  }
0x2a: {  	[spmem:s12] =	stream.linear.scatter [tilespmem:s18], [sflag:$0x5], $0x4000, $0x38;
	[tilespmem:$0x1FE00] =	vst v63  }
0x2b: {  	_ =	swait.ge [sflag:s19], $0x4000  }
0x2c: {  	[sflag:s19] =	ssyncset.done $0x0  }
0x2d: {  	[sflag:s19] =	ssyncadd.s32 $0xFFFFC000  }
0x2e: {  	[spmem:s13] =	stream.linear.scatter [tilespmem:s18], [sflag:$0x5], $0x4000, $0x38;
	[tilespmem:$0x1FE00] =	vst v63  }
0x2f: {  	_ =	swait.ge [sflag:s19], $0x4000  }
0x30: {  	[sflag:s19] =	ssyncset.done $0x0  }
0x31: {  	[sflag:s19] =	ssyncadd.s32 $0xFFFFC000  }
0x32: {  	[spmem:s14] =	stream.linear.scatter [tilespmem:s18], [sflag:$0x5], $0x4000, $0x38;
	[tilespmem:$0x1FE00] =	vst v63  }
0x33: {  	_ =	swait.ge [sflag:s19], $0x4000  }
0x34: {  	[sflag:s19] =	ssyncset.done $0x0  }
0x35: {  	s7 =	rddreg [dreg:$0x4];
	[sflag:s19] =	ssyncadd.s32 $0xFFFFC000  }
0x36: {  	[spmem:s7] =	stream.linear.scatter [tilespmem:s18], [sflag:$0x5], $0x3C00, $0x38;
	[tilespmem:$0x1FE00] =	vst v63  }
0x37: {  	_ =	swait.ge [sflag:s19], $0x3C00  }
0x38: {  	[sflag:s19] =	ssyncset.done $0x0  }
0x39: {  	[sflag:s19] =	ssyncadd.s32 $0xFFFFC400  }
0x3a: {  	s3 =	simm.s32 $0x0;
	[bflag:$0x0] =	sbarrier.arrive $0xFFFF  }
0x3b: {  	[tilespmem:s3], [sflag:$0x5] =	stream.linear.gather [hbm4b:s8+s3], $0x100, $0x38;
	[tilespmem:$0x1FE00] =	vst v63  }
0x3c: {  	_ =	swait.ge [sflag:s19], $0x100  }
0x3d: {  	[sflag:s19] =	ssyncset.done $0x0  }
0x3e: {  	[sflag:s19] =	ssyncadd.s32 $0xFFFFFF00  }
0x3f: {  	[tilespmem:s20], [sflag:$0x4] =	stream.linear.gather [hbm4b:s9+s3], $0x100, $0x38;
	[tilespmem:$0x1FE00] =	vst v63  }
0x40: {  	_ = 	snop  }
0x41: {  	[tilespmem:s22], [sflag:$0x1] =	stream.indirect.gather [hbm4b:s5+s21], $0x80, s3, s21, $0xb8;
	[tilespmem:$0x1FE00] =	vst v63  }
0x42: {  	_ =	swait.ge [sflag:s23], $0x4000  }
0x43: {  	[sflag:s23] =	ssyncset.done $0x0  }
0x44: {  	[sflag:s23] =	ssyncadd.s32 $0xFFFFC000  }
0x45: {  	_ =	swait.ge [sflag:s24], $0x100  }
0x46: {  	[sflag:s24] =	ssyncset.done $0x0  }
0x47: {  	[sflag:s24] =	ssyncadd.s32 $0xFFFFFF00  }
0x48: {  	[tilespmem:s25], [sflag:$0x2] =	stream.indirect.gather [hbm4b:s5+s21], $0x80, s20, s21, $0xb8;
	[tilespmem:$0x1FE00] =	vst v63  }
0x49: {  	_ = 	snop  }
0x4a: {  	[spmem:s2] =	stream.indirect.scatter.add.f32 [tilespmem:s22], [sflag:$0x5], $0x80, s21, s21, $0xb8;
	[tilespmem:$0x1FE00] =	vst v63  }
0x4b: {  	_ =	swait.ge [sflag:s19], $0x4000  }
0x4c: {  	s7 =	sshrl.u32 s16, $0x3;
	[sflag:s19] =	ssyncset.done $0x0  }
0x4d: {  	s0 =	sadd.s32 s1, s7;
	[sflag:s19] =	ssyncadd.s32 $0xFFFFC000  }
0x4e: {  	[tilespmem:s4], [sflag:$0x3] =	stream.linear.gather [hbm4b:s0+s4], $0x100, $0x38;
	[tilespmem:$0x1FE00] =	vst v63  }
0x4f: {  	_ =	swait.ge [sflag:s26], $0x4000  }
0x50: {  	[sflag:s26] =	ssyncset.done $0x0  }
0x51: {  	[sflag:s26] =	ssyncadd.s32 $0xFFFFC000  }
0x52: {  	_ =	swait.ge [sflag:s28], $0x100  }
0x53: {  	[sflag:s28] =	ssyncset.done $0x0  }
0x54: {  	[sflag:s28] =	ssyncadd.s32 $0xFFFFFF00  }
0x55: {  	[tilespmem:s22], [sflag:$0x1] =	stream.indirect.gather [hbm4b:s5+s21], $0x80, s4, s21, $0xb8;
	[tilespmem:$0x1FE00] =	vst v63  }
0x56: {  	_ = 	snop  }
0x57: {  	[spmem:s2] =	stream.indirect.scatter.add.f32 [tilespmem:s25], [sflag:$0x5], $0x80, s29, s21, $0xb8;
	[tilespmem:$0x1FE00] =	vst v63  }
0x58: {  	_ =	swait.ge [sflag:s19], $0x4000  }
0x59: {  	s31 =	simm.s32 $0x40;
	[sflag:s19] =	ssyncset.done $0x0  }
0x5a: {  	s3 =	sadd.s32 $0x0, s17;
	s0 =	sadd.s32 $0x200, s16;
	[sflag:s19] =	ssyncadd.s32 $0xFFFFC000  }
.LBB2_4:
0x5b: {  	[tilespmem:s20], [sflag:$0x4] =	stream.linear.gather [hbm4b:s3+s4], $0x100, $0x38;
	[tilespmem:$0x1FE00] =	vst v63  }
0x5c: {  	s3 =	smov.u32 s31  }
0x5d: {  	p0 =	sne.s32 s31, $0x940;
	s31 =	sadd.s32 $0x40, s31;
	_ =	swait.ge [sflag:s23], $0x4000  }
0x5e: {  	[sflag:s23] =	ssyncset.done $0x0  }
0x5f: {  	[sflag:s23] =	ssyncadd.s32 $0xFFFFC000  }
0x60: {  	_ =	swait.ge [sflag:s24], $0x100  }
0x61: {  	[sflag:s24] =	ssyncset.done $0x0  }
0x62: {  	[sflag:s24] =	ssyncadd.s32 $0xFFFFFF00  }
0x63: {  	[tilespmem:s25], [sflag:$0x2] =	stream.indirect.gather [hbm4b:s5+s21], $0x80, s20, s21, $0xb8;
	[tilespmem:$0x1FE00] =	vst v63  }
0x64: {  	_ = 	snop  }
0x65: {  	[spmem:s2] =	stream.indirect.scatter.add.f32 [tilespmem:s22], [sflag:$0x5], $0x80, s21, s21, $0xb8;
	[tilespmem:$0x1FE00] =	vst v63  }
0x66: {  	_ =	swait.ge [sflag:s19], $0x4000  }
0x67: {  	s7 =	sshrl.u32 s0, $0x3;
	[sflag:s19] =	ssyncset.done $0x0  }
0x68: {  	s7 =	sadd.s32 s1, s7;
	[sflag:s19] =	ssyncadd.s32 $0xFFFFC000  }
0x69: {  	[tilespmem:s4], [sflag:$0x3] =	stream.linear.gather [hbm4b:s7+s4], $0x100, $0x38;
	[tilespmem:$0x1FE00] =	vst v63  }
0x6a: {  	_ =	swait.ge [sflag:s26], $0x4000  }
0x6b: {  	[sflag:s26] =	ssyncset.done $0x0  }
0x6c: {  	[sflag:s26] =	ssyncadd.s32 $0xFFFFC000  }
0x6d: {  	_ =	swait.ge [sflag:s28], $0x100  }
0x6e: {  	[sflag:s28] =	ssyncset.done $0x0  }
0x6f: {  	[sflag:s28] =	ssyncadd.s32 $0xFFFFFF00  }
0x70: {  	[tilespmem:s22], [sflag:$0x1] =	stream.indirect.gather [hbm4b:s5+s21], $0x80, s4, s21, $0xb8;
	[tilespmem:$0x1FE00] =	vst v63  }
.Ltmp1:
0x71: {  	(pc) =	sbr.rel @p0 .LBB2_4-.Ltmp1, $4  }
0x72: {  	[spmem:s2] =	stream.indirect.scatter.add.f32 [tilespmem:s25], [sflag:$0x5], $0x80, s29, s21, $0xb8;
	[tilespmem:$0x1FE00] =	vst v63  }
0x73: {  	_ =	swait.ge [sflag:s19], $0x4000  }
0x74: {  	[sflag:s19] =	ssyncset.done $0x0  }
0x75: {  	s0 =	sadd.s32 $0x200, s0;
	s3 =	sadd.s32 s3, s17;
	[sflag:s19] =	ssyncadd.s32 $0xFFFFC000  }
0x76: {  	[tilespmem:s20], [sflag:$0x4] =	stream.linear.gather [hbm4b:s3+s4], $0x100, $0x38;
	[tilespmem:$0x1FE00] =	vst v63  }
0x77: {  	_ =	swait.ge [sflag:s23], $0x4000  }
0x78: {  	[sflag:s23] =	ssyncset.done $0x0  }
0x79: {  	[sflag:s23] =	ssyncadd.s32 $0xFFFFC000  }
0x7a: {  	_ =	swait.ge [sflag:s24], $0x100  }
0x7b: {  	[sflag:s24] =	ssyncset.done $0x0  }
0x7c: {  	[sflag:s24] =	ssyncadd.s32 $0xFFFFFF00  }
0x7d: {  	[tilespmem:s25], [sflag:$0x2] =	stream.indirect.gather [hbm4b:s5+s21], $0x80, s20, s21, $0xb8;
	[tilespmem:$0x1FE00] =	vst v63  }
0x7e: {  	_ = 	snop  }
0x7f: {  	[spmem:s2] =	stream.indirect.scatter.add.f32 [tilespmem:s22], [sflag:$0x5], $0x80, s21, s21, $0xb8;
	[tilespmem:$0x1FE00] =	vst v63  }
0x80: {  	_ =	swait.ge [sflag:s19], $0x4000  }
0x81: {  	[sflag:s19] =	ssyncset.done $0x0  }
0x82: {  	[sflag:s19] =	ssyncadd.s32 $0xFFFFC000  }
0x83: {  	[tilespmem:s4], [sflag:$0x3] =	stream.linear.gather [hbm4b:s15+s4], $0x100, $0x38;
	[tilespmem:$0x1FE00] =	vst v63  }
0x84: {  	_ =	swait.ge [sflag:s26], $0x4000  }
0x85: {  	[sflag:s26] =	ssyncset.done $0x0  }
0x86: {  	[sflag:s26] =	ssyncadd.s32 $0xFFFFC000  }
0x87: {  	_ =	swait.ge [sflag:s28], $0x100  }
0x88: {  	[sflag:s28] =	ssyncset.done $0x0  }
0x89: {  	[sflag:s28] =	ssyncadd.s32 $0xFFFFFF00  }
0x8a: {  	[tilespmem:s22], [sflag:$0x1] =	stream.indirect.gather [hbm4b:s5+s21], $0x80, s4, s21, $0xb8;
	[tilespmem:$0x1FE00] =	vst v63  }
0x8b: {  	_ = 	snop  }
0x8c: {  	[spmem:s2] =	stream.indirect.scatter.add.f32 [tilespmem:s25], [sflag:$0x5], $0x80, s29, s21, $0xb8;
	[tilespmem:$0x1FE00] =	vst v63  }
0x8d: {  	_ =	swait.ge [sflag:s19], $0x4000  }
0x8e: {  	[sflag:s19] =	ssyncset.done $0x0  }
0x8f: {  	[sflag:s19] =	ssyncadd.s32 $0xFFFFC000  }
0x90: {  	[tilespmem:s20], [sflag:$0x4] =	stream.linear.gather [hbm4b:s15+s4], $0x100, $0x38;
	[tilespmem:$0x1FE00] =	vst v63  }
0x91: {  	_ =	swait.ge [sflag:s23], $0x4000  }
0x92: {  	[sflag:s23] =	ssyncset.done $0x0  }
0x93: {  	[sflag:s23] =	ssyncadd.s32 $0xFFFFC000  }
0x94: {  	[spmem:s2] =	stream.indirect.scatter.add.f32 [tilespmem:s22], [sflag:$0x5], $0x80, s21, s21, $0xb8;
	[tilespmem:$0x1FE00] =	vst v63  }
0x95: {  	_ =	swait.ge [sflag:s19], $0x4000  }
0x96: {  	[sflag:s19] =	ssyncset.done $0x0  }
0x97: {  	[sflag:s19] =	ssyncadd.s32 $0xFFFFC000  }
0x98: {  	s0 =	stileid.u32;
	_ =	swait.ge [sflag:s24], $0x100  }
0x99: {  	s31 =	sshrl.u32 s6, $0x3;
	s30 =	sadd.s32 $0x1, s30;
	[sflag:s24] =	ssyncset.done $0x0  }
0x9a: {  	s0 =	sshll.u32 s0, $0x6;
	p0 =	sne.s32 s30, s11;
	[sflag:s24] =	ssyncadd.s32 $0xFFFFFF00  }
.Ltmp2:
0x9b: {  	s0 =	sor.u32 $0x1C05, s0;
	[bflag:$0x0] =	sbarrier.arrive $0xFFFF;
	(pc) =	sbr.rel @p0 .LBB2_1-.Ltmp2, $4  }
0x9c: {  	[hbm:s10], [sflag:s0] =	dma.local [spmem:s31], $0x2780  }
0x9d: {  	_ =	swait.ge [sflag:s19], $0x2780  }
0x9e: {  	[sflag:s19] =	ssyncset.done $0x0  }
0x9f: {  	[sflag:s19] =	ssyncadd.s32 $0xFFFFD880  }
0xa0: {  	_ =	sfence.sel $0x180000  }
0xa1: {  	[bflag:$0x0] =	sbarrier.arrive $0xFFFF  }
0xa2: {  	_ =	strace $0x90000050  }
0xa3: {  	s0 =	stileid.u32;
	[bflag:$0x2] =	sbarrier.arrive $0xFFFF  }
0xa4: {  	p0 =	sne.s32 s0, $0x0;
	s0 =	rddreg [dreg:$0x3]  }
0xa5: {  	s0 =	sadd.s32 @!p0 $0x100000, s0  }
0xa6: {  	[sflag:s0] =	ssyncadd.tile.s32 @!p0 $0x1;
	_ =	shalt  }
.Lfunc_end2:
_tile_overlayer_lowered:
.L_overlay_start_2:
0xa7: {  	(tag) =	ssettag $0x2  }
0xa8: {  	s0 =	rddreg [dreg:$0x0];
	s2 =	stileid.u32  }
0xa9: {  	s1 =	rddreg [dreg:$0x1];
	p0 =	sne.s32 s2, $0x0  }
0xaa: {  	s3 =	rddreg [dreg:$0x2];
	[bflag:$0x3] =	sbarrier.arrive $0xFFFF;
	s2 =	simm.s32 @!p0 $0x1C05  }
0xab: {  	[timem:s3], [sflag:s2] =	dma.local @!p0 [hbm:s0], s1  }
0xac: {  	s0 =	simm.s32 @!p0 $0x5  }
0xad: {  	_ =	swait.ge @!p0 [sflag:s0], s1  }
0xae: {  	s1 =	ssub.s32 @!p0 $0x0, s1;
	[sflag:s0] =	ssyncset.done @!p0 $0x0  }
0xaf: {  	[sflag:s0] =	ssyncadd.s32 @!p0 s1  }
0xb0: {  	[bflag:$0x3] =	sbarrier.arrive $0xFFFF  }
0xb1: {  	_ =	shalt  }

</sc_bundles>
